<compile_context>
chip_gen: v7x
topology: tpu7x:2x2x1
jax: 0.10.2.dev20260603
libtpu: 0.0.44.dev20260713+nightly
codegen_flags: <defaults>
</compile_context>

<pallas_src>
import functools

import jax
import jax.numpy as jnp
from jax import lax
from jax.experimental import pallas as pl
from jax.experimental.pallas import tpu as pltpu
from jax.experimental.pallas import tpu_sc as plsc


@functools.lru_cache(maxsize=None)
def _make_gather(B, J, V, D):
    info = plsc.get_sparse_core_info()
    nw = info.num_cores * info.num_subcores
    J8 = 8
    BT, B8 = B // 128, 128
    n_su = (J // J8) * BT
    su_per_w = n_su // nw
    n_units = su_per_w * J8
    DT = D // 8
    mesh = plsc.VectorSubcoreMesh(core_axis_name="c", subcore_axis_name="s")

    @functools.partial(
        pl.kernel,
        out_type=jax.ShapeDtypeStruct((J, DT, BT, 8, B8), jnp.float32),
        mesh=mesh,
        scratch_types=[
            pltpu.VMEM((2, J8, B8), jnp.int32),
            pltpu.VMEM((2, B8, D), jnp.float32),
            pltpu.VMEM((2, DT, 8, B8 + 1), jnp.float32),
            pltpu.SemaphoreType.DMA,
            pltpu.SemaphoreType.DMA,
            pltpu.SemaphoreType.DMA,
            pltpu.SemaphoreType.DMA,
        ],
        compiler_params=pltpu.CompilerParams(
            use_tc_tiling_on_sc=False, needs_layout_passes=False),
    )
    def gather_kernel(x4d, w2d, out5d, idx_v, rows_v, tr_v, gs, ws0, ws1, xs):
        wid = lax.axis_index("s") * info.num_cores + lax.axis_index("c")
        su0 = wid * su_per_w
        lane = lax.iota(jnp.int32, 16)
        fidx = [((f0 + lane) // 8, (f0 + lane) % 8) for f0 in range(0, D, 16)]

        def idx_load(k, slot):
            su = su0 + k
            return pltpu.make_async_copy(
                x4d.at[su // BT, su % BT], idx_v.at[slot], xs)

        def gather(u):
            return pltpu.make_async_copy(
                w2d.at[idx_v.at[(u // J8) % 2, u % J8]],
                rows_v.at[u % 2], gs)

        wsem = (ws0, ws1)

        def writeback(u, p):
            su = su0 + u // J8
            j = (su // BT) * J8 + u % J8
            return pltpu.make_async_copy(
                tr_v.at[p, :, :, pl.ds(0, B8)], out5d.at[j, :, su % BT],
                wsem[p])

        def transpose_s(p):
            @plsc.parallel_loop(0, B8 // 2, unroll=8)
            def t_body(b):
                bv = lax.broadcast(b * 2, (16,))
                for i, (ftv, f8v) in enumerate(fidx):
                    for db in range(2):
                        v = rows_v[p, b * 2 + db, pl.ds(i * 16, 16)]
                        plsc.store_scatter(tr_v.at[p], [ftv, f8v, bv + db], v)

        idx_load(0, 0).start()
        idx_load(0, 0).wait()
        gather(0).start()

        def pair_body(k2, carry):
            for a in (0, 1):
                u = 2 * k2 + a
                j8 = u % J8
                k = u // J8

                @pl.when(j8 == 0)
                def _():
                    @pl.when(k < su_per_w - 1)
                    def _():
                        idx_load(k + 1, (k + 1) % 2).start()

                gather(u).wait()

                @pl.when((j8 == J8 - 1) & (u < n_units - 1))
                def _():
                    idx_load(k + 1, (k + 1) % 2).wait()

                @pl.when(u < n_units - 1)
                def _():
                    gather(u + 1).start()

                if a == 0:
                    @pl.when(k2 > 0)
                    def _():
                        writeback(u, a).wait()
                else:
                    @pl.when(k2 > 0)
                    def _():
                        writeback(u, a).wait()

                transpose_s(a)
                writeback(u, a).start()
            return carry

        lax.fori_loop(0, n_units // 2, pair_body, 0)
        writeback(n_units - 2, 0).wait()
        writeback(n_units - 1, 1).wait()

    return gather_kernel


def kernel(x, weight):
    B, J = x.shape
    V, D = weight.shape
    x4d = x.reshape(B // 128, 128, J // 8, 8).transpose(2, 0, 3, 1)
    x4d = x4d.astype(jnp.int32)
    out5d = _make_gather(B, J, V, D)(x4d, weight)
    return out5d.transpose(2, 4, 0, 1, 3).reshape(B, J, D)

# --- scband reference (transcript-rebuilt; emitter-appended) ---
"""Pipeline reference for scband-parallel-embedding-17755394801707 (READ-ONLY COPY).

The authoritative reference and input builder live on the scoring server;
editing this copy changes nothing except your own understanding.
"""

import jax, jax.numpy as jnp
import numpy as np

VOCAB_SIZE = 1000000
HIDDEN_SIZE = 64
PADDING_IDX = 1
# single device: no TP, shard covers full vocab
START_INDEX = 0
END_INDEX = VOCAB_SIZE


def setup_inputs(seed: int = 0) -> dict:
    key = jax.random.key(seed)
    k1, k2 = jax.random.split(key)
    x = jax.random.randint(k1, (16384, 200), 0, VOCAB_SIZE, dtype=jnp.int64) if jax.config.jax_enable_x64 else jax.random.randint(k1, (16384, 200), 0, VOCAB_SIZE, dtype=jnp.int32)
    weight = jax.random.normal(k2, (VOCAB_SIZE, HIDDEN_SIZE), dtype=jnp.float32)
    # padding_idx row is zeroed by the weight loader in the original module
    weight = weight.at[PADDING_IDX].set(0.0)
    return {"x": x, "weight": weight}


def reference(x, weight):
    # Vocab-parallel embedding lookup: mask indices outside this rank's shard,
    # offset into the local table, gather, and zero masked rows. With a single
    # shard covering the full vocab, this reduces to a plain gather, but we
    # keep the masked formulation faithful to the original impl.
    in_range = (x >= START_INDEX) & (x < END_INDEX)
    local_idx = jnp.where(in_range, x - START_INDEX, 0)
    out = jnp.take(weight, local_idx, axis=0)
    out = jnp.where(in_range[..., None], out, 0.0)
    # all_reduce is a no-op for tp == 1
    return out

if __name__ == "__main__":
    import jax
    _d = setup_inputs()
    print(jax.jit(kernel)(*tuple(_d.values())))

</pallas_src>

<mosaic_0001>
#map = affine_map<(d0, d1) -> (0, 0, 0, 0)>
#map1 = affine_map<(d0, d1) -> (0, 0)>
#map2 = affine_map<(d0, d1) -> (0, 0, 0, 0, 0)>
module attributes {stable_mosaic.version = 14 : i64} {
  func.func @gather_kernel(%arg0: i32, %arg1: i32, %arg2: memref<25x128x8x128xi32, #tpu.memory_space<hbm>>, %arg3: memref<1000000x64xf32, #tpu.memory_space<hbm>>, %arg4: memref<200x8x128x8x128xf32, #tpu.memory_space<hbm>>, %arg5: memref<2x8x128xi32, #tpu.memory_space<vmem>>, %arg6: memref<2x128x64xf32, #tpu.memory_space<vmem>>, %arg7: memref<2x8x8x129xf32, #tpu.memory_space<vmem>>, %arg8: memref<!tpu.dma_semaphore, #tpu.memory_space<semaphore_mem>>, %arg9: memref<!tpu.dma_semaphore, #tpu.memory_space<semaphore_mem>>, %arg10: memref<!tpu.dma_semaphore, #tpu.memory_space<semaphore_mem>>, %arg11: memref<!tpu.dma_semaphore, #tpu.memory_space<semaphore_mem>>) attributes {dimension_semantics = [#tpu.dimension_semantics<core_parallel>, #tpu.dimension_semantics<subcore_parallel>], iteration_bounds = array<i64: 2, 16>, scalar_prefetch = 0 : i64, scratch_operands = 7 : i64, tpu.core_type = #tpu.core_type<sc_vector_subcore>, window_params = [{transform_indices = #map}, {transform_indices = #map1}, {transform_indices = #map2}]} {
    %mul3A = arith.constant 2 : i32
    %mul3A_0 = arith.muli %arg1, %mul3A : i32
    %add3A = arith.addi %mul3A_0, %arg0 : i32
    %mul3A_1 = arith.constant 100 : i32
    %mul3A_2 = arith.muli %add3A, %mul3A_1 : i32
    %iota3A = tpu.iota {dimensions = array<i32: 0>} : vector<16xi32>
    %add3A_3 = arith.constant 0 : i32
    %add3A_4 = vector.broadcast %add3A_3 : i32 to vector<16xi32>
    %add3A_5 = arith.addi %add3A_4, %iota3A : vector<16xi32>
    %jit3A = arith.constant 8 : i32
    %div3A = vector.broadcast %jit3A : i32 to vector<16xi32>
    %div3A_6 = arith.divsi %add3A_5, %div3A : vector<16xi32>
    %sign3A = arith.constant 0 : i32
    %sign3A_7 = vector.broadcast %sign3A : i32 to vector<16xi32>
    %sign3A_8 = arith.cmpi sgt, %add3A_5, %sign3A_7 : vector<16xi32>
    %sign3A_9 = arith.extui %sign3A_8 : vector<16xi1> to vector<16xi32>
    %sign3A_10 = arith.constant 0 : i32
    %sign3A_11 = vector.broadcast %sign3A_10 : i32 to vector<16xi32>
    %sign3A_12 = arith.cmpi slt, %add3A_5, %sign3A_11 : vector<16xi32>
    %sign3A_13 = arith.extui %sign3A_12 : vector<16xi1> to vector<16xi32>
    %sign3A_14 = arith.subi %sign3A_9, %sign3A_13 : vector<16xi32>
    %sign3A_15 = arith.constant 0 : i32
    %sign3A_16 = arith.cmpi sgt, %jit3A, %sign3A_15 : i32
    %sign3A_17 = arith.extui %sign3A_16 : i1 to i32
    %sign3A_18 = arith.constant 0 : i32
    %sign3A_19 = arith.cmpi slt, %jit3A, %sign3A_18 : i32
    %sign3A_20 = arith.extui %sign3A_19 : i1 to i32
    %sign3A_21 = arith.subi %sign3A_17, %sign3A_20 : i32
    %ne3A = vector.broadcast %sign3A_21 : i32 to vector<16xi32>
    %ne3A_22 = arith.cmpi ne, %sign3A_14, %ne3A : vector<16xi32>
    %rem3A = vector.broadcast %jit3A : i32 to vector<16xi32>
    %rem3A_23 = arith.remsi %add3A_5, %rem3A : vector<16xi32>
    %ne3A_24 = arith.constant 0 : i32
    %ne3A_25 = vector.broadcast %ne3A_24 : i32 to vector<16xi32>
    %ne3A_26 = arith.cmpi ne, %rem3A_23, %ne3A_25 : vector<16xi32>
    %and3A = arith.andi %ne3A_22, %ne3A_26 : vector<16xi1>
    %sub3A = arith.constant 1 : i32
    %sub3A_27 = vector.broadcast %sub3A : i32 to vector<16xi32>
    %sub3A_28 = arith.subi %div3A_6, %sub3A_27 : vector<16xi32>
    %select_n3A = arith.select %and3A, %sub3A_28, %div3A_6 : vector<16xi1>, vector<16xi32>
    %add3A_29 = arith.constant 0 : i32
    %add3A_30 = vector.broadcast %add3A_29 : i32 to vector<16xi32>
    %add3A_31 = arith.addi %add3A_30, %iota3A : vector<16xi32>
    %jit3A_32 = arith.constant 8 : i32
    %eq3A = arith.constant 0 : i32
    %eq3A_33 = arith.cmpi eq, %jit3A_32, %eq3A : i32
    %jit3A_34 = arith.constant 1 : i32
    %select_n3A_35 = arith.select %eq3A_33, %jit3A_34, %jit3A_32 : i32
    %rem3A_36 = vector.broadcast %select_n3A_35 : i32 to vector<16xi32>
    %rem3A_37 = arith.remsi %add3A_31, %rem3A_36 : vector<16xi32>
    %ne3A_38 = arith.constant 0 : i32
    %ne3A_39 = vector.broadcast %ne3A_38 : i32 to vector<16xi32>
    %ne3A_40 = arith.cmpi ne, %rem3A_37, %ne3A_39 : vector<16xi32>
    %lt3A = arith.constant 0 : i32
    %lt3A_41 = vector.broadcast %lt3A : i32 to vector<16xi32>
    %lt3A_42 = arith.cmpi slt, %rem3A_37, %lt3A_41 : vector<16xi32>
    %lt3A_43 = arith.constant 0 : i32
    %lt3A_44 = arith.cmpi slt, %select_n3A_35, %lt3A_43 : i32
    %ne3A_45 = vector.broadcast %lt3A_44 : i1 to vector<16xi1>
    %ne3A_46 = vector.broadcast %ne3A_45 : vector<16xi1> to vector<16xi1>
    %ne3A_47 = arith.xori %lt3A_42, %ne3A_46 : vector<16xi1>
    %and3A_48 = arith.andi %ne3A_47, %ne3A_40 : vector<16xi1>
    %add3A_49 = vector.broadcast %select_n3A_35 : i32 to vector<16xi32>
    %add3A_50 = arith.addi %rem3A_37, %add3A_49 : vector<16xi32>
    %select_n3A_51 = arith.select %and3A_48, %add3A_50, %rem3A_37 : vector<16xi1>, vector<16xi32>
    %add3A_52 = arith.constant 16 : i32
    %add3A_53 = vector.broadcast %add3A_52 : i32 to vector<16xi32>
    %add3A_54 = arith.addi %add3A_53, %iota3A : vector<16xi32>
    %jit3A_55 = arith.constant 8 : i32
    %div3A_56 = vector.broadcast %jit3A_55 : i32 to vector<16xi32>
    %div3A_57 = arith.divsi %add3A_54, %div3A_56 : vector<16xi32>
    %sign3A_58 = arith.constant 0 : i32
    %sign3A_59 = vector.broadcast %sign3A_58 : i32 to vector<16xi32>
    %sign3A_60 = arith.cmpi sgt, %add3A_54, %sign3A_59 : vector<16xi32>
    %sign3A_61 = arith.extui %sign3A_60 : vector<16xi1> to vector<16xi32>
    %sign3A_62 = arith.constant 0 : i32
    %sign3A_63 = vector.broadcast %sign3A_62 : i32 to vector<16xi32>
    %sign3A_64 = arith.cmpi slt, %add3A_54, %sign3A_63 : vector<16xi32>
    %sign3A_65 = arith.extui %sign3A_64 : vector<16xi1> to vector<16xi32>
    %sign3A_66 = arith.subi %sign3A_61, %sign3A_65 : vector<16xi32>
    %sign3A_67 = arith.constant 0 : i32
    %sign3A_68 = arith.cmpi sgt, %jit3A_55, %sign3A_67 : i32
    %sign3A_69 = arith.extui %sign3A_68 : i1 to i32
    %sign3A_70 = arith.constant 0 : i32
    %sign3A_71 = arith.cmpi slt, %jit3A_55, %sign3A_70 : i32
    %sign3A_72 = arith.extui %sign3A_71 : i1 to i32
    %sign3A_73 = arith.subi %sign3A_69, %sign3A_72 : i32
    %ne3A_74 = vector.broadcast %sign3A_73 : i32 to vector<16xi32>
    %ne3A_75 = arith.cmpi ne, %sign3A_66, %ne3A_74 : vector<16xi32>
    %rem3A_76 = vector.broadcast %jit3A_55 : i32 to vector<16xi32>
    %rem3A_77 = arith.remsi %add3A_54, %rem3A_76 : vector<16xi32>
    %ne3A_78 = arith.constant 0 : i32
    %ne3A_79 = vector.broadcast %ne3A_78 : i32 to vector<16xi32>
    %ne3A_80 = arith.cmpi ne, %rem3A_77, %ne3A_79 : vector<16xi32>
    %and3A_81 = arith.andi %ne3A_75, %ne3A_80 : vector<16xi1>
    %sub3A_82 = arith.constant 1 : i32
    %sub3A_83 = vector.broadcast %sub3A_82 : i32 to vector<16xi32>
    %sub3A_84 = arith.subi %div3A_57, %sub3A_83 : vector<16xi32>
    %select_n3A_85 = arith.select %and3A_81, %sub3A_84, %div3A_57 : vector<16xi1>, vector<16xi32>
    %add3A_86 = arith.constant 16 : i32
    %add3A_87 = vector.broadcast %add3A_86 : i32 to vector<16xi32>
    %add3A_88 = arith.addi %add3A_87, %iota3A : vector<16xi32>
    %jit3A_89 = arith.constant 8 : i32
    %eq3A_90 = arith.constant 0 : i32
    %eq3A_91 = arith.cmpi eq, %jit3A_89, %eq3A_90 : i32
    %jit3A_92 = arith.constant 1 : i32
    %select_n3A_93 = arith.select %eq3A_91, %jit3A_92, %jit3A_89 : i32
    %rem3A_94 = vector.broadcast %select_n3A_93 : i32 to vector<16xi32>
    %rem3A_95 = arith.remsi %add3A_88, %rem3A_94 : vector<16xi32>
    %ne3A_96 = arith.constant 0 : i32
    %ne3A_97 = vector.broadcast %ne3A_96 : i32 to vector<16xi32>
    %ne3A_98 = arith.cmpi ne, %rem3A_95, %ne3A_97 : vector<16xi32>
    %lt3A_99 = arith.constant 0 : i32
    %lt3A_100 = vector.broadcast %lt3A_99 : i32 to vector<16xi32>
    %lt3A_101 = arith.cmpi slt, %rem3A_95, %lt3A_100 : vector<16xi32>
    %lt3A_102 = arith.constant 0 : i32
    %lt3A_103 = arith.cmpi slt, %select_n3A_93, %lt3A_102 : i32
    %ne3A_104 = vector.broadcast %lt3A_103 : i1 to vector<16xi1>
    %ne3A_105 = vector.broadcast %ne3A_104 : vector<16xi1> to vector<16xi1>
    %ne3A_106 = arith.xori %lt3A_101, %ne3A_105 : vector<16xi1>
    %and3A_107 = arith.andi %ne3A_106, %ne3A_98 : vector<16xi1>
    %add3A_108 = vector.broadcast %select_n3A_93 : i32 to vector<16xi32>
    %add3A_109 = arith.addi %rem3A_95, %add3A_108 : vector<16xi32>
    %select_n3A_110 = arith.select %and3A_107, %add3A_109, %rem3A_95 : vector<16xi1>, vector<16xi32>
    %add3A_111 = arith.constant 32 : i32
    %add3A_112 = vector.broadcast %add3A_111 : i32 to vector<16xi32>
    %add3A_113 = arith.addi %add3A_112, %iota3A : vector<16xi32>
    %jit3A_114 = arith.constant 8 : i32
    %div3A_115 = vector.broadcast %jit3A_114 : i32 to vector<16xi32>
    %div3A_116 = arith.divsi %add3A_113, %div3A_115 : vector<16xi32>
    %sign3A_117 = arith.constant 0 : i32
    %sign3A_118 = vector.broadcast %sign3A_117 : i32 to vector<16xi32>
    %sign3A_119 = arith.cmpi sgt, %add3A_113, %sign3A_118 : vector<16xi32>
    %sign3A_120 = arith.extui %sign3A_119 : vector<16xi1> to vector<16xi32>
    %sign3A_121 = arith.constant 0 : i32
    %sign3A_122 = vector.broadcast %sign3A_121 : i32 to vector<16xi32>
    %sign3A_123 = arith.cmpi slt, %add3A_113, %sign3A_122 : vector<16xi32>
    %sign3A_124 = arith.extui %sign3A_123 : vector<16xi1> to vector<16xi32>
    %sign3A_125 = arith.subi %sign3A_120, %sign3A_124 : vector<16xi32>
    %sign3A_126 = arith.constant 0 : i32
    %sign3A_127 = arith.cmpi sgt, %jit3A_114, %sign3A_126 : i32
    %sign3A_128 = arith.extui %sign3A_127 : i1 to i32
    %sign3A_129 = arith.constant 0 : i32
    %sign3A_130 = arith.cmpi slt, %jit3A_114, %sign3A_129 : i32
    %sign3A_131 = arith.extui %sign3A_130 : i1 to i32
    %sign3A_132 = arith.subi %sign3A_128, %sign3A_131 : i32
    %ne3A_133 = vector.broadcast %sign3A_132 : i32 to vector<16xi32>
    %ne3A_134 = arith.cmpi ne, %sign3A_125, %ne3A_133 : vector<16xi32>
    %rem3A_135 = vector.broadcast %jit3A_114 : i32 to vector<16xi32>
    %rem3A_136 = arith.remsi %add3A_113, %rem3A_135 : vector<16xi32>
    %ne3A_137 = arith.constant 0 : i32
    %ne3A_138 = vector.broadcast %ne3A_137 : i32 to vector<16xi32>
    %ne3A_139 = arith.cmpi ne, %rem3A_136, %ne3A_138 : vector<16xi32>
    %and3A_140 = arith.andi %ne3A_134, %ne3A_139 : vector<16xi1>
    %sub3A_141 = arith.constant 1 : i32
    %sub3A_142 = vector.broadcast %sub3A_141 : i32 to vector<16xi32>
    %sub3A_143 = arith.subi %div3A_116, %sub3A_142 : vector<16xi32>
    %select_n3A_144 = arith.select %and3A_140, %sub3A_143, %div3A_116 : vector<16xi1>, vector<16xi32>
    %add3A_145 = arith.constant 32 : i32
    %add3A_146 = vector.broadcast %add3A_145 : i32 to vector<16xi32>
    %add3A_147 = arith.addi %add3A_146, %iota3A : vector<16xi32>
    %jit3A_148 = arith.constant 8 : i32
    %eq3A_149 = arith.constant 0 : i32
    %eq3A_150 = arith.cmpi eq, %jit3A_148, %eq3A_149 : i32
    %jit3A_151 = arith.constant 1 : i32
    %select_n3A_152 = arith.select %eq3A_150, %jit3A_151, %jit3A_148 : i32
    %rem3A_153 = vector.broadcast %select_n3A_152 : i32 to vector<16xi32>
    %rem3A_154 = arith.remsi %add3A_147, %rem3A_153 : vector<16xi32>
    %ne3A_155 = arith.constant 0 : i32
    %ne3A_156 = vector.broadcast %ne3A_155 : i32 to vector<16xi32>
    %ne3A_157 = arith.cmpi ne, %rem3A_154, %ne3A_156 : vector<16xi32>
    %lt3A_158 = arith.constant 0 : i32
    %lt3A_159 = vector.broadcast %lt3A_158 : i32 to vector<16xi32>
    %lt3A_160 = arith.cmpi slt, %rem3A_154, %lt3A_159 : vector<16xi32>
    %lt3A_161 = arith.constant 0 : i32
    %lt3A_162 = arith.cmpi slt, %select_n3A_152, %lt3A_161 : i32
    %ne3A_163 = vector.broadcast %lt3A_162 : i1 to vector<16xi1>
    %ne3A_164 = vector.broadcast %ne3A_163 : vector<16xi1> to vector<16xi1>
    %ne3A_165 = arith.xori %lt3A_160, %ne3A_164 : vector<16xi1>
    %and3A_166 = arith.andi %ne3A_165, %ne3A_157 : vector<16xi1>
    %add3A_167 = vector.broadcast %select_n3A_152 : i32 to vector<16xi32>
    %add3A_168 = arith.addi %rem3A_154, %add3A_167 : vector<16xi32>
    %select_n3A_169 = arith.select %and3A_166, %add3A_168, %rem3A_154 : vector<16xi1>, vector<16xi32>
    %add3A_170 = arith.constant 48 : i32
    %add3A_171 = vector.broadcast %add3A_170 : i32 to vector<16xi32>
    %add3A_172 = arith.addi %add3A_171, %iota3A : vector<16xi32>
    %jit3A_173 = arith.constant 8 : i32
    %div3A_174 = vector.broadcast %jit3A_173 : i32 to vector<16xi32>
    %div3A_175 = arith.divsi %add3A_172, %div3A_174 : vector<16xi32>
    %sign3A_176 = arith.constant 0 : i32
    %sign3A_177 = vector.broadcast %sign3A_176 : i32 to vector<16xi32>
    %sign3A_178 = arith.cmpi sgt, %add3A_172, %sign3A_177 : vector<16xi32>
    %sign3A_179 = arith.extui %sign3A_178 : vector<16xi1> to vector<16xi32>
    %sign3A_180 = arith.constant 0 : i32
    %sign3A_181 = vector.broadcast %sign3A_180 : i32 to vector<16xi32>
    %sign3A_182 = arith.cmpi slt, %add3A_172, %sign3A_181 : vector<16xi32>
    %sign3A_183 = arith.extui %sign3A_182 : vector<16xi1> to vector<16xi32>
    %sign3A_184 = arith.subi %sign3A_179, %sign3A_183 : vector<16xi32>
    %sign3A_185 = arith.constant 0 : i32
    %sign3A_186 = arith.cmpi sgt, %jit3A_173, %sign3A_185 : i32
    %sign3A_187 = arith.extui %sign3A_186 : i1 to i32
    %sign3A_188 = arith.constant 0 : i32
    %sign3A_189 = arith.cmpi slt, %jit3A_173, %sign3A_188 : i32
    %sign3A_190 = arith.extui %sign3A_189 : i1 to i32
    %sign3A_191 = arith.subi %sign3A_187, %sign3A_190 : i32
    %ne3A_192 = vector.broadcast %sign3A_191 : i32 to vector<16xi32>
    %ne3A_193 = arith.cmpi ne, %sign3A_184, %ne3A_192 : vector<16xi32>
    %rem3A_194 = vector.broadcast %jit3A_173 : i32 to vector<16xi32>
    %rem3A_195 = arith.remsi %add3A_172, %rem3A_194 : vector<16xi32>
    %ne3A_196 = arith.constant 0 : i32
    %ne3A_197 = vector.broadcast %ne3A_196 : i32 to vector<16xi32>
    %ne3A_198 = arith.cmpi ne, %rem3A_195, %ne3A_197 : vector<16xi32>
    %and3A_199 = arith.andi %ne3A_193, %ne3A_198 : vector<16xi1>
    %sub3A_200 = arith.constant 1 : i32
    %sub3A_201 = vector.broadcast %sub3A_200 : i32 to vector<16xi32>
    %sub3A_202 = arith.subi %div3A_175, %sub3A_201 : vector<16xi32>
    %select_n3A_203 = arith.select %and3A_199, %sub3A_202, %div3A_175 : vector<16xi1>, vector<16xi32>
    %add3A_204 = arith.constant 48 : i32
    %add3A_205 = vector.broadcast %add3A_204 : i32 to vector<16xi32>
    %add3A_206 = arith.addi %add3A_205, %iota3A : vector<16xi32>
    %jit3A_207 = arith.constant 8 : i32
    %eq3A_208 = arith.constant 0 : i32
    %eq3A_209 = arith.cmpi eq, %jit3A_207, %eq3A_208 : i32
    %jit3A_210 = arith.constant 1 : i32
    %select_n3A_211 = arith.select %eq3A_209, %jit3A_210, %jit3A_207 : i32
    %rem3A_212 = vector.broadcast %select_n3A_211 : i32 to vector<16xi32>
    %rem3A_213 = arith.remsi %add3A_206, %rem3A_212 : vector<16xi32>
    %ne3A_214 = arith.constant 0 : i32
    %ne3A_215 = vector.broadcast %ne3A_214 : i32 to vector<16xi32>
    %ne3A_216 = arith.cmpi ne, %rem3A_213, %ne3A_215 : vector<16xi32>
    %lt3A_217 = arith.constant 0 : i32
    %lt3A_218 = vector.broadcast %lt3A_217 : i32 to vector<16xi32>
    %lt3A_219 = arith.cmpi slt, %rem3A_213, %lt3A_218 : vector<16xi32>
    %lt3A_220 = arith.constant 0 : i32
    %lt3A_221 = arith.cmpi slt, %select_n3A_211, %lt3A_220 : i32
    %ne3A_222 = vector.broadcast %lt3A_221 : i1 to vector<16xi1>
    %ne3A_223 = vector.broadcast %ne3A_222 : vector<16xi1> to vector<16xi1>
    %ne3A_224 = arith.xori %lt3A_219, %ne3A_223 : vector<16xi1>
    %and3A_225 = arith.andi %ne3A_224, %ne3A_216 : vector<16xi1>
    %add3A_226 = vector.broadcast %select_n3A_211 : i32 to vector<16xi32>
    %add3A_227 = arith.addi %rem3A_213, %add3A_226 : vector<16xi32>
    %select_n3A_228 = arith.select %and3A_225, %add3A_227, %rem3A_213 : vector<16xi1>, vector<16xi32>
    %add3A_229 = arith.constant 0 : i32
    %add3A_230 = arith.addi %mul3A_2, %add3A_229 : i32
    %jit3A_231 = arith.constant 128 : i32
    %div3A_232 = arith.divsi %add3A_230, %jit3A_231 : i32
    %sign3A_233 = arith.constant 0 : i32
    %sign3A_234 = arith.cmpi sgt, %add3A_230, %sign3A_233 : i32
    %sign3A_235 = arith.extui %sign3A_234 : i1 to i32
    %sign3A_236 = arith.constant 0 : i32
    %sign3A_237 = arith.cmpi slt, %add3A_230, %sign3A_236 : i32
    %sign3A_238 = arith.extui %sign3A_237 : i1 to i32
    %sign3A_239 = arith.subi %sign3A_235, %sign3A_238 : i32
    %sign3A_240 = arith.constant 0 : i32
    %sign3A_241 = arith.cmpi sgt, %jit3A_231, %sign3A_240 : i32
    %sign3A_242 = arith.extui %sign3A_241 : i1 to i32
    %sign3A_243 = arith.constant 0 : i32
    %sign3A_244 = arith.cmpi slt, %jit3A_231, %sign3A_243 : i32
    %sign3A_245 = arith.extui %sign3A_244 : i1 to i32
    %sign3A_246 = arith.subi %sign3A_242, %sign3A_245 : i32
    %ne3A_247 = arith.cmpi ne, %sign3A_239, %sign3A_246 : i32
    %rem3A_248 = arith.remsi %add3A_230, %jit3A_231 : i32
    %ne3A_249 = arith.constant 0 : i32
    %ne3A_250 = arith.cmpi ne, %rem3A_248, %ne3A_249 : i32
    %and3A_251 = arith.andi %ne3A_247, %ne3A_250 : i1
    %sub3A_252 = arith.constant 1 : i32
    %sub3A_253 = arith.subi %div3A_232, %sub3A_252 : i32
    %select_n3A_254 = arith.select %and3A_251, %sub3A_253, %div3A_232 : i32
    %jit3A_255 = arith.constant 128 : i32
    %eq3A_256 = arith.constant 0 : i32
    %eq3A_257 = arith.cmpi eq, %jit3A_255, %eq3A_256 : i32
    %jit3A_258 = arith.constant 1 : i32
    %select_n3A_259 = arith.select %eq3A_257, %jit3A_258, %jit3A_255 : i32
    %rem3A_260 = arith.remsi %add3A_230, %select_n3A_259 : i32
    %ne3A_261 = arith.constant 0 : i32
    %ne3A_262 = arith.cmpi ne, %rem3A_260, %ne3A_261 : i32
    %lt3A_263 = arith.constant 0 : i32
    %lt3A_264 = arith.cmpi slt, %rem3A_260, %lt3A_263 : i32
    %lt3A_265 = arith.constant 0 : i32
    %lt3A_266 = arith.cmpi slt, %select_n3A_259, %lt3A_265 : i32
    %ne3A_267 = arith.xori %lt3A_264, %lt3A_266 : i1
    %and3A_268 = arith.andi %ne3A_267, %ne3A_262 : i1
    %add3A_269 = arith.addi %rem3A_260, %select_n3A_259 : i32
    %select_n3A_270 = arith.select %and3A_268, %add3A_269, %rem3A_260 : i32
    %dma_start3A = arith.constant 0 : i32
    %dma_start3A_271 = arith.constant 0 : i32
    %dma_start3A_272 = arith.constant 0 : i32
    %dma_start3A_273 = tpu.memref_slice %arg5[%dma_start3A, %dma_start3A_271, %dma_start3A_272] : memref<2x8x128xi32, #tpu.memory_space<vmem>> -> memref<1x8x128xi32, #tpu.memory_space<vmem>>
    %dma_start3A_274 = tpu.memref_squeeze %dma_start3A_273 : memref<1x8x128xi32, #tpu.memory_space<vmem>> -> memref<8x128xi32, #tpu.memory_space<vmem>>
    %dma_start3A_275 = arith.constant 0 : i32
    %dma_start3A_276 = arith.constant 0 : i32
    %dma_start3A_277 = tpu.memref_slice %arg2[%select_n3A_254, %select_n3A_270, %dma_start3A_275, %dma_start3A_276] : memref<25x128x8x128xi32, #tpu.memory_space<hbm>> -> memref<1x1x8x128xi32, #tpu.memory_space<hbm>>
    %dma_start3A_278 = tpu.memref_squeeze %dma_start3A_277 : memref<1x1x8x128xi32, #tpu.memory_space<hbm>> -> memref<8x128xi32, #tpu.memory_space<hbm>>
    %dma_start3A_279 = arith.constant 0 : i32
    %dma_start3A_280 = arith.constant 0 : i32
    %dma_start3A_281 = tpu.memref_slice %arg5[%dma_start3A, %dma_start3A_279, %dma_start3A_280] : memref<2x8x128xi32, #tpu.memory_space<vmem>> -> memref<1x8x128xi32, #tpu.memory_space<vmem>>
    %dma_start3A_282 = tpu.memref_squeeze %dma_start3A_281 : memref<1x8x128xi32, #tpu.memory_space<vmem>> -> memref<8x128xi32, #tpu.memory_space<vmem>>
    %dma_start3A_283 = arith.constant 0 : i32
    %dma_start3A_284 = arith.constant 0 : i32
    %dma_start3A_285 = tpu.memref_slice %arg2[%select_n3A_254, %select_n3A_270, %dma_start3A_283, %dma_start3A_284] : memref<25x128x8x128xi32, #tpu.memory_space<hbm>> -> memref<1x1x8x128xi32, #tpu.memory_space<hbm>>
    %dma_start3A_286 = tpu.memref_squeeze %dma_start3A_285 : memref<1x1x8x128xi32, #tpu.memory_space<hbm>> -> memref<8x128xi32, #tpu.memory_space<hbm>>
    tpu.enqueue_dma source(%dma_start3A_286 : memref<8x128xi32, #tpu.memory_space<hbm>>) target(%dma_start3A_282 : memref<8x128xi32, #tpu.memory_space<vmem>>) target_semaphore(%arg11 : memref<!tpu.dma_semaphore, #tpu.memory_space<semaphore_mem>>)
    %add3A_287 = arith.constant 0 : i32
    %add3A_288 = arith.addi %mul3A_2, %add3A_287 : i32
    %jit3A_289 = arith.constant 128 : i32
    %div3A_290 = arith.divsi %add3A_288, %jit3A_289 : i32
    %sign3A_291 = arith.constant 0 : i32
    %sign3A_292 = arith.cmpi sgt, %add3A_288, %sign3A_291 : i32
    %sign3A_293 = arith.extui %sign3A_292 : i1 to i32
    %sign3A_294 = arith.constant 0 : i32
    %sign3A_295 = arith.cmpi slt, %add3A_288, %sign3A_294 : i32
    %sign3A_296 = arith.extui %sign3A_295 : i1 to i32
    %sign3A_297 = arith.subi %sign3A_293, %sign3A_296 : i32
    %sign3A_298 = arith.constant 0 : i32
    %sign3A_299 = arith.cmpi sgt, %jit3A_289, %sign3A_298 : i32
    %sign3A_300 = arith.extui %sign3A_299 : i1 to i32
    %sign3A_301 = arith.constant 0 : i32
    %sign3A_302 = arith.cmpi slt, %jit3A_289, %sign3A_301 : i32
    %sign3A_303 = arith.extui %sign3A_302 : i1 to i32
    %sign3A_304 = arith.subi %sign3A_300, %sign3A_303 : i32
    %ne3A_305 = arith.cmpi ne, %sign3A_297, %sign3A_304 : i32
    %rem3A_306 = arith.remsi %add3A_288, %jit3A_289 : i32
    %ne3A_307 = arith.constant 0 : i32
    %ne3A_308 = arith.cmpi ne, %rem3A_306, %ne3A_307 : i32
    %and3A_309 = arith.andi %ne3A_305, %ne3A_308 : i1
    %sub3A_310 = arith.constant 1 : i32
    %sub3A_311 = arith.subi %div3A_290, %sub3A_310 : i32
    %select_n3A_312 = arith.select %and3A_309, %sub3A_311, %div3A_290 : i32
    %jit3A_313 = arith.constant 128 : i32
    %eq3A_314 = arith.constant 0 : i32
    %eq3A_315 = arith.cmpi eq, %jit3A_313, %eq3A_314 : i32
    %jit3A_316 = arith.constant 1 : i32
    %select_n3A_317 = arith.select %eq3A_315, %jit3A_316, %jit3A_313 : i32
    %rem3A_318 = arith.remsi %add3A_288, %select_n3A_317 : i32
    %ne3A_319 = arith.constant 0 : i32
    %ne3A_320 = arith.cmpi ne, %rem3A_318, %ne3A_319 : i32
    %lt3A_321 = arith.constant 0 : i32
    %lt3A_322 = arith.cmpi slt, %rem3A_318, %lt3A_321 : i32
    %lt3A_323 = arith.constant 0 : i32
    %lt3A_324 = arith.cmpi slt, %select_n3A_317, %lt3A_323 : i32
    %ne3A_325 = arith.xori %lt3A_322, %lt3A_324 : i1
    %and3A_326 = arith.andi %ne3A_325, %ne3A_320 : i1
    %add3A_327 = arith.addi %rem3A_318, %select_n3A_317 : i32
    %select_n3A_328 = arith.select %and3A_326, %add3A_327, %rem3A_318 : i32
    %dma_wait3A = arith.constant 0 : i32
    %dma_wait3A_329 = arith.constant 0 : i32
    %dma_wait3A_330 = arith.constant 0 : i32
    %dma_wait3A_331 = tpu.memref_slice %arg5[%dma_wait3A, %dma_wait3A_329, %dma_wait3A_330] : memref<2x8x128xi32, #tpu.memory_space<vmem>> -> memref<1x8x128xi32, #tpu.memory_space<vmem>>
    %dma_wait3A_332 = tpu.memref_squeeze %dma_wait3A_331 : memref<1x8x128xi32, #tpu.memory_space<vmem>> -> memref<8x128xi32, #tpu.memory_space<vmem>>
    %dma_wait3A_333 = arith.constant 0 : i32
    %dma_wait3A_334 = arith.constant 0 : i32
    %dma_wait3A_335 = tpu.memref_slice %arg2[%select_n3A_312, %select_n3A_328, %dma_wait3A_333, %dma_wait3A_334] : memref<25x128x8x128xi32, #tpu.memory_space<hbm>> -> memref<1x1x8x128xi32, #tpu.memory_space<hbm>>
    %dma_wait3A_336 = tpu.memref_squeeze %dma_wait3A_335 : memref<1x1x8x128xi32, #tpu.memory_space<hbm>> -> memref<8x128xi32, #tpu.memory_space<hbm>>
    %dma_wait3A_337 = arith.constant 0 : i32
    %dma_wait3A_338 = arith.constant 0 : i32
    %dma_wait3A_339 = tpu.memref_slice %arg5[%dma_wait3A, %dma_wait3A_337, %dma_wait3A_338] : memref<2x8x128xi32, #tpu.memory_space<vmem>> -> memref<1x8x128xi32, #tpu.memory_space<vmem>>
    %dma_wait3A_340 = tpu.memref_squeeze %dma_wait3A_339 : memref<1x8x128xi32, #tpu.memory_space<vmem>> -> memref<8x128xi32, #tpu.memory_space<vmem>>
    %dma_wait3A_341 = arith.constant 0 : i32
    %dma_wait3A_342 = arith.constant 0 : i32
    %dma_wait3A_343 = tpu.memref_slice %arg2[%select_n3A_312, %select_n3A_328, %dma_wait3A_341, %dma_wait3A_342] : memref<25x128x8x128xi32, #tpu.memory_space<hbm>> -> memref<1x1x8x128xi32, #tpu.memory_space<hbm>>
    %dma_wait3A_344 = tpu.memref_squeeze %dma_wait3A_343 : memref<1x1x8x128xi32, #tpu.memory_space<hbm>> -> memref<8x128xi32, #tpu.memory_space<hbm>>
    tpu.wait_dma2 semaphore(%arg11 : memref<!tpu.dma_semaphore, #tpu.memory_space<semaphore_mem>>) src(%dma_wait3A_344 : memref<8x128xi32, #tpu.memory_space<hbm>>) dst(%dma_wait3A_340 : memref<8x128xi32, #tpu.memory_space<vmem>>)
    %dma_start3A_345 = arith.constant 0 : i32
    %dma_start3A_346 = arith.constant 0 : i32
    %dma_start3A_347 = arith.constant 0 : i32
    %dma_start3A_348 = arith.constant 0 : i32
    %dma_start3A_349 = arith.constant 0 : i32
    %dma_start3A_350 = tpu.memref_slice %arg6[%dma_start3A_347, %dma_start3A_348, %dma_start3A_349] : memref<2x128x64xf32, #tpu.memory_space<vmem>> -> memref<1x128x64xf32, #tpu.memory_space<vmem>>
    %dma_start3A_351 = tpu.memref_squeeze %dma_start3A_350 : memref<1x128x64xf32, #tpu.memory_space<vmem>> -> memref<128x64xf32, #tpu.memory_space<vmem>>
    %dma_start3A_352 = arith.constant 0 : i32
    %dma_start3A_353 = tpu.memref_slice %arg5[%dma_start3A_345, %dma_start3A_346, %dma_start3A_352] : memref<2x8x128xi32, #tpu.memory_space<vmem>> -> memref<1x1x128xi32, #tpu.memory_space<vmem>>
    %dma_start3A_354 = tpu.memref_squeeze %dma_start3A_353 : memref<1x1x128xi32, #tpu.memory_space<vmem>> -> memref<128xi32, #tpu.memory_space<vmem>>
    %dma_start3A_355 = arith.constant 0 : i32
    %dma_start3A_356 = arith.constant 0 : i32
    %dma_start3A_357 = tpu.memref_slice %arg3[%dma_start3A_355, %dma_start3A_356] : memref<1000000x64xf32, #tpu.memory_space<hbm>> -> memref<1000000x64xf32, #tpu.memory_space<hbm>>
    tpu.enqueue_indirect_dma source(%dma_start3A_357 : memref<1000000x64xf32, #tpu.memory_space<hbm>>) target(%dma_start3A_351 : memref<128x64xf32, #tpu.memory_space<vmem>>) offsets(%dma_start3A_354 : memref<128xi32, #tpu.memory_space<vmem>>) semaphore(%arg8 : memref<!tpu.dma_semaphore, #tpu.memory_space<semaphore_mem>>)
    %scan3A = arith.constant 0 : i32
    %scan3A_358 = arith.constant 0 : i32
    %scan3A_359 = arith.constant 400 : i32
    %scan3A_360 = arith.addi %scan3A_358, %scan3A_359 : i32
    %scan3A_361 = arith.constant 1 : i32
    scf.for %scan3A_497 = %scan3A_358 to %scan3A_360 step %scan3A_361  : i32 {
      %mul3A_498 = arith.constant 2 : i32
      %mul3A_499 = arith.muli %mul3A_498, %scan3A_497 : i32
      %add3A_500 = arith.constant 0 : i32
      %add3A_501 = arith.addi %mul3A_499, %add3A_500 : i32
      %jit3A_502 = arith.constant 8 : i32
      %eq3A_503 = arith.constant 0 : i32
      %eq3A_504 = arith.cmpi eq, %jit3A_502, %eq3A_503 : i32
      %jit3A_505 = arith.constant 1 : i32
      %select_n3A_506 = arith.select %eq3A_504, %jit3A_505, %jit3A_502 : i32
      %rem3A_507 = arith.remsi %add3A_501, %select_n3A_506 : i32
      %ne3A_508 = arith.constant 0 : i32
      %ne3A_509 = arith.cmpi ne, %rem3A_507, %ne3A_508 : i32
      %lt3A_510 = arith.constant 0 : i32
      %lt3A_511 = arith.cmpi slt, %rem3A_507, %lt3A_510 : i32
      %lt3A_512 = arith.constant 0 : i32
      %lt3A_513 = arith.cmpi slt, %select_n3A_506, %lt3A_512 : i32
      %ne3A_514 = arith.xori %lt3A_511, %lt3A_513 : i1
      %and3A_515 = arith.andi %ne3A_514, %ne3A_509 : i1
      %add3A_516 = arith.addi %rem3A_507, %select_n3A_506 : i32
      %select_n3A_517 = arith.select %and3A_515, %add3A_516, %rem3A_507 : i32
      %jit3A_518 = arith.constant 8 : i32
      %div3A_519 = arith.divsi %add3A_501, %jit3A_518 : i32
      %sign3A_520 = arith.constant 0 : i32
      %sign3A_521 = arith.cmpi sgt, %add3A_501, %sign3A_520 : i32
      %sign3A_522 = arith.extui %sign3A_521 : i1 to i32
      %sign3A_523 = arith.constant 0 : i32
      %sign3A_524 = arith.cmpi slt, %add3A_501, %sign3A_523 : i32
      %sign3A_525 = arith.extui %sign3A_524 : i1 to i32
      %sign3A_526 = arith.subi %sign3A_522, %sign3A_525 : i32
      %sign3A_527 = arith.constant 0 : i32
      %sign3A_528 = arith.cmpi sgt, %jit3A_518, %sign3A_527 : i32
      %sign3A_529 = arith.extui %sign3A_528 : i1 to i32
      %sign3A_530 = arith.constant 0 : i32
      %sign3A_531 = arith.cmpi slt, %jit3A_518, %sign3A_530 : i32
      %sign3A_532 = arith.extui %sign3A_531 : i1 to i32
      %sign3A_533 = arith.subi %sign3A_529, %sign3A_532 : i32
      %ne3A_534 = arith.cmpi ne, %sign3A_526, %sign3A_533 : i32
      %rem3A_535 = arith.remsi %add3A_501, %jit3A_518 : i32
      %ne3A_536 = arith.constant 0 : i32
      %ne3A_537 = arith.cmpi ne, %rem3A_535, %ne3A_536 : i32
      %and3A_538 = arith.andi %ne3A_534, %ne3A_537 : i1
      %sub3A_539 = arith.constant 1 : i32
      %sub3A_540 = arith.subi %div3A_519, %sub3A_539 : i32
      %select_n3A_541 = arith.select %and3A_538, %sub3A_540, %div3A_519 : i32
      %eq3A_542 = arith.constant 0 : i32
      %eq3A_543 = arith.cmpi eq, %select_n3A_517, %eq3A_542 : i32
      %convert_element_type3A = arith.extui %eq3A_543 : i1 to i32
      %cond3A = arith.constant 0 : i32
      %cond3A_544 = arith.cmpi ne, %convert_element_type3A, %cond3A : i32
      scf.if %cond3A_544 {
        %lt3A_1008 = arith.constant 99 : i32
        %lt3A_1009 = arith.cmpi slt, %select_n3A_541, %lt3A_1008 : i32
        %convert_element_type3A_1010 = arith.extui %lt3A_1009 : i1 to i32
        %cond3A_1011 = arith.constant 0 : i32
        %cond3A_1012 = arith.cmpi ne, %convert_element_type3A_1010, %cond3A_1011 : i32
        scf.if %cond3A_1012 {
          %add3A_1013 = arith.constant 1 : i32
          %add3A_1014 = arith.addi %select_n3A_541, %add3A_1013 : i32
          %add3A_1015 = arith.constant 1 : i32
          %add3A_1016 = arith.addi %select_n3A_541, %add3A_1015 : i32
          %jit3A_1017 = arith.constant 2 : i32
          %eq3A_1018 = arith.constant 0 : i32
          %eq3A_1019 = arith.cmpi eq, %jit3A_1017, %eq3A_1018 : i32
          %jit3A_1020 = arith.constant 1 : i32
          %select_n3A_1021 = arith.select %eq3A_1019, %jit3A_1020, %jit3A_1017 : i32
          %rem3A_1022 = arith.remsi %add3A_1016, %select_n3A_1021 : i32
          %ne3A_1023 = arith.constant 0 : i32
          %ne3A_1024 = arith.cmpi ne, %rem3A_1022, %ne3A_1023 : i32
          %lt3A_1025 = arith.constant 0 : i32
          %lt3A_1026 = arith.cmpi slt, %rem3A_1022, %lt3A_1025 : i32
          %lt3A_1027 = arith.constant 0 : i32
          %lt3A_1028 = arith.cmpi slt, %select_n3A_1021, %lt3A_1027 : i32
          %ne3A_1029 = arith.xori %lt3A_1026, %lt3A_1028 : i1
          %and3A_1030 = arith.andi %ne3A_1029, %ne3A_1024 : i1
          %add3A_1031 = arith.addi %rem3A_1022, %select_n3A_1021 : i32
          %select_n3A_1032 = arith.select %and3A_1030, %add3A_1031, %rem3A_1022 : i32
          %add3A_1033 = arith.addi %mul3A_2, %add3A_1014 : i32
          %jit3A_1034 = arith.constant 128 : i32
          %div3A_1035 = arith.divsi %add3A_1033, %jit3A_1034 : i32
          %sign3A_1036 = arith.constant 0 : i32
          %sign3A_1037 = arith.cmpi sgt, %add3A_1033, %sign3A_1036 : i32
          %sign3A_1038 = arith.extui %sign3A_1037 : i1 to i32
          %sign3A_1039 = arith.constant 0 : i32
          %sign3A_1040 = arith.cmpi slt, %add3A_1033, %sign3A_1039 : i32
          %sign3A_1041 = arith.extui %sign3A_1040 : i1 to i32
          %sign3A_1042 = arith.subi %sign3A_1038, %sign3A_1041 : i32
          %sign3A_1043 = arith.constant 0 : i32
          %sign3A_1044 = arith.cmpi sgt, %jit3A_1034, %sign3A_1043 : i32
          %sign3A_1045 = arith.extui %sign3A_1044 : i1 to i32
          %sign3A_1046 = arith.constant 0 : i32
          %sign3A_1047 = arith.cmpi slt, %jit3A_1034, %sign3A_1046 : i32
          %sign3A_1048 = arith.extui %sign3A_1047 : i1 to i32
          %sign3A_1049 = arith.subi %sign3A_1045, %sign3A_1048 : i32
          %ne3A_1050 = arith.cmpi ne, %sign3A_1042, %sign3A_1049 : i32
          %rem3A_1051 = arith.remsi %add3A_1033, %jit3A_1034 : i32
          %ne3A_1052 = arith.constant 0 : i32
          %ne3A_1053 = arith.cmpi ne, %rem3A_1051, %ne3A_1052 : i32
          %and3A_1054 = arith.andi %ne3A_1050, %ne3A_1053 : i1
          %sub3A_1055 = arith.constant 1 : i32
          %sub3A_1056 = arith.subi %div3A_1035, %sub3A_1055 : i32
          %select_n3A_1057 = arith.select %and3A_1054, %sub3A_1056, %div3A_1035 : i32
          %jit3A_1058 = arith.constant 128 : i32
          %eq3A_1059 = arith.constant 0 : i32
          %eq3A_1060 = arith.cmpi eq, %jit3A_1058, %eq3A_1059 : i32
          %jit3A_1061 = arith.constant 1 : i32
          %select_n3A_1062 = arith.select %eq3A_1060, %jit3A_1061, %jit3A_1058 : i32
          %rem3A_1063 = arith.remsi %add3A_1033, %select_n3A_1062 : i32
          %ne3A_1064 = arith.constant 0 : i32
          %ne3A_1065 = arith.cmpi ne, %rem3A_1063, %ne3A_1064 : i32
          %lt3A_1066 = arith.constant 0 : i32
          %lt3A_1067 = arith.cmpi slt, %rem3A_1063, %lt3A_1066 : i32
          %lt3A_1068 = arith.constant 0 : i32
          %lt3A_1069 = arith.cmpi slt, %select_n3A_1062, %lt3A_1068 : i32
          %ne3A_1070 = arith.xori %lt3A_1067, %lt3A_1069 : i1
          %and3A_1071 = arith.andi %ne3A_1070, %ne3A_1065 : i1
          %add3A_1072 = arith.addi %rem3A_1063, %select_n3A_1062 : i32
          %select_n3A_1073 = arith.select %and3A_1071, %add3A_1072, %rem3A_1063 : i32
          %dma_start3A_1074 = arith.constant 0 : i32
          %dma_start3A_1075 = arith.constant 0 : i32
          %dma_start3A_1076 = tpu.memref_slice %arg5[%select_n3A_1032, %dma_start3A_1074, %dma_start3A_1075] : memref<2x8x128xi32, #tpu.memory_space<vmem>> -> memref<1x8x128xi32, #tpu.memory_space<vmem>>
          %dma_start3A_1077 = tpu.memref_squeeze %dma_start3A_1076 : memref<1x8x128xi32, #tpu.memory_space<vmem>> -> memref<8x128xi32, #tpu.memory_space<vmem>>
          %dma_start3A_1078 = arith.constant 0 : i32
          %dma_start3A_1079 = arith.constant 0 : i32
          %dma_start3A_1080 = tpu.memref_slice %arg2[%select_n3A_1057, %select_n3A_1073, %dma_start3A_1078, %dma_start3A_1079] : memref<25x128x8x128xi32, #tpu.memory_space<hbm>> -> memref<1x1x8x128xi32, #tpu.memory_space<hbm>>
          %dma_start3A_1081 = tpu.memref_squeeze %dma_start3A_1080 : memref<1x1x8x128xi32, #tpu.memory_space<hbm>> -> memref<8x128xi32, #tpu.memory_space<hbm>>
          %dma_start3A_1082 = arith.constant 0 : i32
          %dma_start3A_1083 = arith.constant 0 : i32
          %dma_start3A_1084 = tpu.memref_slice %arg5[%select_n3A_1032, %dma_start3A_1082, %dma_start3A_1083] : memref<2x8x128xi32, #tpu.memory_space<vmem>> -> memref<1x8x128xi32, #tpu.memory_space<vmem>>
          %dma_start3A_1085 = tpu.memref_squeeze %dma_start3A_1084 : memref<1x8x128xi32, #tpu.memory_space<vmem>> -> memref<8x128xi32, #tpu.memory_space<vmem>>
          %dma_start3A_1086 = arith.constant 0 : i32
          %dma_start3A_1087 = arith.constant 0 : i32
          %dma_start3A_1088 = tpu.memref_slice %arg2[%select_n3A_1057, %select_n3A_1073, %dma_start3A_1086, %dma_start3A_1087] : memref<25x128x8x128xi32, #tpu.memory_space<hbm>> -> memref<1x1x8x128xi32, #tpu.memory_space<hbm>>
          %dma_start3A_1089 = tpu.memref_squeeze %dma_start3A_1088 : memref<1x1x8x128xi32, #tpu.memory_space<hbm>> -> memref<8x128xi32, #tpu.memory_space<hbm>>
          tpu.enqueue_dma source(%dma_start3A_1089 : memref<8x128xi32, #tpu.memory_space<hbm>>) target(%dma_start3A_1085 : memref<8x128xi32, #tpu.memory_space<vmem>>) target_semaphore(%arg11 : memref<!tpu.dma_semaphore, #tpu.memory_space<semaphore_mem>>)
        } else {
        }
      } else {
      }
      %jit3A_545 = arith.constant 8 : i32
      %div3A_546 = arith.divsi %add3A_501, %jit3A_545 : i32
      %sign3A_547 = arith.constant 0 : i32
      %sign3A_548 = arith.cmpi sgt, %add3A_501, %sign3A_547 : i32
      %sign3A_549 = arith.extui %sign3A_548 : i1 to i32
      %sign3A_550 = arith.constant 0 : i32
      %sign3A_551 = arith.cmpi slt, %add3A_501, %sign3A_550 : i32
      %sign3A_552 = arith.extui %sign3A_551 : i1 to i32
      %sign3A_553 = arith.subi %sign3A_549, %sign3A_552 : i32
      %sign3A_554 = arith.constant 0 : i32
      %sign3A_555 = arith.cmpi sgt, %jit3A_545, %sign3A_554 : i32
      %sign3A_556 = arith.extui %sign3A_555 : i1 to i32
      %sign3A_557 = arith.constant 0 : i32
      %sign3A_558 = arith.cmpi slt, %jit3A_545, %sign3A_557 : i32
      %sign3A_559 = arith.extui %sign3A_558 : i1 to i32
      %sign3A_560 = arith.subi %sign3A_556, %sign3A_559 : i32
      %ne3A_561 = arith.cmpi ne, %sign3A_553, %sign3A_560 : i32
      %rem3A_562 = arith.remsi %add3A_501, %jit3A_545 : i32
      %ne3A_563 = arith.constant 0 : i32
      %ne3A_564 = arith.cmpi ne, %rem3A_562, %ne3A_563 : i32
      %and3A_565 = arith.andi %ne3A_561, %ne3A_564 : i1
      %sub3A_566 = arith.constant 1 : i32
      %sub3A_567 = arith.subi %div3A_546, %sub3A_566 : i32
      %select_n3A_568 = arith.select %and3A_565, %sub3A_567, %div3A_546 : i32
      %jit3A_569 = arith.constant 2 : i32
      %eq3A_570 = arith.constant 0 : i32
      %eq3A_571 = arith.cmpi eq, %jit3A_569, %eq3A_570 : i32
      %jit3A_572 = arith.constant 1 : i32
      %select_n3A_573 = arith.select %eq3A_571, %jit3A_572, %jit3A_569 : i32
      %rem3A_574 = arith.remsi %select_n3A_568, %select_n3A_573 : i32
      %ne3A_575 = arith.constant 0 : i32
      %ne3A_576 = arith.cmpi ne, %rem3A_574, %ne3A_575 : i32
      %lt3A_577 = arith.constant 0 : i32
      %lt3A_578 = arith.cmpi slt, %rem3A_574, %lt3A_577 : i32
      %lt3A_579 = arith.constant 0 : i32
      %lt3A_580 = arith.cmpi slt, %select_n3A_573, %lt3A_579 : i32
      %ne3A_581 = arith.xori %lt3A_578, %lt3A_580 : i1
      %and3A_582 = arith.andi %ne3A_581, %ne3A_576 : i1
      %add3A_583 = arith.addi %rem3A_574, %select_n3A_573 : i32
      %select_n3A_584 = arith.select %and3A_582, %add3A_583, %rem3A_574 : i32
      %jit3A_585 = arith.constant 8 : i32
      %eq3A_586 = arith.constant 0 : i32
      %eq3A_587 = arith.cmpi eq, %jit3A_585, %eq3A_586 : i32
      %jit3A_588 = arith.constant 1 : i32
      %select_n3A_589 = arith.select %eq3A_587, %jit3A_588, %jit3A_585 : i32
      %rem3A_590 = arith.remsi %add3A_501, %select_n3A_589 : i32
      %ne3A_591 = arith.constant 0 : i32
      %ne3A_592 = arith.cmpi ne, %rem3A_590, %ne3A_591 : i32
      %lt3A_593 = arith.constant 0 : i32
      %lt3A_594 = arith.cmpi slt, %rem3A_590, %lt3A_593 : i32
      %lt3A_595 = arith.constant 0 : i32
      %lt3A_596 = arith.cmpi slt, %select_n3A_589, %lt3A_595 : i32
      %ne3A_597 = arith.xori %lt3A_594, %lt3A_596 : i1
      %and3A_598 = arith.andi %ne3A_597, %ne3A_592 : i1
      %add3A_599 = arith.addi %rem3A_590, %select_n3A_589 : i32
      %select_n3A_600 = arith.select %and3A_598, %add3A_599, %rem3A_590 : i32
      %jit3A_601 = arith.constant 2 : i32
      %eq3A_602 = arith.constant 0 : i32
      %eq3A_603 = arith.cmpi eq, %jit3A_601, %eq3A_602 : i32
      %jit3A_604 = arith.constant 1 : i32
      %select_n3A_605 = arith.select %eq3A_603, %jit3A_604, %jit3A_601 : i32
      %rem3A_606 = arith.remsi %add3A_501, %select_n3A_605 : i32
      %ne3A_607 = arith.constant 0 : i32
      %ne3A_608 = arith.cmpi ne, %rem3A_606, %ne3A_607 : i32
      %lt3A_609 = arith.constant 0 : i32
      %lt3A_610 = arith.cmpi slt, %rem3A_606, %lt3A_609 : i32
      %lt3A_611 = arith.constant 0 : i32
      %lt3A_612 = arith.cmpi slt, %select_n3A_605, %lt3A_611 : i32
      %ne3A_613 = arith.xori %lt3A_610, %lt3A_612 : i1
      %and3A_614 = arith.andi %ne3A_613, %ne3A_608 : i1
      %add3A_615 = arith.addi %rem3A_606, %select_n3A_605 : i32
      %select_n3A_616 = arith.select %and3A_614, %add3A_615, %rem3A_606 : i32
      %dma_wait3A_617 = arith.constant 0 : i32
      %dma_wait3A_618 = arith.constant 0 : i32
      %dma_wait3A_619 = tpu.memref_slice %arg6[%select_n3A_616, %dma_wait3A_617, %dma_wait3A_618] : memref<2x128x64xf32, #tpu.memory_space<vmem>> -> memref<1x128x64xf32, #tpu.memory_space<vmem>>
      %dma_wait3A_620 = tpu.memref_squeeze %dma_wait3A_619 : memref<1x128x64xf32, #tpu.memory_space<vmem>> -> memref<128x64xf32, #tpu.memory_space<vmem>>
      %dma_wait3A_621 = arith.constant 0 : i32
      %dma_wait3A_622 = tpu.memref_slice %arg5[%select_n3A_584, %select_n3A_600, %dma_wait3A_621] : memref<2x8x128xi32, #tpu.memory_space<vmem>> -> memref<1x1x128xi32, #tpu.memory_space<vmem>>
      %dma_wait3A_623 = tpu.memref_squeeze %dma_wait3A_622 : memref<1x1x128xi32, #tpu.memory_space<vmem>> -> memref<128xi32, #tpu.memory_space<vmem>>
      %dma_wait3A_624 = arith.constant 0 : i32
      %dma_wait3A_625 = arith.constant 0 : i32
      %dma_wait3A_626 = tpu.memref_slice %arg3[%dma_wait3A_624, %dma_wait3A_625] : memref<1000000x64xf32, #tpu.memory_space<hbm>> -> memref<1000000x64xf32, #tpu.memory_space<hbm>>
      tpu.wait_indirect_dma semaphore(%arg8 : memref<!tpu.dma_semaphore, #tpu.memory_space<semaphore_mem>>) src(%dma_wait3A_626 : memref<1000000x64xf32, #tpu.memory_space<hbm>>) dst(%dma_wait3A_620 : memref<128x64xf32, #tpu.memory_space<vmem>>)
      %eq3A_627 = arith.constant 7 : i32
      %eq3A_628 = arith.cmpi eq, %select_n3A_517, %eq3A_627 : i32
      %lt3A_629 = arith.constant 799 : i32
      %lt3A_630 = arith.cmpi slt, %add3A_501, %lt3A_629 : i32
      %and3A_631 = arith.andi %eq3A_628, %lt3A_630 : i1
      %convert_element_type3A_632 = arith.extui %and3A_631 : i1 to i32
      %cond3A_633 = arith.constant 0 : i32
      %cond3A_634 = arith.cmpi ne, %convert_element_type3A_632, %cond3A_633 : i32
      scf.if %cond3A_634 {
        %add3A_1008 = arith.constant 1 : i32
        %add3A_1009 = arith.addi %select_n3A_541, %add3A_1008 : i32
        %add3A_1010 = arith.constant 1 : i32
        %add3A_1011 = arith.addi %select_n3A_541, %add3A_1010 : i32
        %jit3A_1012 = arith.constant 2 : i32
        %eq3A_1013 = arith.constant 0 : i32
        %eq3A_1014 = arith.cmpi eq, %jit3A_1012, %eq3A_1013 : i32
        %jit3A_1015 = arith.constant 1 : i32
        %select_n3A_1016 = arith.select %eq3A_1014, %jit3A_1015, %jit3A_1012 : i32
        %rem3A_1017 = arith.remsi %add3A_1011, %select_n3A_1016 : i32
        %ne3A_1018 = arith.constant 0 : i32
        %ne3A_1019 = arith.cmpi ne, %rem3A_1017, %ne3A_1018 : i32
        %lt3A_1020 = arith.constant 0 : i32
        %lt3A_1021 = arith.cmpi slt, %rem3A_1017, %lt3A_1020 : i32
        %lt3A_1022 = arith.constant 0 : i32
        %lt3A_1023 = arith.cmpi slt, %select_n3A_1016, %lt3A_1022 : i32
        %ne3A_1024 = arith.xori %lt3A_1021, %lt3A_1023 : i1
        %and3A_1025 = arith.andi %ne3A_1024, %ne3A_1019 : i1
        %add3A_1026 = arith.addi %rem3A_1017, %select_n3A_1016 : i32
        %select_n3A_1027 = arith.select %and3A_1025, %add3A_1026, %rem3A_1017 : i32
        %add3A_1028 = arith.addi %mul3A_2, %add3A_1009 : i32
        %jit3A_1029 = arith.constant 128 : i32
        %div3A_1030 = arith.divsi %add3A_1028, %jit3A_1029 : i32
        %sign3A_1031 = arith.constant 0 : i32
        %sign3A_1032 = arith.cmpi sgt, %add3A_1028, %sign3A_1031 : i32
        %sign3A_1033 = arith.extui %sign3A_1032 : i1 to i32
        %sign3A_1034 = arith.constant 0 : i32
        %sign3A_1035 = arith.cmpi slt, %add3A_1028, %sign3A_1034 : i32
        %sign3A_1036 = arith.extui %sign3A_1035 : i1 to i32
        %sign3A_1037 = arith.subi %sign3A_1033, %sign3A_1036 : i32
        %sign3A_1038 = arith.constant 0 : i32
        %sign3A_1039 = arith.cmpi sgt, %jit3A_1029, %sign3A_1038 : i32
        %sign3A_1040 = arith.extui %sign3A_1039 : i1 to i32
        %sign3A_1041 = arith.constant 0 : i32
        %sign3A_1042 = arith.cmpi slt, %jit3A_1029, %sign3A_1041 : i32
        %sign3A_1043 = arith.extui %sign3A_1042 : i1 to i32
        %sign3A_1044 = arith.subi %sign3A_1040, %sign3A_1043 : i32
        %ne3A_1045 = arith.cmpi ne, %sign3A_1037, %sign3A_1044 : i32
        %rem3A_1046 = arith.remsi %add3A_1028, %jit3A_1029 : i32
        %ne3A_1047 = arith.constant 0 : i32
        %ne3A_1048 = arith.cmpi ne, %rem3A_1046, %ne3A_1047 : i32
        %and3A_1049 = arith.andi %ne3A_1045, %ne3A_1048 : i1
        %sub3A_1050 = arith.constant 1 : i32
        %sub3A_1051 = arith.subi %div3A_1030, %sub3A_1050 : i32
        %select_n3A_1052 = arith.select %and3A_1049, %sub3A_1051, %div3A_1030 : i32
        %jit3A_1053 = arith.constant 128 : i32
        %eq3A_1054 = arith.constant 0 : i32
        %eq3A_1055 = arith.cmpi eq, %jit3A_1053, %eq3A_1054 : i32
        %jit3A_1056 = arith.constant 1 : i32
        %select_n3A_1057 = arith.select %eq3A_1055, %jit3A_1056, %jit3A_1053 : i32
        %rem3A_1058 = arith.remsi %add3A_1028, %select_n3A_1057 : i32
        %ne3A_1059 = arith.constant 0 : i32
        %ne3A_1060 = arith.cmpi ne, %rem3A_1058, %ne3A_1059 : i32
        %lt3A_1061 = arith.constant 0 : i32
        %lt3A_1062 = arith.cmpi slt, %rem3A_1058, %lt3A_1061 : i32
        %lt3A_1063 = arith.constant 0 : i32
        %lt3A_1064 = arith.cmpi slt, %select_n3A_1057, %lt3A_1063 : i32
        %ne3A_1065 = arith.xori %lt3A_1062, %lt3A_1064 : i1
        %and3A_1066 = arith.andi %ne3A_1065, %ne3A_1060 : i1
        %add3A_1067 = arith.addi %rem3A_1058, %select_n3A_1057 : i32
        %select_n3A_1068 = arith.select %and3A_1066, %add3A_1067, %rem3A_1058 : i32
        %dma_wait3A_1069 = arith.constant 0 : i32
        %dma_wait3A_1070 = arith.constant 0 : i32
        %dma_wait3A_1071 = tpu.memref_slice %arg5[%select_n3A_1027, %dma_wait3A_1069, %dma_wait3A_1070] : memref<2x8x128xi32, #tpu.memory_space<vmem>> -> memref<1x8x128xi32, #tpu.memory_space<vmem>>
        %dma_wait3A_1072 = tpu.memref_squeeze %dma_wait3A_1071 : memref<1x8x128xi32, #tpu.memory_space<vmem>> -> memref<8x128xi32, #tpu.memory_space<vmem>>
        %dma_wait3A_1073 = arith.constant 0 : i32
        %dma_wait3A_1074 = arith.constant 0 : i32
        %dma_wait3A_1075 = tpu.memref_slice %arg2[%select_n3A_1052, %select_n3A_1068, %dma_wait3A_1073, %dma_wait3A_1074] : memref<25x128x8x128xi32, #tpu.memory_space<hbm>> -> memref<1x1x8x128xi32, #tpu.memory_space<hbm>>
        %dma_wait3A_1076 = tpu.memref_squeeze %dma_wait3A_1075 : memref<1x1x8x128xi32, #tpu.memory_space<hbm>> -> memref<8x128xi32, #tpu.memory_space<hbm>>
        %dma_wait3A_1077 = arith.constant 0 : i32
        %dma_wait3A_1078 = arith.constant 0 : i32
        %dma_wait3A_1079 = tpu.memref_slice %arg5[%select_n3A_1027, %dma_wait3A_1077, %dma_wait3A_1078] : memref<2x8x128xi32, #tpu.memory_space<vmem>> -> memref<1x8x128xi32, #tpu.memory_space<vmem>>
        %dma_wait3A_1080 = tpu.memref_squeeze %dma_wait3A_1079 : memref<1x8x128xi32, #tpu.memory_space<vmem>> -> memref<8x128xi32, #tpu.memory_space<vmem>>
        %dma_wait3A_1081 = arith.constant 0 : i32
        %dma_wait3A_1082 = arith.constant 0 : i32
        %dma_wait3A_1083 = tpu.memref_slice %arg2[%select_n3A_1052, %select_n3A_1068, %dma_wait3A_1081, %dma_wait3A_1082] : memref<25x128x8x128xi32, #tpu.memory_space<hbm>> -> memref<1x1x8x128xi32, #tpu.memory_space<hbm>>
        %dma_wait3A_1084 = tpu.memref_squeeze %dma_wait3A_1083 : memref<1x1x8x128xi32, #tpu.memory_space<hbm>> -> memref<8x128xi32, #tpu.memory_space<hbm>>
        tpu.wait_dma2 semaphore(%arg11 : memref<!tpu.dma_semaphore, #tpu.memory_space<semaphore_mem>>) src(%dma_wait3A_1084 : memref<8x128xi32, #tpu.memory_space<hbm>>) dst(%dma_wait3A_1080 : memref<8x128xi32, #tpu.memory_space<vmem>>)
      } else {
      }
      %lt3A_635 = arith.constant 799 : i32
      %lt3A_636 = arith.cmpi slt, %add3A_501, %lt3A_635 : i32
      %convert_element_type3A_637 = arith.extui %lt3A_636 : i1 to i32
      %cond3A_638 = arith.constant 0 : i32
      %cond3A_639 = arith.cmpi ne, %convert_element_type3A_637, %cond3A_638 : i32
      scf.if %cond3A_639 {
        %add3A_1008 = arith.constant 1 : i32
        %add3A_1009 = arith.addi %add3A_501, %add3A_1008 : i32
        %jit3A_1010 = arith.constant 8 : i32
        %div3A_1011 = arith.divsi %add3A_1009, %jit3A_1010 : i32
        %sign3A_1012 = arith.constant 0 : i32
        %sign3A_1013 = arith.cmpi sgt, %add3A_1009, %sign3A_1012 : i32
        %sign3A_1014 = arith.extui %sign3A_1013 : i1 to i32
        %sign3A_1015 = arith.constant 0 : i32
        %sign3A_1016 = arith.cmpi slt, %add3A_1009, %sign3A_1015 : i32
        %sign3A_1017 = arith.extui %sign3A_1016 : i1 to i32
        %sign3A_1018 = arith.subi %sign3A_1014, %sign3A_1017 : i32
        %sign3A_1019 = arith.constant 0 : i32
        %sign3A_1020 = arith.cmpi sgt, %jit3A_1010, %sign3A_1019 : i32
        %sign3A_1021 = arith.extui %sign3A_1020 : i1 to i32
        %sign3A_1022 = arith.constant 0 : i32
        %sign3A_1023 = arith.cmpi slt, %jit3A_1010, %sign3A_1022 : i32
        %sign3A_1024 = arith.extui %sign3A_1023 : i1 to i32
        %sign3A_1025 = arith.subi %sign3A_1021, %sign3A_1024 : i32
        %ne3A_1026 = arith.cmpi ne, %sign3A_1018, %sign3A_1025 : i32
        %rem3A_1027 = arith.remsi %add3A_1009, %jit3A_1010 : i32
        %ne3A_1028 = arith.constant 0 : i32
        %ne3A_1029 = arith.cmpi ne, %rem3A_1027, %ne3A_1028 : i32
        %and3A_1030 = arith.andi %ne3A_1026, %ne3A_1029 : i1
        %sub3A_1031 = arith.constant 1 : i32
        %sub3A_1032 = arith.subi %div3A_1011, %sub3A_1031 : i32
        %select_n3A_1033 = arith.select %and3A_1030, %sub3A_1032, %div3A_1011 : i32
        %jit3A_1034 = arith.constant 2 : i32
        %eq3A_1035 = arith.constant 0 : i32
        %eq3A_1036 = arith.cmpi eq, %jit3A_1034, %eq3A_1035 : i32
        %jit3A_1037 = arith.constant 1 : i32
        %select_n3A_1038 = arith.select %eq3A_1036, %jit3A_1037, %jit3A_1034 : i32
        %rem3A_1039 = arith.remsi %select_n3A_1033, %select_n3A_1038 : i32
        %ne3A_1040 = arith.constant 0 : i32
        %ne3A_1041 = arith.cmpi ne, %rem3A_1039, %ne3A_1040 : i32
        %lt3A_1042 = arith.constant 0 : i32
        %lt3A_1043 = arith.cmpi slt, %rem3A_1039, %lt3A_1042 : i32
        %lt3A_1044 = arith.constant 0 : i32
        %lt3A_1045 = arith.cmpi slt, %select_n3A_1038, %lt3A_1044 : i32
        %ne3A_1046 = arith.xori %lt3A_1043, %lt3A_1045 : i1
        %and3A_1047 = arith.andi %ne3A_1046, %ne3A_1041 : i1
        %add3A_1048 = arith.addi %rem3A_1039, %select_n3A_1038 : i32
        %select_n3A_1049 = arith.select %and3A_1047, %add3A_1048, %rem3A_1039 : i32
        %jit3A_1050 = arith.constant 8 : i32
        %eq3A_1051 = arith.constant 0 : i32
        %eq3A_1052 = arith.cmpi eq, %jit3A_1050, %eq3A_1051 : i32
        %jit3A_1053 = arith.constant 1 : i32
        %select_n3A_1054 = arith.select %eq3A_1052, %jit3A_1053, %jit3A_1050 : i32
        %rem3A_1055 = arith.remsi %add3A_1009, %select_n3A_1054 : i32
        %ne3A_1056 = arith.constant 0 : i32
        %ne3A_1057 = arith.cmpi ne, %rem3A_1055, %ne3A_1056 : i32
        %lt3A_1058 = arith.constant 0 : i32
        %lt3A_1059 = arith.cmpi slt, %rem3A_1055, %lt3A_1058 : i32
        %lt3A_1060 = arith.constant 0 : i32
        %lt3A_1061 = arith.cmpi slt, %select_n3A_1054, %lt3A_1060 : i32
        %ne3A_1062 = arith.xori %lt3A_1059, %lt3A_1061 : i1
        %and3A_1063 = arith.andi %ne3A_1062, %ne3A_1057 : i1
        %add3A_1064 = arith.addi %rem3A_1055, %select_n3A_1054 : i32
        %select_n3A_1065 = arith.select %and3A_1063, %add3A_1064, %rem3A_1055 : i32
        %jit3A_1066 = arith.constant 2 : i32
        %eq3A_1067 = arith.constant 0 : i32
        %eq3A_1068 = arith.cmpi eq, %jit3A_1066, %eq3A_1067 : i32
        %jit3A_1069 = arith.constant 1 : i32
        %select_n3A_1070 = arith.select %eq3A_1068, %jit3A_1069, %jit3A_1066 : i32
        %rem3A_1071 = arith.remsi %add3A_1009, %select_n3A_1070 : i32
        %ne3A_1072 = arith.constant 0 : i32
        %ne3A_1073 = arith.cmpi ne, %rem3A_1071, %ne3A_1072 : i32
        %lt3A_1074 = arith.constant 0 : i32
        %lt3A_1075 = arith.cmpi slt, %rem3A_1071, %lt3A_1074 : i32
        %lt3A_1076 = arith.constant 0 : i32
        %lt3A_1077 = arith.cmpi slt, %select_n3A_1070, %lt3A_1076 : i32
        %ne3A_1078 = arith.xori %lt3A_1075, %lt3A_1077 : i1
        %and3A_1079 = arith.andi %ne3A_1078, %ne3A_1073 : i1
        %add3A_1080 = arith.addi %rem3A_1071, %select_n3A_1070 : i32
        %select_n3A_1081 = arith.select %and3A_1079, %add3A_1080, %rem3A_1071 : i32
        %dma_start3A_1082 = arith.constant 0 : i32
        %dma_start3A_1083 = arith.constant 0 : i32
        %dma_start3A_1084 = tpu.memref_slice %arg6[%select_n3A_1081, %dma_start3A_1082, %dma_start3A_1083] : memref<2x128x64xf32, #tpu.memory_space<vmem>> -> memref<1x128x64xf32, #tpu.memory_space<vmem>>
        %dma_start3A_1085 = tpu.memref_squeeze %dma_start3A_1084 : memref<1x128x64xf32, #tpu.memory_space<vmem>> -> memref<128x64xf32, #tpu.memory_space<vmem>>
        %dma_start3A_1086 = arith.constant 0 : i32
        %dma_start3A_1087 = tpu.memref_slice %arg5[%select_n3A_1049, %select_n3A_1065, %dma_start3A_1086] : memref<2x8x128xi32, #tpu.memory_space<vmem>> -> memref<1x1x128xi32, #tpu.memory_space<vmem>>
        %dma_start3A_1088 = tpu.memref_squeeze %dma_start3A_1087 : memref<1x1x128xi32, #tpu.memory_space<vmem>> -> memref<128xi32, #tpu.memory_space<vmem>>
        %dma_start3A_1089 = arith.constant 0 : i32
        %dma_start3A_1090 = arith.constant 0 : i32
        %dma_start3A_1091 = tpu.memref_slice %arg3[%dma_start3A_1089, %dma_start3A_1090] : memref<1000000x64xf32, #tpu.memory_space<hbm>> -> memref<1000000x64xf32, #tpu.memory_space<hbm>>
        tpu.enqueue_indirect_dma source(%dma_start3A_1091 : memref<1000000x64xf32, #tpu.memory_space<hbm>>) target(%dma_start3A_1085 : memref<128x64xf32, #tpu.memory_space<vmem>>) offsets(%dma_start3A_1088 : memref<128xi32, #tpu.memory_space<vmem>>) semaphore(%arg8 : memref<!tpu.dma_semaphore, #tpu.memory_space<semaphore_mem>>)
      } else {
      }
      %gt3A = arith.constant 0 : i32
      %gt3A_640 = arith.cmpi sgt, %scan3A_497, %gt3A : i32
      %convert_element_type3A_641 = arith.extui %gt3A_640 : i1 to i32
      %cond3A_642 = arith.constant 0 : i32
      %cond3A_643 = arith.cmpi ne, %convert_element_type3A_641, %cond3A_642 : i32
      scf.if %cond3A_643 {
        %jit3A_1008 = arith.constant 8 : i32
        %div3A_1009 = arith.divsi %add3A_501, %jit3A_1008 : i32
        %sign3A_1010 = arith.constant 0 : i32
        %sign3A_1011 = arith.cmpi sgt, %add3A_501, %sign3A_1010 : i32
        %sign3A_1012 = arith.extui %sign3A_1011 : i1 to i32
        %sign3A_1013 = arith.constant 0 : i32
        %sign3A_1014 = arith.cmpi slt, %add3A_501, %sign3A_1013 : i32
        %sign3A_1015 = arith.extui %sign3A_1014 : i1 to i32
        %sign3A_1016 = arith.subi %sign3A_1012, %sign3A_1015 : i32
        %sign3A_1017 = arith.constant 0 : i32
        %sign3A_1018 = arith.cmpi sgt, %jit3A_1008, %sign3A_1017 : i32
        %sign3A_1019 = arith.extui %sign3A_1018 : i1 to i32
        %sign3A_1020 = arith.constant 0 : i32
        %sign3A_1021 = arith.cmpi slt, %jit3A_1008, %sign3A_1020 : i32
        %sign3A_1022 = arith.extui %sign3A_1021 : i1 to i32
        %sign3A_1023 = arith.subi %sign3A_1019, %sign3A_1022 : i32
        %ne3A_1024 = arith.cmpi ne, %sign3A_1016, %sign3A_1023 : i32
        %rem3A_1025 = arith.remsi %add3A_501, %jit3A_1008 : i32
        %ne3A_1026 = arith.constant 0 : i32
        %ne3A_1027 = arith.cmpi ne, %rem3A_1025, %ne3A_1026 : i32
        %and3A_1028 = arith.andi %ne3A_1024, %ne3A_1027 : i1
        %sub3A_1029 = arith.constant 1 : i32
        %sub3A_1030 = arith.subi %div3A_1009, %sub3A_1029 : i32
        %select_n3A_1031 = arith.select %and3A_1028, %sub3A_1030, %div3A_1009 : i32
        %add3A_1032 = arith.addi %mul3A_2, %select_n3A_1031 : i32
        %jit3A_1033 = arith.constant 128 : i32
        %div3A_1034 = arith.divsi %add3A_1032, %jit3A_1033 : i32
        %sign3A_1035 = arith.constant 0 : i32
        %sign3A_1036 = arith.cmpi sgt, %add3A_1032, %sign3A_1035 : i32
        %sign3A_1037 = arith.extui %sign3A_1036 : i1 to i32
        %sign3A_1038 = arith.constant 0 : i32
        %sign3A_1039 = arith.cmpi slt, %add3A_1032, %sign3A_1038 : i32
        %sign3A_1040 = arith.extui %sign3A_1039 : i1 to i32
        %sign3A_1041 = arith.subi %sign3A_1037, %sign3A_1040 : i32
        %sign3A_1042 = arith.constant 0 : i32
        %sign3A_1043 = arith.cmpi sgt, %jit3A_1033, %sign3A_1042 : i32
        %sign3A_1044 = arith.extui %sign3A_1043 : i1 to i32
        %sign3A_1045 = arith.constant 0 : i32
        %sign3A_1046 = arith.cmpi slt, %jit3A_1033, %sign3A_1045 : i32
        %sign3A_1047 = arith.extui %sign3A_1046 : i1 to i32
        %sign3A_1048 = arith.subi %sign3A_1044, %sign3A_1047 : i32
        %ne3A_1049 = arith.cmpi ne, %sign3A_1041, %sign3A_1048 : i32
        %rem3A_1050 = arith.remsi %add3A_1032, %jit3A_1033 : i32
        %ne3A_1051 = arith.constant 0 : i32
        %ne3A_1052 = arith.cmpi ne, %rem3A_1050, %ne3A_1051 : i32
        %and3A_1053 = arith.andi %ne3A_1049, %ne3A_1052 : i1
        %sub3A_1054 = arith.constant 1 : i32
        %sub3A_1055 = arith.subi %div3A_1034, %sub3A_1054 : i32
        %select_n3A_1056 = arith.select %and3A_1053, %sub3A_1055, %div3A_1034 : i32
        %mul3A_1057 = arith.constant 8 : i32
        %mul3A_1058 = arith.muli %select_n3A_1056, %mul3A_1057 : i32
        %jit3A_1059 = arith.constant 8 : i32
        %eq3A_1060 = arith.constant 0 : i32
        %eq3A_1061 = arith.cmpi eq, %jit3A_1059, %eq3A_1060 : i32
        %jit3A_1062 = arith.constant 1 : i32
        %select_n3A_1063 = arith.select %eq3A_1061, %jit3A_1062, %jit3A_1059 : i32
        %rem3A_1064 = arith.remsi %add3A_501, %select_n3A_1063 : i32
        %ne3A_1065 = arith.constant 0 : i32
        %ne3A_1066 = arith.cmpi ne, %rem3A_1064, %ne3A_1065 : i32
        %lt3A_1067 = arith.constant 0 : i32
        %lt3A_1068 = arith.cmpi slt, %rem3A_1064, %lt3A_1067 : i32
        %lt3A_1069 = arith.constant 0 : i32
        %lt3A_1070 = arith.cmpi slt, %select_n3A_1063, %lt3A_1069 : i32
        %ne3A_1071 = arith.xori %lt3A_1068, %lt3A_1070 : i1
        %and3A_1072 = arith.andi %ne3A_1071, %ne3A_1066 : i1
        %add3A_1073 = arith.addi %rem3A_1064, %select_n3A_1063 : i32
        %select_n3A_1074 = arith.select %and3A_1072, %add3A_1073, %rem3A_1064 : i32
        %add3A_1075 = arith.addi %mul3A_1058, %select_n3A_1074 : i32
        %jit3A_1076 = arith.constant 128 : i32
        %eq3A_1077 = arith.constant 0 : i32
        %eq3A_1078 = arith.cmpi eq, %jit3A_1076, %eq3A_1077 : i32
        %jit3A_1079 = arith.constant 1 : i32
        %select_n3A_1080 = arith.select %eq3A_1078, %jit3A_1079, %jit3A_1076 : i32
        %rem3A_1081 = arith.remsi %add3A_1032, %select_n3A_1080 : i32
        %ne3A_1082 = arith.constant 0 : i32
        %ne3A_1083 = arith.cmpi ne, %rem3A_1081, %ne3A_1082 : i32
        %lt3A_1084 = arith.constant 0 : i32
        %lt3A_1085 = arith.cmpi slt, %rem3A_1081, %lt3A_1084 : i32
        %lt3A_1086 = arith.constant 0 : i32
        %lt3A_1087 = arith.cmpi slt, %select_n3A_1080, %lt3A_1086 : i32
        %ne3A_1088 = arith.xori %lt3A_1085, %lt3A_1087 : i1
        %and3A_1089 = arith.andi %ne3A_1088, %ne3A_1083 : i1
        %add3A_1090 = arith.addi %rem3A_1081, %select_n3A_1080 : i32
        %select_n3A_1091 = arith.select %and3A_1089, %add3A_1090, %rem3A_1081 : i32
        %dma_wait3A_1092 = arith.constant 0 : i32
        %dma_wait3A_1093 = arith.constant 0 : i32
        %dma_wait3A_1094 = arith.constant 0 : i32
        %dma_wait3A_1095 = arith.constant 0 : i32
        %dma_wait3A_1096 = tpu.memref_slice %arg7[%dma_wait3A_1092, %dma_wait3A_1093, %dma_wait3A_1094, %dma_wait3A_1095] : memref<2x8x8x129xf32, #tpu.memory_space<vmem>> -> memref<1x8x8x128xf32, #tpu.memory_space<vmem>>
        %dma_wait3A_1097 = tpu.memref_squeeze %dma_wait3A_1096 : memref<1x8x8x128xf32, #tpu.memory_space<vmem>> -> memref<8x8x128xf32, #tpu.memory_space<vmem>>
        %dma_wait3A_1098 = arith.constant 0 : i32
        %dma_wait3A_1099 = arith.constant 0 : i32
        %dma_wait3A_1100 = arith.constant 0 : i32
        %dma_wait3A_1101 = tpu.memref_slice %arg4[%add3A_1075, %dma_wait3A_1098, %select_n3A_1091, %dma_wait3A_1099, %dma_wait3A_1100] : memref<200x8x128x8x128xf32, #tpu.memory_space<hbm>> -> memref<1x8x1x8x128xf32, #tpu.memory_space<hbm>>
        %dma_wait3A_1102 = tpu.memref_squeeze %dma_wait3A_1101 : memref<1x8x1x8x128xf32, #tpu.memory_space<hbm>> -> memref<8x8x128xf32, #tpu.memory_space<hbm>>
        %dma_wait3A_1103 = arith.constant 0 : i32
        %dma_wait3A_1104 = arith.constant 0 : i32
        %dma_wait3A_1105 = arith.constant 0 : i32
        %dma_wait3A_1106 = tpu.memref_slice %arg4[%add3A_1075, %dma_wait3A_1103, %select_n3A_1091, %dma_wait3A_1104, %dma_wait3A_1105] : memref<200x8x128x8x128xf32, #tpu.memory_space<hbm>> -> memref<1x8x1x8x128xf32, #tpu.memory_space<hbm>>
        %dma_wait3A_1107 = tpu.memref_squeeze %dma_wait3A_1106 : memref<1x8x1x8x128xf32, #tpu.memory_space<hbm>> -> memref<8x8x128xf32, #tpu.memory_space<hbm>>
        %dma_wait3A_1108 = arith.constant 0 : i32
        %dma_wait3A_1109 = arith.constant 0 : i32
        %dma_wait3A_1110 = arith.constant 0 : i32
        %dma_wait3A_1111 = tpu.memref_slice %arg7[%dma_wait3A_1092, %dma_wait3A_1108, %dma_wait3A_1109, %dma_wait3A_1110] : memref<2x8x8x129xf32, #tpu.memory_space<vmem>> -> memref<1x8x8x128xf32, #tpu.memory_space<vmem>>
        %dma_wait3A_1112 = tpu.memref_squeeze %dma_wait3A_1111 : memref<1x8x8x128xf32, #tpu.memory_space<vmem>> -> memref<8x8x128xf32, #tpu.memory_space<vmem>>
        tpu.wait_dma2 semaphore(%arg9 : memref<!tpu.dma_semaphore, #tpu.memory_space<semaphore_mem>>) src(%dma_wait3A_1112 : memref<8x8x128xf32, #tpu.memory_space<vmem>>) dst(%dma_wait3A_1107 : memref<8x8x128xf32, #tpu.memory_space<hbm>>)
      } else {
      }
      %parallel_loop3A = arith.constant 0 : i32
      %parallel_loop3A_644 = arith.constant 64 : i32
      %parallel_loop3A_645 = arith.constant 1 : i32
      scf.for %parallel_loop3A_1008 = %parallel_loop3A to %parallel_loop3A_644 step %parallel_loop3A_645  : i32 {
        %parallel_loop3A_1009 = arith.constant 2 : i32
        %parallel_loop3A_1010 = arith.muli %parallel_loop3A_1008, %parallel_loop3A_1009 : i32
        %parallel_loop3A_1011 = vector.broadcast %parallel_loop3A_1010 : i32 to vector<16xi32>
        %parallel_loop3A_1012 = arith.constant 2 : i32
        %parallel_loop3A_1013 = arith.muli %parallel_loop3A_1008, %parallel_loop3A_1012 : i32
        %parallel_loop3A_1014 = arith.constant 0 : i32
        %parallel_loop3A_1015 = arith.addi %parallel_loop3A_1013, %parallel_loop3A_1014 : i32
        %parallel_loop3A_1016 = arith.constant 0 : i32
        %parallel_loop3A_1017 = arith.index_cast %parallel_loop3A_1016 : i32 to index
        %parallel_loop3A_1018 = arith.index_cast %parallel_loop3A_1015 : i32 to index
        %parallel_loop3A_1019 = arith.constant 0 : index
        %parallel_loop3A_1020 = tpu.vector_load %arg6[%parallel_loop3A_1017, %parallel_loop3A_1018, %parallel_loop3A_1019] {strides = array<i32>} : memref<2x128x64xf32, #tpu.memory_space<vmem>>, vector<16xf32>,
        %parallel_loop3A_1021 = arith.constant 0 : i32
        %parallel_loop3A_1022 = vector.broadcast %parallel_loop3A_1021 : i32 to vector<16xi32>
        %parallel_loop3A_1023 = arith.addi %parallel_loop3A_1011, %parallel_loop3A_1022 : vector<16xi32>
        %parallel_loop3A_1024 = arith.constant 0 : i32
        %parallel_loop3A_1025 = arith.constant 0 : i32
        %parallel_loop3A_1026 = arith.constant 0 : i32
        %parallel_loop3A_1027 = arith.constant 0 : i32
        %parallel_loop3A_1028 = tpu.memref_slice %arg7[%parallel_loop3A_1024, %parallel_loop3A_1025, %parallel_loop3A_1026, %parallel_loop3A_1027] : memref<2x8x8x129xf32, #tpu.memory_space<vmem>> -> memref<1x8x8x129xf32, #tpu.memory_space<vmem>>
        %parallel_loop3A_1029 = tpu.memref_squeeze %parallel_loop3A_1028 : memref<1x8x8x129xf32, #tpu.memory_space<vmem>> -> memref<8x8x129xf32, #tpu.memory_space<vmem>>
        tpu.vector_store_idx %parallel_loop3A_1029[%select_n3A, %select_n3A_51, %parallel_loop3A_1023], %parallel_loop3A_1020 : memref<8x8x129xf32, #tpu.memory_space<vmem>>[vector<16xi32>, vector<16xi32>, vector<16xi32>], vector<16xf32>,
        %parallel_loop3A_1030 = arith.constant 2 : i32
        %parallel_loop3A_1031 = arith.muli %parallel_loop3A_1008, %parallel_loop3A_1030 : i32
        %parallel_loop3A_1032 = arith.constant 1 : i32
        %parallel_loop3A_1033 = arith.addi %parallel_loop3A_1031, %parallel_loop3A_1032 : i32
        %parallel_loop3A_1034 = arith.constant 0 : i32
        %parallel_loop3A_1035 = arith.index_cast %parallel_loop3A_1034 : i32 to index
        %parallel_loop3A_1036 = arith.index_cast %parallel_loop3A_1033 : i32 to index
        %parallel_loop3A_1037 = arith.constant 0 : index
        %parallel_loop3A_1038 = tpu.vector_load %arg6[%parallel_loop3A_1035, %parallel_loop3A_1036, %parallel_loop3A_1037] {strides = array<i32>} : memref<2x128x64xf32, #tpu.memory_space<vmem>>, vector<16xf32>,
        %parallel_loop3A_1039 = arith.constant 1 : i32
        %parallel_loop3A_1040 = vector.broadcast %parallel_loop3A_1039 : i32 to vector<16xi32>
        %parallel_loop3A_1041 = arith.addi %parallel_loop3A_1011, %parallel_loop3A_1040 : vector<16xi32>
        %parallel_loop3A_1042 = arith.constant 0 : i32
        %parallel_loop3A_1043 = arith.constant 0 : i32
        %parallel_loop3A_1044 = arith.constant 0 : i32
        %parallel_loop3A_1045 = arith.constant 0 : i32
        %parallel_loop3A_1046 = tpu.memref_slice %arg7[%parallel_loop3A_1042, %parallel_loop3A_1043, %parallel_loop3A_1044, %parallel_loop3A_1045] : memref<2x8x8x129xf32, #tpu.memory_space<vmem>> -> memref<1x8x8x129xf32, #tpu.memory_space<vmem>>
        %parallel_loop3A_1047 = tpu.memref_squeeze %parallel_loop3A_1046 : memref<1x8x8x129xf32, #tpu.memory_space<vmem>> -> memref<8x8x129xf32, #tpu.memory_space<vmem>>
        tpu.vector_store_idx %parallel_loop3A_1047[%select_n3A, %select_n3A_51, %parallel_loop3A_1041], %parallel_loop3A_1038 : memref<8x8x129xf32, #tpu.memory_space<vmem>>[vector<16xi32>, vector<16xi32>, vector<16xi32>], vector<16xf32>,
        %parallel_loop3A_1048 = arith.constant 2 : i32
        %parallel_loop3A_1049 = arith.muli %parallel_loop3A_1008, %parallel_loop3A_1048 : i32
        %parallel_loop3A_1050 = arith.constant 0 : i32
        %parallel_loop3A_1051 = arith.addi %parallel_loop3A_1049, %parallel_loop3A_1050 : i32
        %parallel_loop3A_1052 = arith.constant 0 : i32
        %parallel_loop3A_1053 = arith.index_cast %parallel_loop3A_1052 : i32 to index
        %parallel_loop3A_1054 = arith.index_cast %parallel_loop3A_1051 : i32 to index
        %parallel_loop3A_1055 = arith.constant 16 : index
        %parallel_loop3A_1056 = tpu.vector_load %arg6[%parallel_loop3A_1053, %parallel_loop3A_1054, %parallel_loop3A_1055] {strides = array<i32>} : memref<2x128x64xf32, #tpu.memory_space<vmem>>, vector<16xf32>,
        %parallel_loop3A_1057 = arith.constant 0 : i32
        %parallel_loop3A_1058 = vector.broadcast %parallel_loop3A_1057 : i32 to vector<16xi32>
        %parallel_loop3A_1059 = arith.addi %parallel_loop3A_1011, %parallel_loop3A_1058 : vector<16xi32>
        %parallel_loop3A_1060 = arith.constant 0 : i32
        %parallel_loop3A_1061 = arith.constant 0 : i32
        %parallel_loop3A_1062 = arith.constant 0 : i32
        %parallel_loop3A_1063 = arith.constant 0 : i32
        %parallel_loop3A_1064 = tpu.memref_slice %arg7[%parallel_loop3A_1060, %parallel_loop3A_1061, %parallel_loop3A_1062, %parallel_loop3A_1063] : memref<2x8x8x129xf32, #tpu.memory_space<vmem>> -> memref<1x8x8x129xf32, #tpu.memory_space<vmem>>
        %parallel_loop3A_1065 = tpu.memref_squeeze %parallel_loop3A_1064 : memref<1x8x8x129xf32, #tpu.memory_space<vmem>> -> memref<8x8x129xf32, #tpu.memory_space<vmem>>
        tpu.vector_store_idx %parallel_loop3A_1065[%select_n3A_85, %select_n3A_110, %parallel_loop3A_1059], %parallel_loop3A_1056 : memref<8x8x129xf32, #tpu.memory_space<vmem>>[vector<16xi32>, vector<16xi32>, vector<16xi32>], vector<16xf32>,
        %parallel_loop3A_1066 = arith.constant 2 : i32
        %parallel_loop3A_1067 = arith.muli %parallel_loop3A_1008, %parallel_loop3A_1066 : i32
        %parallel_loop3A_1068 = arith.constant 1 : i32
        %parallel_loop3A_1069 = arith.addi %parallel_loop3A_1067, %parallel_loop3A_1068 : i32
        %parallel_loop3A_1070 = arith.constant 0 : i32
        %parallel_loop3A_1071 = arith.index_cast %parallel_loop3A_1070 : i32 to index
        %parallel_loop3A_1072 = arith.index_cast %parallel_loop3A_1069 : i32 to index
        %parallel_loop3A_1073 = arith.constant 16 : index
        %parallel_loop3A_1074 = tpu.vector_load %arg6[%parallel_loop3A_1071, %parallel_loop3A_1072, %parallel_loop3A_1073] {strides = array<i32>} : memref<2x128x64xf32, #tpu.memory_space<vmem>>, vector<16xf32>,
        %parallel_loop3A_1075 = arith.constant 1 : i32
        %parallel_loop3A_1076 = vector.broadcast %parallel_loop3A_1075 : i32 to vector<16xi32>
        %parallel_loop3A_1077 = arith.addi %parallel_loop3A_1011, %parallel_loop3A_1076 : vector<16xi32>
        %parallel_loop3A_1078 = arith.constant 0 : i32
        %parallel_loop3A_1079 = arith.constant 0 : i32
        %parallel_loop3A_1080 = arith.constant 0 : i32
        %parallel_loop3A_1081 = arith.constant 0 : i32
        %parallel_loop3A_1082 = tpu.memref_slice %arg7[%parallel_loop3A_1078, %parallel_loop3A_1079, %parallel_loop3A_1080, %parallel_loop3A_1081] : memref<2x8x8x129xf32, #tpu.memory_space<vmem>> -> memref<1x8x8x129xf32, #tpu.memory_space<vmem>>
        %parallel_loop3A_1083 = tpu.memref_squeeze %parallel_loop3A_1082 : memref<1x8x8x129xf32, #tpu.memory_space<vmem>> -> memref<8x8x129xf32, #tpu.memory_space<vmem>>
        tpu.vector_store_idx %parallel_loop3A_1083[%select_n3A_85, %select_n3A_110, %parallel_loop3A_1077], %parallel_loop3A_1074 : memref<8x8x129xf32, #tpu.memory_space<vmem>>[vector<16xi32>, vector<16xi32>, vector<16xi32>], vector<16xf32>,
        %parallel_loop3A_1084 = arith.constant 2 : i32
        %parallel_loop3A_1085 = arith.muli %parallel_loop3A_1008, %parallel_loop3A_1084 : i32
        %parallel_loop3A_1086 = arith.constant 0 : i32
        %parallel_loop3A_1087 = arith.addi %parallel_loop3A_1085, %parallel_loop3A_1086 : i32
        %parallel_loop3A_1088 = arith.constant 0 : i32
        %parallel_loop3A_1089 = arith.index_cast %parallel_loop3A_1088 : i32 to index
        %parallel_loop3A_1090 = arith.index_cast %parallel_loop3A_1087 : i32 to index
        %parallel_loop3A_1091 = arith.constant 32 : index
        %parallel_loop3A_1092 = tpu.vector_load %arg6[%parallel_loop3A_1089, %parallel_loop3A_1090, %parallel_loop3A_1091] {strides = array<i32>} : memref<2x128x64xf32, #tpu.memory_space<vmem>>, vector<16xf32>,
        %parallel_loop3A_1093 = arith.constant 0 : i32
        %parallel_loop3A_1094 = vector.broadcast %parallel_loop3A_1093 : i32 to vector<16xi32>
        %parallel_loop3A_1095 = arith.addi %parallel_loop3A_1011, %parallel_loop3A_1094 : vector<16xi32>
        %parallel_loop3A_1096 = arith.constant 0 : i32
        %parallel_loop3A_1097 = arith.constant 0 : i32
        %parallel_loop3A_1098 = arith.constant 0 : i32
        %parallel_loop3A_1099 = arith.constant 0 : i32
        %parallel_loop3A_1100 = tpu.memref_slice %arg7[%parallel_loop3A_1096, %parallel_loop3A_1097, %parallel_loop3A_1098, %parallel_loop3A_1099] : memref<2x8x8x129xf32, #tpu.memory_space<vmem>> -> memref<1x8x8x129xf32, #tpu.memory_space<vmem>>
        %parallel_loop3A_1101 = tpu.memref_squeeze %parallel_loop3A_1100 : memref<1x8x8x129xf32, #tpu.memory_space<vmem>> -> memref<8x8x129xf32, #tpu.memory_space<vmem>>
        tpu.vector_store_idx %parallel_loop3A_1101[%select_n3A_144, %select_n3A_169, %parallel_loop3A_1095], %parallel_loop3A_1092 : memref<8x8x129xf32, #tpu.memory_space<vmem>>[vector<16xi32>, vector<16xi32>, vector<16xi32>], vector<16xf32>,
        %parallel_loop3A_1102 = arith.constant 2 : i32
        %parallel_loop3A_1103 = arith.muli %parallel_loop3A_1008, %parallel_loop3A_1102 : i32
        %parallel_loop3A_1104 = arith.constant 1 : i32
        %parallel_loop3A_1105 = arith.addi %parallel_loop3A_1103, %parallel_loop3A_1104 : i32
        %parallel_loop3A_1106 = arith.constant 0 : i32
        %parallel_loop3A_1107 = arith.index_cast %parallel_loop3A_1106 : i32 to index
        %parallel_loop3A_1108 = arith.index_cast %parallel_loop3A_1105 : i32 to index
        %parallel_loop3A_1109 = arith.constant 32 : index
        %parallel_loop3A_1110 = tpu.vector_load %arg6[%parallel_loop3A_1107, %parallel_loop3A_1108, %parallel_loop3A_1109] {strides = array<i32>} : memref<2x128x64xf32, #tpu.memory_space<vmem>>, vector<16xf32>,
        %parallel_loop3A_1111 = arith.constant 1 : i32
        %parallel_loop3A_1112 = vector.broadcast %parallel_loop3A_1111 : i32 to vector<16xi32>
        %parallel_loop3A_1113 = arith.addi %parallel_loop3A_1011, %parallel_loop3A_1112 : vector<16xi32>
        %parallel_loop3A_1114 = arith.constant 0 : i32
        %parallel_loop3A_1115 = arith.constant 0 : i32
        %parallel_loop3A_1116 = arith.constant 0 : i32
        %parallel_loop3A_1117 = arith.constant 0 : i32
        %parallel_loop3A_1118 = tpu.memref_slice %arg7[%parallel_loop3A_1114, %parallel_loop3A_1115, %parallel_loop3A_1116, %parallel_loop3A_1117] : memref<2x8x8x129xf32, #tpu.memory_space<vmem>> -> memref<1x8x8x129xf32, #tpu.memory_space<vmem>>
        %parallel_loop3A_1119 = tpu.memref_squeeze %parallel_loop3A_1118 : memref<1x8x8x129xf32, #tpu.memory_space<vmem>> -> memref<8x8x129xf32, #tpu.memory_space<vmem>>
        tpu.vector_store_idx %parallel_loop3A_1119[%select_n3A_144, %select_n3A_169, %parallel_loop3A_1113], %parallel_loop3A_1110 : memref<8x8x129xf32, #tpu.memory_space<vmem>>[vector<16xi32>, vector<16xi32>, vector<16xi32>], vector<16xf32>,
        %parallel_loop3A_1120 = arith.constant 2 : i32
        %parallel_loop3A_1121 = arith.muli %parallel_loop3A_1008, %parallel_loop3A_1120 : i32
        %parallel_loop3A_1122 = arith.constant 0 : i32
        %parallel_loop3A_1123 = arith.addi %parallel_loop3A_1121, %parallel_loop3A_1122 : i32
        %parallel_loop3A_1124 = arith.constant 0 : i32
        %parallel_loop3A_1125 = arith.index_cast %parallel_loop3A_1124 : i32 to index
        %parallel_loop3A_1126 = arith.index_cast %parallel_loop3A_1123 : i32 to index
        %parallel_loop3A_1127 = arith.constant 48 : index
        %parallel_loop3A_1128 = tpu.vector_load %arg6[%parallel_loop3A_1125, %parallel_loop3A_1126, %parallel_loop3A_1127] {strides = array<i32>} : memref<2x128x64xf32, #tpu.memory_space<vmem>>, vector<16xf32>,
        %parallel_loop3A_1129 = arith.constant 0 : i32
        %parallel_loop3A_1130 = vector.broadcast %parallel_loop3A_1129 : i32 to vector<16xi32>
        %parallel_loop3A_1131 = arith.addi %parallel_loop3A_1011, %parallel_loop3A_1130 : vector<16xi32>
        %parallel_loop3A_1132 = arith.constant 0 : i32
        %parallel_loop3A_1133 = arith.constant 0 : i32
        %parallel_loop3A_1134 = arith.constant 0 : i32
        %parallel_loop3A_1135 = arith.constant 0 : i32
        %parallel_loop3A_1136 = tpu.memref_slice %arg7[%parallel_loop3A_1132, %parallel_loop3A_1133, %parallel_loop3A_1134, %parallel_loop3A_1135] : memref<2x8x8x129xf32, #tpu.memory_space<vmem>> -> memref<1x8x8x129xf32, #tpu.memory_space<vmem>>
        %parallel_loop3A_1137 = tpu.memref_squeeze %parallel_loop3A_1136 : memref<1x8x8x129xf32, #tpu.memory_space<vmem>> -> memref<8x8x129xf32, #tpu.memory_space<vmem>>
        tpu.vector_store_idx %parallel_loop3A_1137[%select_n3A_203, %select_n3A_228, %parallel_loop3A_1131], %parallel_loop3A_1128 : memref<8x8x129xf32, #tpu.memory_space<vmem>>[vector<16xi32>, vector<16xi32>, vector<16xi32>], vector<16xf32>,
        %parallel_loop3A_1138 = arith.constant 2 : i32
        %parallel_loop3A_1139 = arith.muli %parallel_loop3A_1008, %parallel_loop3A_1138 : i32
        %parallel_loop3A_1140 = arith.constant 1 : i32
        %parallel_loop3A_1141 = arith.addi %parallel_loop3A_1139, %parallel_loop3A_1140 : i32
        %parallel_loop3A_1142 = arith.constant 0 : i32
        %parallel_loop3A_1143 = arith.index_cast %parallel_loop3A_1142 : i32 to index
        %parallel_loop3A_1144 = arith.index_cast %parallel_loop3A_1141 : i32 to index
        %parallel_loop3A_1145 = arith.constant 48 : index
        %parallel_loop3A_1146 = tpu.vector_load %arg6[%parallel_loop3A_1143, %parallel_loop3A_1144, %parallel_loop3A_1145] {strides = array<i32>} : memref<2x128x64xf32, #tpu.memory_space<vmem>>, vector<16xf32>,
        %parallel_loop3A_1147 = arith.constant 1 : i32
        %parallel_loop3A_1148 = vector.broadcast %parallel_loop3A_1147 : i32 to vector<16xi32>
        %parallel_loop3A_1149 = arith.addi %parallel_loop3A_1011, %parallel_loop3A_1148 : vector<16xi32>
        %parallel_loop3A_1150 = arith.constant 0 : i32
        %parallel_loop3A_1151 = arith.constant 0 : i32
        %parallel_loop3A_1152 = arith.constant 0 : i32
        %parallel_loop3A_1153 = arith.constant 0 : i32
        %parallel_loop3A_1154 = tpu.memref_slice %arg7[%parallel_loop3A_1150, %parallel_loop3A_1151, %parallel_loop3A_1152, %parallel_loop3A_1153] : memref<2x8x8x129xf32, #tpu.memory_space<vmem>> -> memref<1x8x8x129xf32, #tpu.memory_space<vmem>>
        %parallel_loop3A_1155 = tpu.memref_squeeze %parallel_loop3A_1154 : memref<1x8x8x129xf32, #tpu.memory_space<vmem>> -> memref<8x8x129xf32, #tpu.memory_space<vmem>>
        tpu.vector_store_idx %parallel_loop3A_1155[%select_n3A_203, %select_n3A_228, %parallel_loop3A_1149], %parallel_loop3A_1146 : memref<8x8x129xf32, #tpu.memory_space<vmem>>[vector<16xi32>, vector<16xi32>, vector<16xi32>], vector<16xf32>,
      } {sc.loop_unroll_factor = 8 : i64, sc.parallel_access}
      %jit3A_646 = arith.constant 8 : i32
      %div3A_647 = arith.divsi %add3A_501, %jit3A_646 : i32
      %sign3A_648 = arith.constant 0 : i32
      %sign3A_649 = arith.cmpi sgt, %add3A_501, %sign3A_648 : i32
      %sign3A_650 = arith.extui %sign3A_649 : i1 to i32
      %sign3A_651 = arith.constant 0 : i32
      %sign3A_652 = arith.cmpi slt, %add3A_501, %sign3A_651 : i32
      %sign3A_653 = arith.extui %sign3A_652 : i1 to i32
      %sign3A_654 = arith.subi %sign3A_650, %sign3A_653 : i32
      %sign3A_655 = arith.constant 0 : i32
      %sign3A_656 = arith.cmpi sgt, %jit3A_646, %sign3A_655 : i32
      %sign3A_657 = arith.extui %sign3A_656 : i1 to i32
      %sign3A_658 = arith.constant 0 : i32
      %sign3A_659 = arith.cmpi slt, %jit3A_646, %sign3A_658 : i32
      %sign3A_660 = arith.extui %sign3A_659 : i1 to i32
      %sign3A_661 = arith.subi %sign3A_657, %sign3A_660 : i32
      %ne3A_662 = arith.cmpi ne, %sign3A_654, %sign3A_661 : i32
      %rem3A_663 = arith.remsi %add3A_501, %jit3A_646 : i32
      %ne3A_664 = arith.constant 0 : i32
      %ne3A_665 = arith.cmpi ne, %rem3A_663, %ne3A_664 : i32
      %and3A_666 = arith.andi %ne3A_662, %ne3A_665 : i1
      %sub3A_667 = arith.constant 1 : i32
      %sub3A_668 = arith.subi %div3A_647, %sub3A_667 : i32
      %select_n3A_669 = arith.select %and3A_666, %sub3A_668, %div3A_647 : i32
      %add3A_670 = arith.addi %mul3A_2, %select_n3A_669 : i32
      %jit3A_671 = arith.constant 128 : i32
      %div3A_672 = arith.divsi %add3A_670, %jit3A_671 : i32
      %sign3A_673 = arith.constant 0 : i32
      %sign3A_674 = arith.cmpi sgt, %add3A_670, %sign3A_673 : i32
      %sign3A_675 = arith.extui %sign3A_674 : i1 to i32
      %sign3A_676 = arith.constant 0 : i32
      %sign3A_677 = arith.cmpi slt, %add3A_670, %sign3A_676 : i32
      %sign3A_678 = arith.extui %sign3A_677 : i1 to i32
      %sign3A_679 = arith.subi %sign3A_675, %sign3A_678 : i32
      %sign3A_680 = arith.constant 0 : i32
      %sign3A_681 = arith.cmpi sgt, %jit3A_671, %sign3A_680 : i32
      %sign3A_682 = arith.extui %sign3A_681 : i1 to i32
      %sign3A_683 = arith.constant 0 : i32
      %sign3A_684 = arith.cmpi slt, %jit3A_671, %sign3A_683 : i32
      %sign3A_685 = arith.extui %sign3A_684 : i1 to i32
      %sign3A_686 = arith.subi %sign3A_682, %sign3A_685 : i32
      %ne3A_687 = arith.cmpi ne, %sign3A_679, %sign3A_686 : i32
      %rem3A_688 = arith.remsi %add3A_670, %jit3A_671 : i32
      %ne3A_689 = arith.constant 0 : i32
      %ne3A_690 = arith.cmpi ne, %rem3A_688, %ne3A_689 : i32
      %and3A_691 = arith.andi %ne3A_687, %ne3A_690 : i1
      %sub3A_692 = arith.constant 1 : i32
      %sub3A_693 = arith.subi %div3A_672, %sub3A_692 : i32
      %select_n3A_694 = arith.select %and3A_691, %sub3A_693, %div3A_672 : i32
      %mul3A_695 = arith.constant 8 : i32
      %mul3A_696 = arith.muli %select_n3A_694, %mul3A_695 : i32
      %jit3A_697 = arith.constant 8 : i32
      %eq3A_698 = arith.constant 0 : i32
      %eq3A_699 = arith.cmpi eq, %jit3A_697, %eq3A_698 : i32
      %jit3A_700 = arith.constant 1 : i32
      %select_n3A_701 = arith.select %eq3A_699, %jit3A_700, %jit3A_697 : i32
      %rem3A_702 = arith.remsi %add3A_501, %select_n3A_701 : i32
      %ne3A_703 = arith.constant 0 : i32
      %ne3A_704 = arith.cmpi ne, %rem3A_702, %ne3A_703 : i32
      %lt3A_705 = arith.constant 0 : i32
      %lt3A_706 = arith.cmpi slt, %rem3A_702, %lt3A_705 : i32
      %lt3A_707 = arith.constant 0 : i32
      %lt3A_708 = arith.cmpi slt, %select_n3A_701, %lt3A_707 : i32
      %ne3A_709 = arith.xori %lt3A_706, %lt3A_708 : i1
      %and3A_710 = arith.andi %ne3A_709, %ne3A_704 : i1
      %add3A_711 = arith.addi %rem3A_702, %select_n3A_701 : i32
      %select_n3A_712 = arith.select %and3A_710, %add3A_711, %rem3A_702 : i32
      %add3A_713 = arith.addi %mul3A_696, %select_n3A_712 : i32
      %jit3A_714 = arith.constant 128 : i32
      %eq3A_715 = arith.constant 0 : i32
      %eq3A_716 = arith.cmpi eq, %jit3A_714, %eq3A_715 : i32
      %jit3A_717 = arith.constant 1 : i32
      %select_n3A_718 = arith.select %eq3A_716, %jit3A_717, %jit3A_714 : i32
      %rem3A_719 = arith.remsi %add3A_670, %select_n3A_718 : i32
      %ne3A_720 = arith.constant 0 : i32
      %ne3A_721 = arith.cmpi ne, %rem3A_719, %ne3A_720 : i32
      %lt3A_722 = arith.constant 0 : i32
      %lt3A_723 = arith.cmpi slt, %rem3A_719, %lt3A_722 : i32
      %lt3A_724 = arith.constant 0 : i32
      %lt3A_725 = arith.cmpi slt, %select_n3A_718, %lt3A_724 : i32
      %ne3A_726 = arith.xori %lt3A_723, %lt3A_725 : i1
      %and3A_727 = arith.andi %ne3A_726, %ne3A_721 : i1
      %add3A_728 = arith.addi %rem3A_719, %select_n3A_718 : i32
      %select_n3A_729 = arith.select %and3A_727, %add3A_728, %rem3A_719 : i32
      %dma_start3A_730 = arith.constant 0 : i32
      %dma_start3A_731 = arith.constant 0 : i32
      %dma_start3A_732 = arith.constant 0 : i32
      %dma_start3A_733 = arith.constant 0 : i32
      %dma_start3A_734 = tpu.memref_slice %arg7[%dma_start3A_730, %dma_start3A_731, %dma_start3A_732, %dma_start3A_733] : memref<2x8x8x129xf32, #tpu.memory_space<vmem>> -> memref<1x8x8x128xf32, #tpu.memory_space<vmem>>
      %dma_start3A_735 = tpu.memref_squeeze %dma_start3A_734 : memref<1x8x8x128xf32, #tpu.memory_space<vmem>> -> memref<8x8x128xf32, #tpu.memory_space<vmem>>
      %dma_start3A_736 = arith.constant 0 : i32
      %dma_start3A_737 = arith.constant 0 : i32
      %dma_start3A_738 = arith.constant 0 : i32
      %dma_start3A_739 = tpu.memref_slice %arg4[%add3A_713, %dma_start3A_736, %select_n3A_729, %dma_start3A_737, %dma_start3A_738] : memref<200x8x128x8x128xf32, #tpu.memory_space<hbm>> -> memref<1x8x1x8x128xf32, #tpu.memory_space<hbm>>
      %dma_start3A_740 = tpu.memref_squeeze %dma_start3A_739 : memref<1x8x1x8x128xf32, #tpu.memory_space<hbm>> -> memref<8x8x128xf32, #tpu.memory_space<hbm>>
      %dma_start3A_741 = arith.constant 0 : i32
      %dma_start3A_742 = arith.constant 0 : i32
      %dma_start3A_743 = arith.constant 0 : i32
      %dma_start3A_744 = tpu.memref_slice %arg4[%add3A_713, %dma_start3A_741, %select_n3A_729, %dma_start3A_742, %dma_start3A_743] : memref<200x8x128x8x128xf32, #tpu.memory_space<hbm>> -> memref<1x8x1x8x128xf32, #tpu.memory_space<hbm>>
      %dma_start3A_745 = tpu.memref_squeeze %dma_start3A_744 : memref<1x8x1x8x128xf32, #tpu.memory_space<hbm>> -> memref<8x8x128xf32, #tpu.memory_space<hbm>>
      %dma_start3A_746 = arith.constant 0 : i32
      %dma_start3A_747 = arith.constant 0 : i32
      %dma_start3A_748 = arith.constant 0 : i32
      %dma_start3A_749 = tpu.memref_slice %arg7[%dma_start3A_730, %dma_start3A_746, %dma_start3A_747, %dma_start3A_748] : memref<2x8x8x129xf32, #tpu.memory_space<vmem>> -> memref<1x8x8x128xf32, #tpu.memory_space<vmem>>
      %dma_start3A_750 = tpu.memref_squeeze %dma_start3A_749 : memref<1x8x8x128xf32, #tpu.memory_space<vmem>> -> memref<8x8x128xf32, #tpu.memory_space<vmem>>
      tpu.enqueue_dma source(%dma_start3A_750 : memref<8x8x128xf32, #tpu.memory_space<vmem>>) target(%dma_start3A_745 : memref<8x8x128xf32, #tpu.memory_space<hbm>>) target_semaphore(%arg9 : memref<!tpu.dma_semaphore, #tpu.memory_space<semaphore_mem>>)
      %mul3A_751 = arith.constant 2 : i32
      %mul3A_752 = arith.muli %mul3A_751, %scan3A_497 : i32
      %add3A_753 = arith.constant 1 : i32
      %add3A_754 = arith.addi %mul3A_752, %add3A_753 : i32
      %jit3A_755 = arith.constant 8 : i32
      %eq3A_756 = arith.constant 0 : i32
      %eq3A_757 = arith.cmpi eq, %jit3A_755, %eq3A_756 : i32
      %jit3A_758 = arith.constant 1 : i32
      %select_n3A_759 = arith.select %eq3A_757, %jit3A_758, %jit3A_755 : i32
      %rem3A_760 = arith.remsi %add3A_754, %select_n3A_759 : i32
      %ne3A_761 = arith.constant 0 : i32
      %ne3A_762 = arith.cmpi ne, %rem3A_760, %ne3A_761 : i32
      %lt3A_763 = arith.constant 0 : i32
      %lt3A_764 = arith.cmpi slt, %rem3A_760, %lt3A_763 : i32
      %lt3A_765 = arith.constant 0 : i32
      %lt3A_766 = arith.cmpi slt, %select_n3A_759, %lt3A_765 : i32
      %ne3A_767 = arith.xori %lt3A_764, %lt3A_766 : i1
      %and3A_768 = arith.andi %ne3A_767, %ne3A_762 : i1
      %add3A_769 = arith.addi %rem3A_760, %select_n3A_759 : i32
      %select_n3A_770 = arith.select %and3A_768, %add3A_769, %rem3A_760 : i32
      %jit3A_771 = arith.constant 8 : i32
      %div3A_772 = arith.divsi %add3A_754, %jit3A_771 : i32
      %sign3A_773 = arith.constant 0 : i32
      %sign3A_774 = arith.cmpi sgt, %add3A_754, %sign3A_773 : i32
      %sign3A_775 = arith.extui %sign3A_774 : i1 to i32
      %sign3A_776 = arith.constant 0 : i32
      %sign3A_777 = arith.cmpi slt, %add3A_754, %sign3A_776 : i32
      %sign3A_778 = arith.extui %sign3A_777 : i1 to i32
      %sign3A_779 = arith.subi %sign3A_775, %sign3A_778 : i32
      %sign3A_780 = arith.constant 0 : i32
      %sign3A_781 = arith.cmpi sgt, %jit3A_771, %sign3A_780 : i32
      %sign3A_782 = arith.extui %sign3A_781 : i1 to i32
      %sign3A_783 = arith.constant 0 : i32
      %sign3A_784 = arith.cmpi slt, %jit3A_771, %sign3A_783 : i32
      %sign3A_785 = arith.extui %sign3A_784 : i1 to i32
      %sign3A_786 = arith.subi %sign3A_782, %sign3A_785 : i32
      %ne3A_787 = arith.cmpi ne, %sign3A_779, %sign3A_786 : i32
      %rem3A_788 = arith.remsi %add3A_754, %jit3A_771 : i32
      %ne3A_789 = arith.constant 0 : i32
      %ne3A_790 = arith.cmpi ne, %rem3A_788, %ne3A_789 : i32
      %and3A_791 = arith.andi %ne3A_787, %ne3A_790 : i1
      %sub3A_792 = arith.constant 1 : i32
      %sub3A_793 = arith.subi %div3A_772, %sub3A_792 : i32
      %select_n3A_794 = arith.select %and3A_791, %sub3A_793, %div3A_772 : i32
      %eq3A_795 = arith.constant 0 : i32
      %eq3A_796 = arith.cmpi eq, %select_n3A_770, %eq3A_795 : i32
      %convert_element_type3A_797 = arith.extui %eq3A_796 : i1 to i32
      %cond3A_798 = arith.constant 0 : i32
      %cond3A_799 = arith.cmpi ne, %convert_element_type3A_797, %cond3A_798 : i32
      scf.if %cond3A_799 {
        %lt3A_1008 = arith.constant 99 : i32
        %lt3A_1009 = arith.cmpi slt, %select_n3A_794, %lt3A_1008 : i32
        %convert_element_type3A_1010 = arith.extui %lt3A_1009 : i1 to i32
        %cond3A_1011 = arith.constant 0 : i32
        %cond3A_1012 = arith.cmpi ne, %convert_element_type3A_1010, %cond3A_1011 : i32
        scf.if %cond3A_1012 {
          %add3A_1013 = arith.constant 1 : i32
          %add3A_1014 = arith.addi %select_n3A_794, %add3A_1013 : i32
          %add3A_1015 = arith.constant 1 : i32
          %add3A_1016 = arith.addi %select_n3A_794, %add3A_1015 : i32
          %jit3A_1017 = arith.constant 2 : i32
          %eq3A_1018 = arith.constant 0 : i32
          %eq3A_1019 = arith.cmpi eq, %jit3A_1017, %eq3A_1018 : i32
          %jit3A_1020 = arith.constant 1 : i32
          %select_n3A_1021 = arith.select %eq3A_1019, %jit3A_1020, %jit3A_1017 : i32
          %rem3A_1022 = arith.remsi %add3A_1016, %select_n3A_1021 : i32
          %ne3A_1023 = arith.constant 0 : i32
          %ne3A_1024 = arith.cmpi ne, %rem3A_1022, %ne3A_1023 : i32
          %lt3A_1025 = arith.constant 0 : i32
          %lt3A_1026 = arith.cmpi slt, %rem3A_1022, %lt3A_1025 : i32
          %lt3A_1027 = arith.constant 0 : i32
          %lt3A_1028 = arith.cmpi slt, %select_n3A_1021, %lt3A_1027 : i32
          %ne3A_1029 = arith.xori %lt3A_1026, %lt3A_1028 : i1
          %and3A_1030 = arith.andi %ne3A_1029, %ne3A_1024 : i1
          %add3A_1031 = arith.addi %rem3A_1022, %select_n3A_1021 : i32
          %select_n3A_1032 = arith.select %and3A_1030, %add3A_1031, %rem3A_1022 : i32
          %add3A_1033 = arith.addi %mul3A_2, %add3A_1014 : i32
          %jit3A_1034 = arith.constant 128 : i32
          %div3A_1035 = arith.divsi %add3A_1033, %jit3A_1034 : i32
          %sign3A_1036 = arith.constant 0 : i32
          %sign3A_1037 = arith.cmpi sgt, %add3A_1033, %sign3A_1036 : i32
          %sign3A_1038 = arith.extui %sign3A_1037 : i1 to i32
          %sign3A_1039 = arith.constant 0 : i32
          %sign3A_1040 = arith.cmpi slt, %add3A_1033, %sign3A_1039 : i32
          %sign3A_1041 = arith.extui %sign3A_1040 : i1 to i32
          %sign3A_1042 = arith.subi %sign3A_1038, %sign3A_1041 : i32
          %sign3A_1043 = arith.constant 0 : i32
          %sign3A_1044 = arith.cmpi sgt, %jit3A_1034, %sign3A_1043 : i32
          %sign3A_1045 = arith.extui %sign3A_1044 : i1 to i32
          %sign3A_1046 = arith.constant 0 : i32
          %sign3A_1047 = arith.cmpi slt, %jit3A_1034, %sign3A_1046 : i32
          %sign3A_1048 = arith.extui %sign3A_1047 : i1 to i32
          %sign3A_1049 = arith.subi %sign3A_1045, %sign3A_1048 : i32
          %ne3A_1050 = arith.cmpi ne, %sign3A_1042, %sign3A_1049 : i32
          %rem3A_1051 = arith.remsi %add3A_1033, %jit3A_1034 : i32
          %ne3A_1052 = arith.constant 0 : i32
          %ne3A_1053 = arith.cmpi ne, %rem3A_1051, %ne3A_1052 : i32
          %and3A_1054 = arith.andi %ne3A_1050, %ne3A_1053 : i1
          %sub3A_1055 = arith.constant 1 : i32
          %sub3A_1056 = arith.subi %div3A_1035, %sub3A_1055 : i32
          %select_n3A_1057 = arith.select %and3A_1054, %sub3A_1056, %div3A_1035 : i32
          %jit3A_1058 = arith.constant 128 : i32
          %eq3A_1059 = arith.constant 0 : i32
          %eq3A_1060 = arith.cmpi eq, %jit3A_1058, %eq3A_1059 : i32
          %jit3A_1061 = arith.constant 1 : i32
          %select_n3A_1062 = arith.select %eq3A_1060, %jit3A_1061, %jit3A_1058 : i32
          %rem3A_1063 = arith.remsi %add3A_1033, %select_n3A_1062 : i32
          %ne3A_1064 = arith.constant 0 : i32
          %ne3A_1065 = arith.cmpi ne, %rem3A_1063, %ne3A_1064 : i32
          %lt3A_1066 = arith.constant 0 : i32
          %lt3A_1067 = arith.cmpi slt, %rem3A_1063, %lt3A_1066 : i32
          %lt3A_1068 = arith.constant 0 : i32
          %lt3A_1069 = arith.cmpi slt, %select_n3A_1062, %lt3A_1068 : i32
          %ne3A_1070 = arith.xori %lt3A_1067, %lt3A_1069 : i1
          %and3A_1071 = arith.andi %ne3A_1070, %ne3A_1065 : i1
          %add3A_1072 = arith.addi %rem3A_1063, %select_n3A_1062 : i32
          %select_n3A_1073 = arith.select %and3A_1071, %add3A_1072, %rem3A_1063 : i32
          %dma_start3A_1074 = arith.constant 0 : i32
          %dma_start3A_1075 = arith.constant 0 : i32
          %dma_start3A_1076 = tpu.memref_slice %arg5[%select_n3A_1032, %dma_start3A_1074, %dma_start3A_1075] : memref<2x8x128xi32, #tpu.memory_space<vmem>> -> memref<1x8x128xi32, #tpu.memory_space<vmem>>
          %dma_start3A_1077 = tpu.memref_squeeze %dma_start3A_1076 : memref<1x8x128xi32, #tpu.memory_space<vmem>> -> memref<8x128xi32, #tpu.memory_space<vmem>>
          %dma_start3A_1078 = arith.constant 0 : i32
          %dma_start3A_1079 = arith.constant 0 : i32
          %dma_start3A_1080 = tpu.memref_slice %arg2[%select_n3A_1057, %select_n3A_1073, %dma_start3A_1078, %dma_start3A_1079] : memref<25x128x8x128xi32, #tpu.memory_space<hbm>> -> memref<1x1x8x128xi32, #tpu.memory_space<hbm>>
          %dma_start3A_1081 = tpu.memref_squeeze %dma_start3A_1080 : memref<1x1x8x128xi32, #tpu.memory_space<hbm>> -> memref<8x128xi32, #tpu.memory_space<hbm>>
          %dma_start3A_1082 = arith.constant 0 : i32
          %dma_start3A_1083 = arith.constant 0 : i32
          %dma_start3A_1084 = tpu.memref_slice %arg5[%select_n3A_1032, %dma_start3A_1082, %dma_start3A_1083] : memref<2x8x128xi32, #tpu.memory_space<vmem>> -> memref<1x8x128xi32, #tpu.memory_space<vmem>>
          %dma_start3A_1085 = tpu.memref_squeeze %dma_start3A_1084 : memref<1x8x128xi32, #tpu.memory_space<vmem>> -> memref<8x128xi32, #tpu.memory_space<vmem>>
          %dma_start3A_1086 = arith.constant 0 : i32
          %dma_start3A_1087 = arith.constant 0 : i32
          %dma_start3A_1088 = tpu.memref_slice %arg2[%select_n3A_1057, %select_n3A_1073, %dma_start3A_1086, %dma_start3A_1087] : memref<25x128x8x128xi32, #tpu.memory_space<hbm>> -> memref<1x1x8x128xi32, #tpu.memory_space<hbm>>
          %dma_start3A_1089 = tpu.memref_squeeze %dma_start3A_1088 : memref<1x1x8x128xi32, #tpu.memory_space<hbm>> -> memref<8x128xi32, #tpu.memory_space<hbm>>
          tpu.enqueue_dma source(%dma_start3A_1089 : memref<8x128xi32, #tpu.memory_space<hbm>>) target(%dma_start3A_1085 : memref<8x128xi32, #tpu.memory_space<vmem>>) target_semaphore(%arg11 : memref<!tpu.dma_semaphore, #tpu.memory_space<semaphore_mem>>)
        } else {
        }
      } else {
      }
      %jit3A_800 = arith.constant 8 : i32
      %div3A_801 = arith.divsi %add3A_754, %jit3A_800 : i32
      %sign3A_802 = arith.constant 0 : i32
      %sign3A_803 = arith.cmpi sgt, %add3A_754, %sign3A_802 : i32
      %sign3A_804 = arith.extui %sign3A_803 : i1 to i32
      %sign3A_805 = arith.constant 0 : i32
      %sign3A_806 = arith.cmpi slt, %add3A_754, %sign3A_805 : i32
      %sign3A_807 = arith.extui %sign3A_806 : i1 to i32
      %sign3A_808 = arith.subi %sign3A_804, %sign3A_807 : i32
      %sign3A_809 = arith.constant 0 : i32
      %sign3A_810 = arith.cmpi sgt, %jit3A_800, %sign3A_809 : i32
      %sign3A_811 = arith.extui %sign3A_810 : i1 to i32
      %sign3A_812 = arith.constant 0 : i32
      %sign3A_813 = arith.cmpi slt, %jit3A_800, %sign3A_812 : i32
      %sign3A_814 = arith.extui %sign3A_813 : i1 to i32
      %sign3A_815 = arith.subi %sign3A_811, %sign3A_814 : i32
      %ne3A_816 = arith.cmpi ne, %sign3A_808, %sign3A_815 : i32
      %rem3A_817 = arith.remsi %add3A_754, %jit3A_800 : i32
      %ne3A_818 = arith.constant 0 : i32
      %ne3A_819 = arith.cmpi ne, %rem3A_817, %ne3A_818 : i32
      %and3A_820 = arith.andi %ne3A_816, %ne3A_819 : i1
      %sub3A_821 = arith.constant 1 : i32
      %sub3A_822 = arith.subi %div3A_801, %sub3A_821 : i32
      %select_n3A_823 = arith.select %and3A_820, %sub3A_822, %div3A_801 : i32
      %jit3A_824 = arith.constant 2 : i32
      %eq3A_825 = arith.constant 0 : i32
      %eq3A_826 = arith.cmpi eq, %jit3A_824, %eq3A_825 : i32
      %jit3A_827 = arith.constant 1 : i32
      %select_n3A_828 = arith.select %eq3A_826, %jit3A_827, %jit3A_824 : i32
      %rem3A_829 = arith.remsi %select_n3A_823, %select_n3A_828 : i32
      %ne3A_830 = arith.constant 0 : i32
      %ne3A_831 = arith.cmpi ne, %rem3A_829, %ne3A_830 : i32
      %lt3A_832 = arith.constant 0 : i32
      %lt3A_833 = arith.cmpi slt, %rem3A_829, %lt3A_832 : i32
      %lt3A_834 = arith.constant 0 : i32
      %lt3A_835 = arith.cmpi slt, %select_n3A_828, %lt3A_834 : i32
      %ne3A_836 = arith.xori %lt3A_833, %lt3A_835 : i1
      %and3A_837 = arith.andi %ne3A_836, %ne3A_831 : i1
      %add3A_838 = arith.addi %rem3A_829, %select_n3A_828 : i32
      %select_n3A_839 = arith.select %and3A_837, %add3A_838, %rem3A_829 : i32
      %jit3A_840 = arith.constant 8 : i32
      %eq3A_841 = arith.constant 0 : i32
      %eq3A_842 = arith.cmpi eq, %jit3A_840, %eq3A_841 : i32
      %jit3A_843 = arith.constant 1 : i32
      %select_n3A_844 = arith.select %eq3A_842, %jit3A_843, %jit3A_840 : i32
      %rem3A_845 = arith.remsi %add3A_754, %select_n3A_844 : i32
      %ne3A_846 = arith.constant 0 : i32
      %ne3A_847 = arith.cmpi ne, %rem3A_845, %ne3A_846 : i32
      %lt3A_848 = arith.constant 0 : i32
      %lt3A_849 = arith.cmpi slt, %rem3A_845, %lt3A_848 : i32
      %lt3A_850 = arith.constant 0 : i32
      %lt3A_851 = arith.cmpi slt, %select_n3A_844, %lt3A_850 : i32
      %ne3A_852 = arith.xori %lt3A_849, %lt3A_851 : i1
      %and3A_853 = arith.andi %ne3A_852, %ne3A_847 : i1
      %add3A_854 = arith.addi %rem3A_845, %select_n3A_844 : i32
      %select_n3A_855 = arith.select %and3A_853, %add3A_854, %rem3A_845 : i32
      %jit3A_856 = arith.constant 2 : i32
      %eq3A_857 = arith.constant 0 : i32
      %eq3A_858 = arith.cmpi eq, %jit3A_856, %eq3A_857 : i32
      %jit3A_859 = arith.constant 1 : i32
      %select_n3A_860 = arith.select %eq3A_858, %jit3A_859, %jit3A_856 : i32
      %rem3A_861 = arith.remsi %add3A_754, %select_n3A_860 : i32
      %ne3A_862 = arith.constant 0 : i32
      %ne3A_863 = arith.cmpi ne, %rem3A_861, %ne3A_862 : i32
      %lt3A_864 = arith.constant 0 : i32
      %lt3A_865 = arith.cmpi slt, %rem3A_861, %lt3A_864 : i32
      %lt3A_866 = arith.constant 0 : i32
      %lt3A_867 = arith.cmpi slt, %select_n3A_860, %lt3A_866 : i32
      %ne3A_868 = arith.xori %lt3A_865, %lt3A_867 : i1
      %and3A_869 = arith.andi %ne3A_868, %ne3A_863 : i1
      %add3A_870 = arith.addi %rem3A_861, %select_n3A_860 : i32
      %select_n3A_871 = arith.select %and3A_869, %add3A_870, %rem3A_861 : i32
      %dma_wait3A_872 = arith.constant 0 : i32
      %dma_wait3A_873 = arith.constant 0 : i32
      %dma_wait3A_874 = tpu.memref_slice %arg6[%select_n3A_871, %dma_wait3A_872, %dma_wait3A_873] : memref<2x128x64xf32, #tpu.memory_space<vmem>> -> memref<1x128x64xf32, #tpu.memory_space<vmem>>
      %dma_wait3A_875 = tpu.memref_squeeze %dma_wait3A_874 : memref<1x128x64xf32, #tpu.memory_space<vmem>> -> memref<128x64xf32, #tpu.memory_space<vmem>>
      %dma_wait3A_876 = arith.constant 0 : i32
      %dma_wait3A_877 = tpu.memref_slice %arg5[%select_n3A_839, %select_n3A_855, %dma_wait3A_876] : memref<2x8x128xi32, #tpu.memory_space<vmem>> -> memref<1x1x128xi32, #tpu.memory_space<vmem>>
      %dma_wait3A_878 = tpu.memref_squeeze %dma_wait3A_877 : memref<1x1x128xi32, #tpu.memory_space<vmem>> -> memref<128xi32, #tpu.memory_space<vmem>>
      %dma_wait3A_879 = arith.constant 0 : i32
      %dma_wait3A_880 = arith.constant 0 : i32
      %dma_wait3A_881 = tpu.memref_slice %arg3[%dma_wait3A_879, %dma_wait3A_880] : memref<1000000x64xf32, #tpu.memory_space<hbm>> -> memref<1000000x64xf32, #tpu.memory_space<hbm>>
      tpu.wait_indirect_dma semaphore(%arg8 : memref<!tpu.dma_semaphore, #tpu.memory_space<semaphore_mem>>) src(%dma_wait3A_881 : memref<1000000x64xf32, #tpu.memory_space<hbm>>) dst(%dma_wait3A_875 : memref<128x64xf32, #tpu.memory_space<vmem>>)
      %eq3A_882 = arith.constant 7 : i32
      %eq3A_883 = arith.cmpi eq, %select_n3A_770, %eq3A_882 : i32
      %lt3A_884 = arith.constant 799 : i32
      %lt3A_885 = arith.cmpi slt, %add3A_754, %lt3A_884 : i32
      %and3A_886 = arith.andi %eq3A_883, %lt3A_885 : i1
      %convert_element_type3A_887 = arith.extui %and3A_886 : i1 to i32
      %cond3A_888 = arith.constant 0 : i32
      %cond3A_889 = arith.cmpi ne, %convert_element_type3A_887, %cond3A_888 : i32
      scf.if %cond3A_889 {
        %add3A_1008 = arith.constant 1 : i32
        %add3A_1009 = arith.addi %select_n3A_794, %add3A_1008 : i32
        %add3A_1010 = arith.constant 1 : i32
        %add3A_1011 = arith.addi %select_n3A_794, %add3A_1010 : i32
        %jit3A_1012 = arith.constant 2 : i32
        %eq3A_1013 = arith.constant 0 : i32
        %eq3A_1014 = arith.cmpi eq, %jit3A_1012, %eq3A_1013 : i32
        %jit3A_1015 = arith.constant 1 : i32
        %select_n3A_1016 = arith.select %eq3A_1014, %jit3A_1015, %jit3A_1012 : i32
        %rem3A_1017 = arith.remsi %add3A_1011, %select_n3A_1016 : i32
        %ne3A_1018 = arith.constant 0 : i32
        %ne3A_1019 = arith.cmpi ne, %rem3A_1017, %ne3A_1018 : i32
        %lt3A_1020 = arith.constant 0 : i32
        %lt3A_1021 = arith.cmpi slt, %rem3A_1017, %lt3A_1020 : i32
        %lt3A_1022 = arith.constant 0 : i32
        %lt3A_1023 = arith.cmpi slt, %select_n3A_1016, %lt3A_1022 : i32
        %ne3A_1024 = arith.xori %lt3A_1021, %lt3A_1023 : i1
        %and3A_1025 = arith.andi %ne3A_1024, %ne3A_1019 : i1
        %add3A_1026 = arith.addi %rem3A_1017, %select_n3A_1016 : i32
        %select_n3A_1027 = arith.select %and3A_1025, %add3A_1026, %rem3A_1017 : i32
        %add3A_1028 = arith.addi %mul3A_2, %add3A_1009 : i32
        %jit3A_1029 = arith.constant 128 : i32
        %div3A_1030 = arith.divsi %add3A_1028, %jit3A_1029 : i32
        %sign3A_1031 = arith.constant 0 : i32
        %sign3A_1032 = arith.cmpi sgt, %add3A_1028, %sign3A_1031 : i32
        %sign3A_1033 = arith.extui %sign3A_1032 : i1 to i32
        %sign3A_1034 = arith.constant 0 : i32
        %sign3A_1035 = arith.cmpi slt, %add3A_1028, %sign3A_1034 : i32
        %sign3A_1036 = arith.extui %sign3A_1035 : i1 to i32
        %sign3A_1037 = arith.subi %sign3A_1033, %sign3A_1036 : i32
        %sign3A_1038 = arith.constant 0 : i32
        %sign3A_1039 = arith.cmpi sgt, %jit3A_1029, %sign3A_1038 : i32
        %sign3A_1040 = arith.extui %sign3A_1039 : i1 to i32
        %sign3A_1041 = arith.constant 0 : i32
        %sign3A_1042 = arith.cmpi slt, %jit3A_1029, %sign3A_1041 : i32
        %sign3A_1043 = arith.extui %sign3A_1042 : i1 to i32
        %sign3A_1044 = arith.subi %sign3A_1040, %sign3A_1043 : i32
        %ne3A_1045 = arith.cmpi ne, %sign3A_1037, %sign3A_1044 : i32
        %rem3A_1046 = arith.remsi %add3A_1028, %jit3A_1029 : i32
        %ne3A_1047 = arith.constant 0 : i32
        %ne3A_1048 = arith.cmpi ne, %rem3A_1046, %ne3A_1047 : i32
        %and3A_1049 = arith.andi %ne3A_1045, %ne3A_1048 : i1
        %sub3A_1050 = arith.constant 1 : i32
        %sub3A_1051 = arith.subi %div3A_1030, %sub3A_1050 : i32
        %select_n3A_1052 = arith.select %and3A_1049, %sub3A_1051, %div3A_1030 : i32
        %jit3A_1053 = arith.constant 128 : i32
        %eq3A_1054 = arith.constant 0 : i32
        %eq3A_1055 = arith.cmpi eq, %jit3A_1053, %eq3A_1054 : i32
        %jit3A_1056 = arith.constant 1 : i32
        %select_n3A_1057 = arith.select %eq3A_1055, %jit3A_1056, %jit3A_1053 : i32
        %rem3A_1058 = arith.remsi %add3A_1028, %select_n3A_1057 : i32
        %ne3A_1059 = arith.constant 0 : i32
        %ne3A_1060 = arith.cmpi ne, %rem3A_1058, %ne3A_1059 : i32
        %lt3A_1061 = arith.constant 0 : i32
        %lt3A_1062 = arith.cmpi slt, %rem3A_1058, %lt3A_1061 : i32
        %lt3A_1063 = arith.constant 0 : i32
        %lt3A_1064 = arith.cmpi slt, %select_n3A_1057, %lt3A_1063 : i32
        %ne3A_1065 = arith.xori %lt3A_1062, %lt3A_1064 : i1
        %and3A_1066 = arith.andi %ne3A_1065, %ne3A_1060 : i1
        %add3A_1067 = arith.addi %rem3A_1058, %select_n3A_1057 : i32
        %select_n3A_1068 = arith.select %and3A_1066, %add3A_1067, %rem3A_1058 : i32
        %dma_wait3A_1069 = arith.constant 0 : i32
        %dma_wait3A_1070 = arith.constant 0 : i32
        %dma_wait3A_1071 = tpu.memref_slice %arg5[%select_n3A_1027, %dma_wait3A_1069, %dma_wait3A_1070] : memref<2x8x128xi32, #tpu.memory_space<vmem>> -> memref<1x8x128xi32, #tpu.memory_space<vmem>>
        %dma_wait3A_1072 = tpu.memref_squeeze %dma_wait3A_1071 : memref<1x8x128xi32, #tpu.memory_space<vmem>> -> memref<8x128xi32, #tpu.memory_space<vmem>>
        %dma_wait3A_1073 = arith.constant 0 : i32
        %dma_wait3A_1074 = arith.constant 0 : i32
        %dma_wait3A_1075 = tpu.memref_slice %arg2[%select_n3A_1052, %select_n3A_1068, %dma_wait3A_1073, %dma_wait3A_1074] : memref<25x128x8x128xi32, #tpu.memory_space<hbm>> -> memref<1x1x8x128xi32, #tpu.memory_space<hbm>>
        %dma_wait3A_1076 = tpu.memref_squeeze %dma_wait3A_1075 : memref<1x1x8x128xi32, #tpu.memory_space<hbm>> -> memref<8x128xi32, #tpu.memory_space<hbm>>
        %dma_wait3A_1077 = arith.constant 0 : i32
        %dma_wait3A_1078 = arith.constant 0 : i32
        %dma_wait3A_1079 = tpu.memref_slice %arg5[%select_n3A_1027, %dma_wait3A_1077, %dma_wait3A_1078] : memref<2x8x128xi32, #tpu.memory_space<vmem>> -> memref<1x8x128xi32, #tpu.memory_space<vmem>>
        %dma_wait3A_1080 = tpu.memref_squeeze %dma_wait3A_1079 : memref<1x8x128xi32, #tpu.memory_space<vmem>> -> memref<8x128xi32, #tpu.memory_space<vmem>>
        %dma_wait3A_1081 = arith.constant 0 : i32
        %dma_wait3A_1082 = arith.constant 0 : i32
        %dma_wait3A_1083 = tpu.memref_slice %arg2[%select_n3A_1052, %select_n3A_1068, %dma_wait3A_1081, %dma_wait3A_1082] : memref<25x128x8x128xi32, #tpu.memory_space<hbm>> -> memref<1x1x8x128xi32, #tpu.memory_space<hbm>>
        %dma_wait3A_1084 = tpu.memref_squeeze %dma_wait3A_1083 : memref<1x1x8x128xi32, #tpu.memory_space<hbm>> -> memref<8x128xi32, #tpu.memory_space<hbm>>
        tpu.wait_dma2 semaphore(%arg11 : memref<!tpu.dma_semaphore, #tpu.memory_space<semaphore_mem>>) src(%dma_wait3A_1084 : memref<8x128xi32, #tpu.memory_space<hbm>>) dst(%dma_wait3A_1080 : memref<8x128xi32, #tpu.memory_space<vmem>>)
      } else {
      }
      %lt3A_890 = arith.constant 799 : i32
      %lt3A_891 = arith.cmpi slt, %add3A_754, %lt3A_890 : i32
      %convert_element_type3A_892 = arith.extui %lt3A_891 : i1 to i32
      %cond3A_893 = arith.constant 0 : i32
      %cond3A_894 = arith.cmpi ne, %convert_element_type3A_892, %cond3A_893 : i32
      scf.if %cond3A_894 {
        %add3A_1008 = arith.constant 1 : i32
        %add3A_1009 = arith.addi %add3A_754, %add3A_1008 : i32
        %jit3A_1010 = arith.constant 8 : i32
        %div3A_1011 = arith.divsi %add3A_1009, %jit3A_1010 : i32
        %sign3A_1012 = arith.constant 0 : i32
        %sign3A_1013 = arith.cmpi sgt, %add3A_1009, %sign3A_1012 : i32
        %sign3A_1014 = arith.extui %sign3A_1013 : i1 to i32
        %sign3A_1015 = arith.constant 0 : i32
        %sign3A_1016 = arith.cmpi slt, %add3A_1009, %sign3A_1015 : i32
        %sign3A_1017 = arith.extui %sign3A_1016 : i1 to i32
        %sign3A_1018 = arith.subi %sign3A_1014, %sign3A_1017 : i32
        %sign3A_1019 = arith.constant 0 : i32
        %sign3A_1020 = arith.cmpi sgt, %jit3A_1010, %sign3A_1019 : i32
        %sign3A_1021 = arith.extui %sign3A_1020 : i1 to i32
        %sign3A_1022 = arith.constant 0 : i32
        %sign3A_1023 = arith.cmpi slt, %jit3A_1010, %sign3A_1022 : i32
        %sign3A_1024 = arith.extui %sign3A_1023 : i1 to i32
        %sign3A_1025 = arith.subi %sign3A_1021, %sign3A_1024 : i32
        %ne3A_1026 = arith.cmpi ne, %sign3A_1018, %sign3A_1025 : i32
        %rem3A_1027 = arith.remsi %add3A_1009, %jit3A_1010 : i32
        %ne3A_1028 = arith.constant 0 : i32
        %ne3A_1029 = arith.cmpi ne, %rem3A_1027, %ne3A_1028 : i32
        %and3A_1030 = arith.andi %ne3A_1026, %ne3A_1029 : i1
        %sub3A_1031 = arith.constant 1 : i32
        %sub3A_1032 = arith.subi %div3A_1011, %sub3A_1031 : i32
        %select_n3A_1033 = arith.select %and3A_1030, %sub3A_1032, %div3A_1011 : i32
        %jit3A_1034 = arith.constant 2 : i32
        %eq3A_1035 = arith.constant 0 : i32
        %eq3A_1036 = arith.cmpi eq, %jit3A_1034, %eq3A_1035 : i32
        %jit3A_1037 = arith.constant 1 : i32
        %select_n3A_1038 = arith.select %eq3A_1036, %jit3A_1037, %jit3A_1034 : i32
        %rem3A_1039 = arith.remsi %select_n3A_1033, %select_n3A_1038 : i32
        %ne3A_1040 = arith.constant 0 : i32
        %ne3A_1041 = arith.cmpi ne, %rem3A_1039, %ne3A_1040 : i32
        %lt3A_1042 = arith.constant 0 : i32
        %lt3A_1043 = arith.cmpi slt, %rem3A_1039, %lt3A_1042 : i32
        %lt3A_1044 = arith.constant 0 : i32
        %lt3A_1045 = arith.cmpi slt, %select_n3A_1038, %lt3A_1044 : i32
        %ne3A_1046 = arith.xori %lt3A_1043, %lt3A_1045 : i1
        %and3A_1047 = arith.andi %ne3A_1046, %ne3A_1041 : i1
        %add3A_1048 = arith.addi %rem3A_1039, %select_n3A_1038 : i32
        %select_n3A_1049 = arith.select %and3A_1047, %add3A_1048, %rem3A_1039 : i32
        %jit3A_1050 = arith.constant 8 : i32
        %eq3A_1051 = arith.constant 0 : i32
        %eq3A_1052 = arith.cmpi eq, %jit3A_1050, %eq3A_1051 : i32
        %jit3A_1053 = arith.constant 1 : i32
        %select_n3A_1054 = arith.select %eq3A_1052, %jit3A_1053, %jit3A_1050 : i32
        %rem3A_1055 = arith.remsi %add3A_1009, %select_n3A_1054 : i32
        %ne3A_1056 = arith.constant 0 : i32
        %ne3A_1057 = arith.cmpi ne, %rem3A_1055, %ne3A_1056 : i32
        %lt3A_1058 = arith.constant 0 : i32
        %lt3A_1059 = arith.cmpi slt, %rem3A_1055, %lt3A_1058 : i32
        %lt3A_1060 = arith.constant 0 : i32
        %lt3A_1061 = arith.cmpi slt, %select_n3A_1054, %lt3A_1060 : i32
        %ne3A_1062 = arith.xori %lt3A_1059, %lt3A_1061 : i1
        %and3A_1063 = arith.andi %ne3A_1062, %ne3A_1057 : i1
        %add3A_1064 = arith.addi %rem3A_1055, %select_n3A_1054 : i32
        %select_n3A_1065 = arith.select %and3A_1063, %add3A_1064, %rem3A_1055 : i32
        %jit3A_1066 = arith.constant 2 : i32
        %eq3A_1067 = arith.constant 0 : i32
        %eq3A_1068 = arith.cmpi eq, %jit3A_1066, %eq3A_1067 : i32
        %jit3A_1069 = arith.constant 1 : i32
        %select_n3A_1070 = arith.select %eq3A_1068, %jit3A_1069, %jit3A_1066 : i32
        %rem3A_1071 = arith.remsi %add3A_1009, %select_n3A_1070 : i32
        %ne3A_1072 = arith.constant 0 : i32
        %ne3A_1073 = arith.cmpi ne, %rem3A_1071, %ne3A_1072 : i32
        %lt3A_1074 = arith.constant 0 : i32
        %lt3A_1075 = arith.cmpi slt, %rem3A_1071, %lt3A_1074 : i32
        %lt3A_1076 = arith.constant 0 : i32
        %lt3A_1077 = arith.cmpi slt, %select_n3A_1070, %lt3A_1076 : i32
        %ne3A_1078 = arith.xori %lt3A_1075, %lt3A_1077 : i1
        %and3A_1079 = arith.andi %ne3A_1078, %ne3A_1073 : i1
        %add3A_1080 = arith.addi %rem3A_1071, %select_n3A_1070 : i32
        %select_n3A_1081 = arith.select %and3A_1079, %add3A_1080, %rem3A_1071 : i32
        %dma_start3A_1082 = arith.constant 0 : i32
        %dma_start3A_1083 = arith.constant 0 : i32
        %dma_start3A_1084 = tpu.memref_slice %arg6[%select_n3A_1081, %dma_start3A_1082, %dma_start3A_1083] : memref<2x128x64xf32, #tpu.memory_space<vmem>> -> memref<1x128x64xf32, #tpu.memory_space<vmem>>
        %dma_start3A_1085 = tpu.memref_squeeze %dma_start3A_1084 : memref<1x128x64xf32, #tpu.memory_space<vmem>> -> memref<128x64xf32, #tpu.memory_space<vmem>>
        %dma_start3A_1086 = arith.constant 0 : i32
        %dma_start3A_1087 = tpu.memref_slice %arg5[%select_n3A_1049, %select_n3A_1065, %dma_start3A_1086] : memref<2x8x128xi32, #tpu.memory_space<vmem>> -> memref<1x1x128xi32, #tpu.memory_space<vmem>>
        %dma_start3A_1088 = tpu.memref_squeeze %dma_start3A_1087 : memref<1x1x128xi32, #tpu.memory_space<vmem>> -> memref<128xi32, #tpu.memory_space<vmem>>
        %dma_start3A_1089 = arith.constant 0 : i32
        %dma_start3A_1090 = arith.constant 0 : i32
        %dma_start3A_1091 = tpu.memref_slice %arg3[%dma_start3A_1089, %dma_start3A_1090] : memref<1000000x64xf32, #tpu.memory_space<hbm>> -> memref<1000000x64xf32, #tpu.memory_space<hbm>>
        tpu.enqueue_indirect_dma source(%dma_start3A_1091 : memref<1000000x64xf32, #tpu.memory_space<hbm>>) target(%dma_start3A_1085 : memref<128x64xf32, #tpu.memory_space<vmem>>) offsets(%dma_start3A_1088 : memref<128xi32, #tpu.memory_space<vmem>>) semaphore(%arg8 : memref<!tpu.dma_semaphore, #tpu.memory_space<semaphore_mem>>)
      } else {
      }
      %gt3A_895 = arith.constant 0 : i32
      %gt3A_896 = arith.cmpi sgt, %scan3A_497, %gt3A_895 : i32
      %convert_element_type3A_897 = arith.extui %gt3A_896 : i1 to i32
      %cond3A_898 = arith.constant 0 : i32
      %cond3A_899 = arith.cmpi ne, %convert_element_type3A_897, %cond3A_898 : i32
      scf.if %cond3A_899 {
        %jit3A_1008 = arith.constant 8 : i32
        %div3A_1009 = arith.divsi %add3A_754, %jit3A_1008 : i32
        %sign3A_1010 = arith.constant 0 : i32
        %sign3A_1011 = arith.cmpi sgt, %add3A_754, %sign3A_1010 : i32
        %sign3A_1012 = arith.extui %sign3A_1011 : i1 to i32
        %sign3A_1013 = arith.constant 0 : i32
        %sign3A_1014 = arith.cmpi slt, %add3A_754, %sign3A_1013 : i32
        %sign3A_1015 = arith.extui %sign3A_1014 : i1 to i32
        %sign3A_1016 = arith.subi %sign3A_1012, %sign3A_1015 : i32
        %sign3A_1017 = arith.constant 0 : i32
        %sign3A_1018 = arith.cmpi sgt, %jit3A_1008, %sign3A_1017 : i32
        %sign3A_1019 = arith.extui %sign3A_1018 : i1 to i32
        %sign3A_1020 = arith.constant 0 : i32
        %sign3A_1021 = arith.cmpi slt, %jit3A_1008, %sign3A_1020 : i32
        %sign3A_1022 = arith.extui %sign3A_1021 : i1 to i32
        %sign3A_1023 = arith.subi %sign3A_1019, %sign3A_1022 : i32
        %ne3A_1024 = arith.cmpi ne, %sign3A_1016, %sign3A_1023 : i32
        %rem3A_1025 = arith.remsi %add3A_754, %jit3A_1008 : i32
        %ne3A_1026 = arith.constant 0 : i32
        %ne3A_1027 = arith.cmpi ne, %rem3A_1025, %ne3A_1026 : i32
        %and3A_1028 = arith.andi %ne3A_1024, %ne3A_1027 : i1
        %sub3A_1029 = arith.constant 1 : i32
        %sub3A_1030 = arith.subi %div3A_1009, %sub3A_1029 : i32
        %select_n3A_1031 = arith.select %and3A_1028, %sub3A_1030, %div3A_1009 : i32
        %add3A_1032 = arith.addi %mul3A_2, %select_n3A_1031 : i32
        %jit3A_1033 = arith.constant 128 : i32
        %div3A_1034 = arith.divsi %add3A_1032, %jit3A_1033 : i32
        %sign3A_1035 = arith.constant 0 : i32
        %sign3A_1036 = arith.cmpi sgt, %add3A_1032, %sign3A_1035 : i32
        %sign3A_1037 = arith.extui %sign3A_1036 : i1 to i32
        %sign3A_1038 = arith.constant 0 : i32
        %sign3A_1039 = arith.cmpi slt, %add3A_1032, %sign3A_1038 : i32
        %sign3A_1040 = arith.extui %sign3A_1039 : i1 to i32
        %sign3A_1041 = arith.subi %sign3A_1037, %sign3A_1040 : i32
        %sign3A_1042 = arith.constant 0 : i32
        %sign3A_1043 = arith.cmpi sgt, %jit3A_1033, %sign3A_1042 : i32
        %sign3A_1044 = arith.extui %sign3A_1043 : i1 to i32
        %sign3A_1045 = arith.constant 0 : i32
        %sign3A_1046 = arith.cmpi slt, %jit3A_1033, %sign3A_1045 : i32
        %sign3A_1047 = arith.extui %sign3A_1046 : i1 to i32
        %sign3A_1048 = arith.subi %sign3A_1044, %sign3A_1047 : i32
        %ne3A_1049 = arith.cmpi ne, %sign3A_1041, %sign3A_1048 : i32
        %rem3A_1050 = arith.remsi %add3A_1032, %jit3A_1033 : i32
        %ne3A_1051 = arith.constant 0 : i32
        %ne3A_1052 = arith.cmpi ne, %rem3A_1050, %ne3A_1051 : i32
        %and3A_1053 = arith.andi %ne3A_1049, %ne3A_1052 : i1
        %sub3A_1054 = arith.constant 1 : i32
        %sub3A_1055 = arith.subi %div3A_1034, %sub3A_1054 : i32
        %select_n3A_1056 = arith.select %and3A_1053, %sub3A_1055, %div3A_1034 : i32
        %mul3A_1057 = arith.constant 8 : i32
        %mul3A_1058 = arith.muli %select_n3A_1056, %mul3A_1057 : i32
        %jit3A_1059 = arith.constant 8 : i32
        %eq3A_1060 = arith.constant 0 : i32
        %eq3A_1061 = arith.cmpi eq, %jit3A_1059, %eq3A_1060 : i32
        %jit3A_1062 = arith.constant 1 : i32
        %select_n3A_1063 = arith.select %eq3A_1061, %jit3A_1062, %jit3A_1059 : i32
        %rem3A_1064 = arith.remsi %add3A_754, %select_n3A_1063 : i32
        %ne3A_1065 = arith.constant 0 : i32
        %ne3A_1066 = arith.cmpi ne, %rem3A_1064, %ne3A_1065 : i32
        %lt3A_1067 = arith.constant 0 : i32
        %lt3A_1068 = arith.cmpi slt, %rem3A_1064, %lt3A_1067 : i32
        %lt3A_1069 = arith.constant 0 : i32
        %lt3A_1070 = arith.cmpi slt, %select_n3A_1063, %lt3A_1069 : i32
        %ne3A_1071 = arith.xori %lt3A_1068, %lt3A_1070 : i1
        %and3A_1072 = arith.andi %ne3A_1071, %ne3A_1066 : i1
        %add3A_1073 = arith.addi %rem3A_1064, %select_n3A_1063 : i32
        %select_n3A_1074 = arith.select %and3A_1072, %add3A_1073, %rem3A_1064 : i32
        %add3A_1075 = arith.addi %mul3A_1058, %select_n3A_1074 : i32
        %jit3A_1076 = arith.constant 128 : i32
        %eq3A_1077 = arith.constant 0 : i32
        %eq3A_1078 = arith.cmpi eq, %jit3A_1076, %eq3A_1077 : i32
        %jit3A_1079 = arith.constant 1 : i32
        %select_n3A_1080 = arith.select %eq3A_1078, %jit3A_1079, %jit3A_1076 : i32
        %rem3A_1081 = arith.remsi %add3A_1032, %select_n3A_1080 : i32
        %ne3A_1082 = arith.constant 0 : i32
        %ne3A_1083 = arith.cmpi ne, %rem3A_1081, %ne3A_1082 : i32
        %lt3A_1084 = arith.constant 0 : i32
        %lt3A_1085 = arith.cmpi slt, %rem3A_1081, %lt3A_1084 : i32
        %lt3A_1086 = arith.constant 0 : i32
        %lt3A_1087 = arith.cmpi slt, %select_n3A_1080, %lt3A_1086 : i32
        %ne3A_1088 = arith.xori %lt3A_1085, %lt3A_1087 : i1
        %and3A_1089 = arith.andi %ne3A_1088, %ne3A_1083 : i1
        %add3A_1090 = arith.addi %rem3A_1081, %select_n3A_1080 : i32
        %select_n3A_1091 = arith.select %and3A_1089, %add3A_1090, %rem3A_1081 : i32
        %dma_wait3A_1092 = arith.constant 1 : i32
        %dma_wait3A_1093 = arith.constant 0 : i32
        %dma_wait3A_1094 = arith.constant 0 : i32
        %dma_wait3A_1095 = arith.constant 0 : i32
        %dma_wait3A_1096 = tpu.memref_slice %arg7[%dma_wait3A_1092, %dma_wait3A_1093, %dma_wait3A_1094, %dma_wait3A_1095] : memref<2x8x8x129xf32, #tpu.memory_space<vmem>> -> memref<1x8x8x128xf32, #tpu.memory_space<vmem>>
        %dma_wait3A_1097 = tpu.memref_squeeze %dma_wait3A_1096 : memref<1x8x8x128xf32, #tpu.memory_space<vmem>> -> memref<8x8x128xf32, #tpu.memory_space<vmem>>
        %dma_wait3A_1098 = arith.constant 0 : i32
        %dma_wait3A_1099 = arith.constant 0 : i32
        %dma_wait3A_1100 = arith.constant 0 : i32
        %dma_wait3A_1101 = tpu.memref_slice %arg4[%add3A_1075, %dma_wait3A_1098, %select_n3A_1091, %dma_wait3A_1099, %dma_wait3A_1100] : memref<200x8x128x8x128xf32, #tpu.memory_space<hbm>> -> memref<1x8x1x8x128xf32, #tpu.memory_space<hbm>>
        %dma_wait3A_1102 = tpu.memref_squeeze %dma_wait3A_1101 : memref<1x8x1x8x128xf32, #tpu.memory_space<hbm>> -> memref<8x8x128xf32, #tpu.memory_space<hbm>>
        %dma_wait3A_1103 = arith.constant 0 : i32
        %dma_wait3A_1104 = arith.constant 0 : i32
        %dma_wait3A_1105 = arith.constant 0 : i32
        %dma_wait3A_1106 = tpu.memref_slice %arg4[%add3A_1075, %dma_wait3A_1103, %select_n3A_1091, %dma_wait3A_1104, %dma_wait3A_1105] : memref<200x8x128x8x128xf32, #tpu.memory_space<hbm>> -> memref<1x8x1x8x128xf32, #tpu.memory_space<hbm>>
        %dma_wait3A_1107 = tpu.memref_squeeze %dma_wait3A_1106 : memref<1x8x1x8x128xf32, #tpu.memory_space<hbm>> -> memref<8x8x128xf32, #tpu.memory_space<hbm>>
        %dma_wait3A_1108 = arith.constant 0 : i32
        %dma_wait3A_1109 = arith.constant 0 : i32
        %dma_wait3A_1110 = arith.constant 0 : i32
        %dma_wait3A_1111 = tpu.memref_slice %arg7[%dma_wait3A_1092, %dma_wait3A_1108, %dma_wait3A_1109, %dma_wait3A_1110] : memref<2x8x8x129xf32, #tpu.memory_space<vmem>> -> memref<1x8x8x128xf32, #tpu.memory_space<vmem>>
        %dma_wait3A_1112 = tpu.memref_squeeze %dma_wait3A_1111 : memref<1x8x8x128xf32, #tpu.memory_space<vmem>> -> memref<8x8x128xf32, #tpu.memory_space<vmem>>
        tpu.wait_dma2 semaphore(%arg10 : memref<!tpu.dma_semaphore, #tpu.memory_space<semaphore_mem>>) src(%dma_wait3A_1112 : memref<8x8x128xf32, #tpu.memory_space<vmem>>) dst(%dma_wait3A_1107 : memref<8x8x128xf32, #tpu.memory_space<hbm>>)
      } else {
      }
      %parallel_loop3A_900 = arith.constant 0 : i32
      %parallel_loop3A_901 = arith.constant 64 : i32
      %parallel_loop3A_902 = arith.constant 1 : i32
      scf.for %parallel_loop3A_1008 = %parallel_loop3A_900 to %parallel_loop3A_901 step %parallel_loop3A_902  : i32 {
        %parallel_loop3A_1009 = arith.constant 2 : i32
        %parallel_loop3A_1010 = arith.muli %parallel_loop3A_1008, %parallel_loop3A_1009 : i32
        %parallel_loop3A_1011 = vector.broadcast %parallel_loop3A_1010 : i32 to vector<16xi32>
        %parallel_loop3A_1012 = arith.constant 2 : i32
        %parallel_loop3A_1013 = arith.muli %parallel_loop3A_1008, %parallel_loop3A_1012 : i32
        %parallel_loop3A_1014 = arith.constant 0 : i32
        %parallel_loop3A_1015 = arith.addi %parallel_loop3A_1013, %parallel_loop3A_1014 : i32
        %parallel_loop3A_1016 = arith.constant 1 : i32
        %parallel_loop3A_1017 = arith.index_cast %parallel_loop3A_1016 : i32 to index
        %parallel_loop3A_1018 = arith.index_cast %parallel_loop3A_1015 : i32 to index
        %parallel_loop3A_1019 = arith.constant 0 : index
        %parallel_loop3A_1020 = tpu.vector_load %arg6[%parallel_loop3A_1017, %parallel_loop3A_1018, %parallel_loop3A_1019] {strides = array<i32>} : memref<2x128x64xf32, #tpu.memory_space<vmem>>, vector<16xf32>,
        %parallel_loop3A_1021 = arith.constant 0 : i32
        %parallel_loop3A_1022 = vector.broadcast %parallel_loop3A_1021 : i32 to vector<16xi32>
        %parallel_loop3A_1023 = arith.addi %parallel_loop3A_1011, %parallel_loop3A_1022 : vector<16xi32>
        %parallel_loop3A_1024 = arith.constant 1 : i32
        %parallel_loop3A_1025 = arith.constant 0 : i32
        %parallel_loop3A_1026 = arith.constant 0 : i32
        %parallel_loop3A_1027 = arith.constant 0 : i32
        %parallel_loop3A_1028 = tpu.memref_slice %arg7[%parallel_loop3A_1024, %parallel_loop3A_1025, %parallel_loop3A_1026, %parallel_loop3A_1027] : memref<2x8x8x129xf32, #tpu.memory_space<vmem>> -> memref<1x8x8x129xf32, #tpu.memory_space<vmem>>
        %parallel_loop3A_1029 = tpu.memref_squeeze %parallel_loop3A_1028 : memref<1x8x8x129xf32, #tpu.memory_space<vmem>> -> memref<8x8x129xf32, #tpu.memory_space<vmem>>
        tpu.vector_store_idx %parallel_loop3A_1029[%select_n3A, %select_n3A_51, %parallel_loop3A_1023], %parallel_loop3A_1020 : memref<8x8x129xf32, #tpu.memory_space<vmem>>[vector<16xi32>, vector<16xi32>, vector<16xi32>], vector<16xf32>,
        %parallel_loop3A_1030 = arith.constant 2 : i32
        %parallel_loop3A_1031 = arith.muli %parallel_loop3A_1008, %parallel_loop3A_1030 : i32
        %parallel_loop3A_1032 = arith.constant 1 : i32
        %parallel_loop3A_1033 = arith.addi %parallel_loop3A_1031, %parallel_loop3A_1032 : i32
        %parallel_loop3A_1034 = arith.constant 1 : i32
        %parallel_loop3A_1035 = arith.index_cast %parallel_loop3A_1034 : i32 to index
        %parallel_loop3A_1036 = arith.index_cast %parallel_loop3A_1033 : i32 to index
        %parallel_loop3A_1037 = arith.constant 0 : index
        %parallel_loop3A_1038 = tpu.vector_load %arg6[%parallel_loop3A_1035, %parallel_loop3A_1036, %parallel_loop3A_1037] {strides = array<i32>} : memref<2x128x64xf32, #tpu.memory_space<vmem>>, vector<16xf32>,
        %parallel_loop3A_1039 = arith.constant 1 : i32
        %parallel_loop3A_1040 = vector.broadcast %parallel_loop3A_1039 : i32 to vector<16xi32>
        %parallel_loop3A_1041 = arith.addi %parallel_loop3A_1011, %parallel_loop3A_1040 : vector<16xi32>
        %parallel_loop3A_1042 = arith.constant 1 : i32
        %parallel_loop3A_1043 = arith.constant 0 : i32
        %parallel_loop3A_1044 = arith.constant 0 : i32
        %parallel_loop3A_1045 = arith.constant 0 : i32
        %parallel_loop3A_1046 = tpu.memref_slice %arg7[%parallel_loop3A_1042, %parallel_loop3A_1043, %parallel_loop3A_1044, %parallel_loop3A_1045] : memref<2x8x8x129xf32, #tpu.memory_space<vmem>> -> memref<1x8x8x129xf32, #tpu.memory_space<vmem>>
        %parallel_loop3A_1047 = tpu.memref_squeeze %parallel_loop3A_1046 : memref<1x8x8x129xf32, #tpu.memory_space<vmem>> -> memref<8x8x129xf32, #tpu.memory_space<vmem>>
        tpu.vector_store_idx %parallel_loop3A_1047[%select_n3A, %select_n3A_51, %parallel_loop3A_1041], %parallel_loop3A_1038 : memref<8x8x129xf32, #tpu.memory_space<vmem>>[vector<16xi32>, vector<16xi32>, vector<16xi32>], vector<16xf32>,
        %parallel_loop3A_1048 = arith.constant 2 : i32
        %parallel_loop3A_1049 = arith.muli %parallel_loop3A_1008, %parallel_loop3A_1048 : i32
        %parallel_loop3A_1050 = arith.constant 0 : i32
        %parallel_loop3A_1051 = arith.addi %parallel_loop3A_1049, %parallel_loop3A_1050 : i32
        %parallel_loop3A_1052 = arith.constant 1 : i32
        %parallel_loop3A_1053 = arith.index_cast %parallel_loop3A_1052 : i32 to index
        %parallel_loop3A_1054 = arith.index_cast %parallel_loop3A_1051 : i32 to index
        %parallel_loop3A_1055 = arith.constant 16 : index
        %parallel_loop3A_1056 = tpu.vector_load %arg6[%parallel_loop3A_1053, %parallel_loop3A_1054, %parallel_loop3A_1055] {strides = array<i32>} : memref<2x128x64xf32, #tpu.memory_space<vmem>>, vector<16xf32>,
        %parallel_loop3A_1057 = arith.constant 0 : i32
        %parallel_loop3A_1058 = vector.broadcast %parallel_loop3A_1057 : i32 to vector<16xi32>
        %parallel_loop3A_1059 = arith.addi %parallel_loop3A_1011, %parallel_loop3A_1058 : vector<16xi32>
        %parallel_loop3A_1060 = arith.constant 1 : i32
        %parallel_loop3A_1061 = arith.constant 0 : i32
        %parallel_loop3A_1062 = arith.constant 0 : i32
        %parallel_loop3A_1063 = arith.constant 0 : i32
        %parallel_loop3A_1064 = tpu.memref_slice %arg7[%parallel_loop3A_1060, %parallel_loop3A_1061, %parallel_loop3A_1062, %parallel_loop3A_1063] : memref<2x8x8x129xf32, #tpu.memory_space<vmem>> -> memref<1x8x8x129xf32, #tpu.memory_space<vmem>>
        %parallel_loop3A_1065 = tpu.memref_squeeze %parallel_loop3A_1064 : memref<1x8x8x129xf32, #tpu.memory_space<vmem>> -> memref<8x8x129xf32, #tpu.memory_space<vmem>>
        tpu.vector_store_idx %parallel_loop3A_1065[%select_n3A_85, %select_n3A_110, %parallel_loop3A_1059], %parallel_loop3A_1056 : memref<8x8x129xf32, #tpu.memory_space<vmem>>[vector<16xi32>, vector<16xi32>, vector<16xi32>], vector<16xf32>,
        %parallel_loop3A_1066 = arith.constant 2 : i32
        %parallel_loop3A_1067 = arith.muli %parallel_loop3A_1008, %parallel_loop3A_1066 : i32
        %parallel_loop3A_1068 = arith.constant 1 : i32
        %parallel_loop3A_1069 = arith.addi %parallel_loop3A_1067, %parallel_loop3A_1068 : i32
        %parallel_loop3A_1070 = arith.constant 1 : i32
        %parallel_loop3A_1071 = arith.index_cast %parallel_loop3A_1070 : i32 to index
        %parallel_loop3A_1072 = arith.index_cast %parallel_loop3A_1069 : i32 to index
        %parallel_loop3A_1073 = arith.constant 16 : index
        %parallel_loop3A_1074 = tpu.vector_load %arg6[%parallel_loop3A_1071, %parallel_loop3A_1072, %parallel_loop3A_1073] {strides = array<i32>} : memref<2x128x64xf32, #tpu.memory_space<vmem>>, vector<16xf32>,
        %parallel_loop3A_1075 = arith.constant 1 : i32
        %parallel_loop3A_1076 = vector.broadcast %parallel_loop3A_1075 : i32 to vector<16xi32>
        %parallel_loop3A_1077 = arith.addi %parallel_loop3A_1011, %parallel_loop3A_1076 : vector<16xi32>
        %parallel_loop3A_1078 = arith.constant 1 : i32
        %parallel_loop3A_1079 = arith.constant 0 : i32
        %parallel_loop3A_1080 = arith.constant 0 : i32
        %parallel_loop3A_1081 = arith.constant 0 : i32
        %parallel_loop3A_1082 = tpu.memref_slice %arg7[%parallel_loop3A_1078, %parallel_loop3A_1079, %parallel_loop3A_1080, %parallel_loop3A_1081] : memref<2x8x8x129xf32, #tpu.memory_space<vmem>> -> memref<1x8x8x129xf32, #tpu.memory_space<vmem>>
        %parallel_loop3A_1083 = tpu.memref_squeeze %parallel_loop3A_1082 : memref<1x8x8x129xf32, #tpu.memory_space<vmem>> -> memref<8x8x129xf32, #tpu.memory_space<vmem>>
        tpu.vector_store_idx %parallel_loop3A_1083[%select_n3A_85, %select_n3A_110, %parallel_loop3A_1077], %parallel_loop3A_1074 : memref<8x8x129xf32, #tpu.memory_space<vmem>>[vector<16xi32>, vector<16xi32>, vector<16xi32>], vector<16xf32>,
        %parallel_loop3A_1084 = arith.constant 2 : i32
        %parallel_loop3A_1085 = arith.muli %parallel_loop3A_1008, %parallel_loop3A_1084 : i32
        %parallel_loop3A_1086 = arith.constant 0 : i32
        %parallel_loop3A_1087 = arith.addi %parallel_loop3A_1085, %parallel_loop3A_1086 : i32
        %parallel_loop3A_1088 = arith.constant 1 : i32
        %parallel_loop3A_1089 = arith.index_cast %parallel_loop3A_1088 : i32 to index
        %parallel_loop3A_1090 = arith.index_cast %parallel_loop3A_1087 : i32 to index
        %parallel_loop3A_1091 = arith.constant 32 : index
        %parallel_loop3A_1092 = tpu.vector_load %arg6[%parallel_loop3A_1089, %parallel_loop3A_1090, %parallel_loop3A_1091] {strides = array<i32>} : memref<2x128x64xf32, #tpu.memory_space<vmem>>, vector<16xf32>,
        %parallel_loop3A_1093 = arith.constant 0 : i32
        %parallel_loop3A_1094 = vector.broadcast %parallel_loop3A_1093 : i32 to vector<16xi32>
        %parallel_loop3A_1095 = arith.addi %parallel_loop3A_1011, %parallel_loop3A_1094 : vector<16xi32>
        %parallel_loop3A_1096 = arith.constant 1 : i32
        %parallel_loop3A_1097 = arith.constant 0 : i32
        %parallel_loop3A_1098 = arith.constant 0 : i32
        %parallel_loop3A_1099 = arith.constant 0 : i32
        %parallel_loop3A_1100 = tpu.memref_slice %arg7[%parallel_loop3A_1096, %parallel_loop3A_1097, %parallel_loop3A_1098, %parallel_loop3A_1099] : memref<2x8x8x129xf32, #tpu.memory_space<vmem>> -> memref<1x8x8x129xf32, #tpu.memory_space<vmem>>
        %parallel_loop3A_1101 = tpu.memref_squeeze %parallel_loop3A_1100 : memref<1x8x8x129xf32, #tpu.memory_space<vmem>> -> memref<8x8x129xf32, #tpu.memory_space<vmem>>
        tpu.vector_store_idx %parallel_loop3A_1101[%select_n3A_144, %select_n3A_169, %parallel_loop3A_1095], %parallel_loop3A_1092 : memref<8x8x129xf32, #tpu.memory_space<vmem>>[vector<16xi32>, vector<16xi32>, vector<16xi32>], vector<16xf32>,
        %parallel_loop3A_1102 = arith.constant 2 : i32
        %parallel_loop3A_1103 = arith.muli %parallel_loop3A_1008, %parallel_loop3A_1102 : i32
        %parallel_loop3A_1104 = arith.constant 1 : i32
        %parallel_loop3A_1105 = arith.addi %parallel_loop3A_1103, %parallel_loop3A_1104 : i32
        %parallel_loop3A_1106 = arith.constant 1 : i32
        %parallel_loop3A_1107 = arith.index_cast %parallel_loop3A_1106 : i32 to index
        %parallel_loop3A_1108 = arith.index_cast %parallel_loop3A_1105 : i32 to index
        %parallel_loop3A_1109 = arith.constant 32 : index
        %parallel_loop3A_1110 = tpu.vector_load %arg6[%parallel_loop3A_1107, %parallel_loop3A_1108, %parallel_loop3A_1109] {strides = array<i32>} : memref<2x128x64xf32, #tpu.memory_space<vmem>>, vector<16xf32>,
        %parallel_loop3A_1111 = arith.constant 1 : i32
        %parallel_loop3A_1112 = vector.broadcast %parallel_loop3A_1111 : i32 to vector<16xi32>
        %parallel_loop3A_1113 = arith.addi %parallel_loop3A_1011, %parallel_loop3A_1112 : vector<16xi32>
        %parallel_loop3A_1114 = arith.constant 1 : i32
        %parallel_loop3A_1115 = arith.constant 0 : i32
        %parallel_loop3A_1116 = arith.constant 0 : i32
        %parallel_loop3A_1117 = arith.constant 0 : i32
        %parallel_loop3A_1118 = tpu.memref_slice %arg7[%parallel_loop3A_1114, %parallel_loop3A_1115, %parallel_loop3A_1116, %parallel_loop3A_1117] : memref<2x8x8x129xf32, #tpu.memory_space<vmem>> -> memref<1x8x8x129xf32, #tpu.memory_space<vmem>>
        %parallel_loop3A_1119 = tpu.memref_squeeze %parallel_loop3A_1118 : memref<1x8x8x129xf32, #tpu.memory_space<vmem>> -> memref<8x8x129xf32, #tpu.memory_space<vmem>>
        tpu.vector_store_idx %parallel_loop3A_1119[%select_n3A_144, %select_n3A_169, %parallel_loop3A_1113], %parallel_loop3A_1110 : memref<8x8x129xf32, #tpu.memory_space<vmem>>[vector<16xi32>, vector<16xi32>, vector<16xi32>], vector<16xf32>,
        %parallel_loop3A_1120 = arith.constant 2 : i32
        %parallel_loop3A_1121 = arith.muli %parallel_loop3A_1008, %parallel_loop3A_1120 : i32
        %parallel_loop3A_1122 = arith.constant 0 : i32
        %parallel_loop3A_1123 = arith.addi %parallel_loop3A_1121, %parallel_loop3A_1122 : i32
        %parallel_loop3A_1124 = arith.constant 1 : i32
        %parallel_loop3A_1125 = arith.index_cast %parallel_loop3A_1124 : i32 to index
        %parallel_loop3A_1126 = arith.index_cast %parallel_loop3A_1123 : i32 to index
        %parallel_loop3A_1127 = arith.constant 48 : index
        %parallel_loop3A_1128 = tpu.vector_load %arg6[%parallel_loop3A_1125, %parallel_loop3A_1126, %parallel_loop3A_1127] {strides = array<i32>} : memref<2x128x64xf32, #tpu.memory_space<vmem>>, vector<16xf32>,
        %parallel_loop3A_1129 = arith.constant 0 : i32
        %parallel_loop3A_1130 = vector.broadcast %parallel_loop3A_1129 : i32 to vector<16xi32>
        %parallel_loop3A_1131 = arith.addi %parallel_loop3A_1011, %parallel_loop3A_1130 : vector<16xi32>
        %parallel_loop3A_1132 = arith.constant 1 : i32
        %parallel_loop3A_1133 = arith.constant 0 : i32
        %parallel_loop3A_1134 = arith.constant 0 : i32
        %parallel_loop3A_1135 = arith.constant 0 : i32
        %parallel_loop3A_1136 = tpu.memref_slice %arg7[%parallel_loop3A_1132, %parallel_loop3A_1133, %parallel_loop3A_1134, %parallel_loop3A_1135] : memref<2x8x8x129xf32, #tpu.memory_space<vmem>> -> memref<1x8x8x129xf32, #tpu.memory_space<vmem>>
        %parallel_loop3A_1137 = tpu.memref_squeeze %parallel_loop3A_1136 : memref<1x8x8x129xf32, #tpu.memory_space<vmem>> -> memref<8x8x129xf32, #tpu.memory_space<vmem>>
        tpu.vector_store_idx %parallel_loop3A_1137[%select_n3A_203, %select_n3A_228, %parallel_loop3A_1131], %parallel_loop3A_1128 : memref<8x8x129xf32, #tpu.memory_space<vmem>>[vector<16xi32>, vector<16xi32>, vector<16xi32>], vector<16xf32>,
        %parallel_loop3A_1138 = arith.constant 2 : i32
        %parallel_loop3A_1139 = arith.muli %parallel_loop3A_1008, %parallel_loop3A_1138 : i32
        %parallel_loop3A_1140 = arith.constant 1 : i32
        %parallel_loop3A_1141 = arith.addi %parallel_loop3A_1139, %parallel_loop3A_1140 : i32
        %parallel_loop3A_1142 = arith.constant 1 : i32
        %parallel_loop3A_1143 = arith.index_cast %parallel_loop3A_1142 : i32 to index
        %parallel_loop3A_1144 = arith.index_cast %parallel_loop3A_1141 : i32 to index
        %parallel_loop3A_1145 = arith.constant 48 : index
        %parallel_loop3A_1146 = tpu.vector_load %arg6[%parallel_loop3A_1143, %parallel_loop3A_1144, %parallel_loop3A_1145] {strides = array<i32>} : memref<2x128x64xf32, #tpu.memory_space<vmem>>, vector<16xf32>,
        %parallel_loop3A_1147 = arith.constant 1 : i32
        %parallel_loop3A_1148 = vector.broadcast %parallel_loop3A_1147 : i32 to vector<16xi32>
        %parallel_loop3A_1149 = arith.addi %parallel_loop3A_1011, %parallel_loop3A_1148 : vector<16xi32>
        %parallel_loop3A_1150 = arith.constant 1 : i32
        %parallel_loop3A_1151 = arith.constant 0 : i32
        %parallel_loop3A_1152 = arith.constant 0 : i32
        %parallel_loop3A_1153 = arith.constant 0 : i32
        %parallel_loop3A_1154 = tpu.memref_slice %arg7[%parallel_loop3A_1150, %parallel_loop3A_1151, %parallel_loop3A_1152, %parallel_loop3A_1153] : memref<2x8x8x129xf32, #tpu.memory_space<vmem>> -> memref<1x8x8x129xf32, #tpu.memory_space<vmem>>
        %parallel_loop3A_1155 = tpu.memref_squeeze %parallel_loop3A_1154 : memref<1x8x8x129xf32, #tpu.memory_space<vmem>> -> memref<8x8x129xf32, #tpu.memory_space<vmem>>
        tpu.vector_store_idx %parallel_loop3A_1155[%select_n3A_203, %select_n3A_228, %parallel_loop3A_1149], %parallel_loop3A_1146 : memref<8x8x129xf32, #tpu.memory_space<vmem>>[vector<16xi32>, vector<16xi32>, vector<16xi32>], vector<16xf32>,
      } {sc.loop_unroll_factor = 8 : i64, sc.parallel_access}
      %jit3A_903 = arith.constant 8 : i32
      %div3A_904 = arith.divsi %add3A_754, %jit3A_903 : i32
      %sign3A_905 = arith.constant 0 : i32
      %sign3A_906 = arith.cmpi sgt, %add3A_754, %sign3A_905 : i32
      %sign3A_907 = arith.extui %sign3A_906 : i1 to i32
      %sign3A_908 = arith.constant 0 : i32
      %sign3A_909 = arith.cmpi slt, %add3A_754, %sign3A_908 : i32
      %sign3A_910 = arith.extui %sign3A_909 : i1 to i32
      %sign3A_911 = arith.subi %sign3A_907, %sign3A_910 : i32
      %sign3A_912 = arith.constant 0 : i32
      %sign3A_913 = arith.cmpi sgt, %jit3A_903, %sign3A_912 : i32
      %sign3A_914 = arith.extui %sign3A_913 : i1 to i32
      %sign3A_915 = arith.constant 0 : i32
      %sign3A_916 = arith.cmpi slt, %jit3A_903, %sign3A_915 : i32
      %sign3A_917 = arith.extui %sign3A_916 : i1 to i32
      %sign3A_918 = arith.subi %sign3A_914, %sign3A_917 : i32
      %ne3A_919 = arith.cmpi ne, %sign3A_911, %sign3A_918 : i32
      %rem3A_920 = arith.remsi %add3A_754, %jit3A_903 : i32
      %ne3A_921 = arith.constant 0 : i32
      %ne3A_922 = arith.cmpi ne, %rem3A_920, %ne3A_921 : i32
      %and3A_923 = arith.andi %ne3A_919, %ne3A_922 : i1
      %sub3A_924 = arith.constant 1 : i32
      %sub3A_925 = arith.subi %div3A_904, %sub3A_924 : i32
      %select_n3A_926 = arith.select %and3A_923, %sub3A_925, %div3A_904 : i32
      %add3A_927 = arith.addi %mul3A_2, %select_n3A_926 : i32
      %jit3A_928 = arith.constant 128 : i32
      %div3A_929 = arith.divsi %add3A_927, %jit3A_928 : i32
      %sign3A_930 = arith.constant 0 : i32
      %sign3A_931 = arith.cmpi sgt, %add3A_927, %sign3A_930 : i32
      %sign3A_932 = arith.extui %sign3A_931 : i1 to i32
      %sign3A_933 = arith.constant 0 : i32
      %sign3A_934 = arith.cmpi slt, %add3A_927, %sign3A_933 : i32
      %sign3A_935 = arith.extui %sign3A_934 : i1 to i32
      %sign3A_936 = arith.subi %sign3A_932, %sign3A_935 : i32
      %sign3A_937 = arith.constant 0 : i32
      %sign3A_938 = arith.cmpi sgt, %jit3A_928, %sign3A_937 : i32
      %sign3A_939 = arith.extui %sign3A_938 : i1 to i32
      %sign3A_940 = arith.constant 0 : i32
      %sign3A_941 = arith.cmpi slt, %jit3A_928, %sign3A_940 : i32
      %sign3A_942 = arith.extui %sign3A_941 : i1 to i32
      %sign3A_943 = arith.subi %sign3A_939, %sign3A_942 : i32
      %ne3A_944 = arith.cmpi ne, %sign3A_936, %sign3A_943 : i32
      %rem3A_945 = arith.remsi %add3A_927, %jit3A_928 : i32
      %ne3A_946 = arith.constant 0 : i32
      %ne3A_947 = arith.cmpi ne, %rem3A_945, %ne3A_946 : i32
      %and3A_948 = arith.andi %ne3A_944, %ne3A_947 : i1
      %sub3A_949 = arith.constant 1 : i32
      %sub3A_950 = arith.subi %div3A_929, %sub3A_949 : i32
      %select_n3A_951 = arith.select %and3A_948, %sub3A_950, %div3A_929 : i32
      %mul3A_952 = arith.constant 8 : i32
      %mul3A_953 = arith.muli %select_n3A_951, %mul3A_952 : i32
      %jit3A_954 = arith.constant 8 : i32
      %eq3A_955 = arith.constant 0 : i32
      %eq3A_956 = arith.cmpi eq, %jit3A_954, %eq3A_955 : i32
      %jit3A_957 = arith.constant 1 : i32
      %select_n3A_958 = arith.select %eq3A_956, %jit3A_957, %jit3A_954 : i32
      %rem3A_959 = arith.remsi %add3A_754, %select_n3A_958 : i32
      %ne3A_960 = arith.constant 0 : i32
      %ne3A_961 = arith.cmpi ne, %rem3A_959, %ne3A_960 : i32
      %lt3A_962 = arith.constant 0 : i32
      %lt3A_963 = arith.cmpi slt, %rem3A_959, %lt3A_962 : i32
      %lt3A_964 = arith.constant 0 : i32
      %lt3A_965 = arith.cmpi slt, %select_n3A_958, %lt3A_964 : i32
      %ne3A_966 = arith.xori %lt3A_963, %lt3A_965 : i1
      %and3A_967 = arith.andi %ne3A_966, %ne3A_961 : i1
      %add3A_968 = arith.addi %rem3A_959, %select_n3A_958 : i32
      %select_n3A_969 = arith.select %and3A_967, %add3A_968, %rem3A_959 : i32
      %add3A_970 = arith.addi %mul3A_953, %select_n3A_969 : i32
      %jit3A_971 = arith.constant 128 : i32
      %eq3A_972 = arith.constant 0 : i32
      %eq3A_973 = arith.cmpi eq, %jit3A_971, %eq3A_972 : i32
      %jit3A_974 = arith.constant 1 : i32
      %select_n3A_975 = arith.select %eq3A_973, %jit3A_974, %jit3A_971 : i32
      %rem3A_976 = arith.remsi %add3A_927, %select_n3A_975 : i32
      %ne3A_977 = arith.constant 0 : i32
      %ne3A_978 = arith.cmpi ne, %rem3A_976, %ne3A_977 : i32
      %lt3A_979 = arith.constant 0 : i32
      %lt3A_980 = arith.cmpi slt, %rem3A_976, %lt3A_979 : i32
      %lt3A_981 = arith.constant 0 : i32
      %lt3A_982 = arith.cmpi slt, %select_n3A_975, %lt3A_981 : i32
      %ne3A_983 = arith.xori %lt3A_980, %lt3A_982 : i1
      %and3A_984 = arith.andi %ne3A_983, %ne3A_978 : i1
      %add3A_985 = arith.addi %rem3A_976, %select_n3A_975 : i32
      %select_n3A_986 = arith.select %and3A_984, %add3A_985, %rem3A_976 : i32
      %dma_start3A_987 = arith.constant 1 : i32
      %dma_start3A_988 = arith.constant 0 : i32
      %dma_start3A_989 = arith.constant 0 : i32
      %dma_start3A_990 = arith.constant 0 : i32
      %dma_start3A_991 = tpu.memref_slice %arg7[%dma_start3A_987, %dma_start3A_988, %dma_start3A_989, %dma_start3A_990] : memref<2x8x8x129xf32, #tpu.memory_space<vmem>> -> memref<1x8x8x128xf32, #tpu.memory_space<vmem>>
      %dma_start3A_992 = tpu.memref_squeeze %dma_start3A_991 : memref<1x8x8x128xf32, #tpu.memory_space<vmem>> -> memref<8x8x128xf32, #tpu.memory_space<vmem>>
      %dma_start3A_993 = arith.constant 0 : i32
      %dma_start3A_994 = arith.constant 0 : i32
      %dma_start3A_995 = arith.constant 0 : i32
      %dma_start3A_996 = tpu.memref_slice %arg4[%add3A_970, %dma_start3A_993, %select_n3A_986, %dma_start3A_994, %dma_start3A_995] : memref<200x8x128x8x128xf32, #tpu.memory_space<hbm>> -> memref<1x8x1x8x128xf32, #tpu.memory_space<hbm>>
      %dma_start3A_997 = tpu.memref_squeeze %dma_start3A_996 : memref<1x8x1x8x128xf32, #tpu.memory_space<hbm>> -> memref<8x8x128xf32, #tpu.memory_space<hbm>>
      %dma_start3A_998 = arith.constant 0 : i32
      %dma_start3A_999 = arith.constant 0 : i32
      %dma_start3A_1000 = arith.constant 0 : i32
      %dma_start3A_1001 = tpu.memref_slice %arg4[%add3A_970, %dma_start3A_998, %select_n3A_986, %dma_start3A_999, %dma_start3A_1000] : memref<200x8x128x8x128xf32, #tpu.memory_space<hbm>> -> memref<1x8x1x8x128xf32, #tpu.memory_space<hbm>>
      %dma_start3A_1002 = tpu.memref_squeeze %dma_start3A_1001 : memref<1x8x1x8x128xf32, #tpu.memory_space<hbm>> -> memref<8x8x128xf32, #tpu.memory_space<hbm>>
      %dma_start3A_1003 = arith.constant 0 : i32
      %dma_start3A_1004 = arith.constant 0 : i32
      %dma_start3A_1005 = arith.constant 0 : i32
      %dma_start3A_1006 = tpu.memref_slice %arg7[%dma_start3A_987, %dma_start3A_1003, %dma_start3A_1004, %dma_start3A_1005] : memref<2x8x8x129xf32, #tpu.memory_space<vmem>> -> memref<1x8x8x128xf32, #tpu.memory_space<vmem>>
      %dma_start3A_1007 = tpu.memref_squeeze %dma_start3A_1006 : memref<1x8x8x128xf32, #tpu.memory_space<vmem>> -> memref<8x8x128xf32, #tpu.memory_space<vmem>>
      tpu.enqueue_dma source(%dma_start3A_1007 : memref<8x8x128xf32, #tpu.memory_space<vmem>>) target(%dma_start3A_1002 : memref<8x8x128xf32, #tpu.memory_space<hbm>>) target_semaphore(%arg10 : memref<!tpu.dma_semaphore, #tpu.memory_space<semaphore_mem>>)
    }
    %scan3A_362 = arith.constant 400 : i32
    %add3A_363 = arith.constant 99 : i32
    %add3A_364 = arith.addi %mul3A_2, %add3A_363 : i32
    %jit3A_365 = arith.constant 128 : i32
    %div3A_366 = arith.divsi %add3A_364, %jit3A_365 : i32
    %sign3A_367 = arith.constant 0 : i32
    %sign3A_368 = arith.cmpi sgt, %add3A_364, %sign3A_367 : i32
    %sign3A_369 = arith.extui %sign3A_368 : i1 to i32
    %sign3A_370 = arith.constant 0 : i32
    %sign3A_371 = arith.cmpi slt, %add3A_364, %sign3A_370 : i32
    %sign3A_372 = arith.extui %sign3A_371 : i1 to i32
    %sign3A_373 = arith.subi %sign3A_369, %sign3A_372 : i32
    %sign3A_374 = arith.constant 0 : i32
    %sign3A_375 = arith.cmpi sgt, %jit3A_365, %sign3A_374 : i32
    %sign3A_376 = arith.extui %sign3A_375 : i1 to i32
    %sign3A_377 = arith.constant 0 : i32
    %sign3A_378 = arith.cmpi slt, %jit3A_365, %sign3A_377 : i32
    %sign3A_379 = arith.extui %sign3A_378 : i1 to i32
    %sign3A_380 = arith.subi %sign3A_376, %sign3A_379 : i32
    %ne3A_381 = arith.cmpi ne, %sign3A_373, %sign3A_380 : i32
    %rem3A_382 = arith.remsi %add3A_364, %jit3A_365 : i32
    %ne3A_383 = arith.constant 0 : i32
    %ne3A_384 = arith.cmpi ne, %rem3A_382, %ne3A_383 : i32
    %and3A_385 = arith.andi %ne3A_381, %ne3A_384 : i1
    %sub3A_386 = arith.constant 1 : i32
    %sub3A_387 = arith.subi %div3A_366, %sub3A_386 : i32
    %select_n3A_388 = arith.select %and3A_385, %sub3A_387, %div3A_366 : i32
    %mul3A_389 = arith.constant 8 : i32
    %mul3A_390 = arith.muli %select_n3A_388, %mul3A_389 : i32
    %add3A_391 = arith.constant 6 : i32
    %add3A_392 = arith.addi %mul3A_390, %add3A_391 : i32
    %jit3A_393 = arith.constant 128 : i32
    %eq3A_394 = arith.constant 0 : i32
    %eq3A_395 = arith.cmpi eq, %jit3A_393, %eq3A_394 : i32
    %jit3A_396 = arith.constant 1 : i32
    %select_n3A_397 = arith.select %eq3A_395, %jit3A_396, %jit3A_393 : i32
    %rem3A_398 = arith.remsi %add3A_364, %select_n3A_397 : i32
    %ne3A_399 = arith.constant 0 : i32
    %ne3A_400 = arith.cmpi ne, %rem3A_398, %ne3A_399 : i32
    %lt3A_401 = arith.constant 0 : i32
    %lt3A_402 = arith.cmpi slt, %rem3A_398, %lt3A_401 : i32
    %lt3A_403 = arith.constant 0 : i32
    %lt3A_404 = arith.cmpi slt, %select_n3A_397, %lt3A_403 : i32
    %ne3A_405 = arith.xori %lt3A_402, %lt3A_404 : i1
    %and3A_406 = arith.andi %ne3A_405, %ne3A_400 : i1
    %add3A_407 = arith.addi %rem3A_398, %select_n3A_397 : i32
    %select_n3A_408 = arith.select %and3A_406, %add3A_407, %rem3A_398 : i32
    %dma_wait3A_409 = arith.constant 0 : i32
    %dma_wait3A_410 = arith.constant 0 : i32
    %dma_wait3A_411 = arith.constant 0 : i32
    %dma_wait3A_412 = arith.constant 0 : i32
    %dma_wait3A_413 = tpu.memref_slice %arg7[%dma_wait3A_409, %dma_wait3A_410, %dma_wait3A_411, %dma_wait3A_412] : memref<2x8x8x129xf32, #tpu.memory_space<vmem>> -> memref<1x8x8x128xf32, #tpu.memory_space<vmem>>
    %dma_wait3A_414 = tpu.memref_squeeze %dma_wait3A_413 : memref<1x8x8x128xf32, #tpu.memory_space<vmem>> -> memref<8x8x128xf32, #tpu.memory_space<vmem>>
    %dma_wait3A_415 = arith.constant 0 : i32
    %dma_wait3A_416 = arith.constant 0 : i32
    %dma_wait3A_417 = arith.constant 0 : i32
    %dma_wait3A_418 = tpu.memref_slice %arg4[%add3A_392, %dma_wait3A_415, %select_n3A_408, %dma_wait3A_416, %dma_wait3A_417] : memref<200x8x128x8x128xf32, #tpu.memory_space<hbm>> -> memref<1x8x1x8x128xf32, #tpu.memory_space<hbm>>
    %dma_wait3A_419 = tpu.memref_squeeze %dma_wait3A_418 : memref<1x8x1x8x128xf32, #tpu.memory_space<hbm>> -> memref<8x8x128xf32, #tpu.memory_space<hbm>>
    %dma_wait3A_420 = arith.constant 0 : i32
    %dma_wait3A_421 = arith.constant 0 : i32
    %dma_wait3A_422 = arith.constant 0 : i32
    %dma_wait3A_423 = tpu.memref_slice %arg4[%add3A_392, %dma_wait3A_420, %select_n3A_408, %dma_wait3A_421, %dma_wait3A_422] : memref<200x8x128x8x128xf32, #tpu.memory_space<hbm>> -> memref<1x8x1x8x128xf32, #tpu.memory_space<hbm>>
    %dma_wait3A_424 = tpu.memref_squeeze %dma_wait3A_423 : memref<1x8x1x8x128xf32, #tpu.memory_space<hbm>> -> memref<8x8x128xf32, #tpu.memory_space<hbm>>
    %dma_wait3A_425 = arith.constant 0 : i32
    %dma_wait3A_426 = arith.constant 0 : i32
    %dma_wait3A_427 = arith.constant 0 : i32
    %dma_wait3A_428 = tpu.memref_slice %arg7[%dma_wait3A_409, %dma_wait3A_425, %dma_wait3A_426, %dma_wait3A_427] : memref<2x8x8x129xf32, #tpu.memory_space<vmem>> -> memref<1x8x8x128xf32, #tpu.memory_space<vmem>>
    %dma_wait3A_429 = tpu.memref_squeeze %dma_wait3A_428 : memref<1x8x8x128xf32, #tpu.memory_space<vmem>> -> memref<8x8x128xf32, #tpu.memory_space<vmem>>
    tpu.wait_dma2 semaphore(%arg9 : memref<!tpu.dma_semaphore, #tpu.memory_space<semaphore_mem>>) src(%dma_wait3A_429 : memref<8x8x128xf32, #tpu.memory_space<vmem>>) dst(%dma_wait3A_424 : memref<8x8x128xf32, #tpu.memory_space<hbm>>)
    %add3A_430 = arith.constant 99 : i32
    %add3A_431 = arith.addi %mul3A_2, %add3A_430 : i32
    %jit3A_432 = arith.constant 128 : i32
    %div3A_433 = arith.divsi %add3A_431, %jit3A_432 : i32
    %sign3A_434 = arith.constant 0 : i32
    %sign3A_435 = arith.cmpi sgt, %add3A_431, %sign3A_434 : i32
    %sign3A_436 = arith.extui %sign3A_435 : i1 to i32
    %sign3A_437 = arith.constant 0 : i32
    %sign3A_438 = arith.cmpi slt, %add3A_431, %sign3A_437 : i32
    %sign3A_439 = arith.extui %sign3A_438 : i1 to i32
    %sign3A_440 = arith.subi %sign3A_436, %sign3A_439 : i32
    %sign3A_441 = arith.constant 0 : i32
    %sign3A_442 = arith.cmpi sgt, %jit3A_432, %sign3A_441 : i32
    %sign3A_443 = arith.extui %sign3A_442 : i1 to i32
    %sign3A_444 = arith.constant 0 : i32
    %sign3A_445 = arith.cmpi slt, %jit3A_432, %sign3A_444 : i32
    %sign3A_446 = arith.extui %sign3A_445 : i1 to i32
    %sign3A_447 = arith.subi %sign3A_443, %sign3A_446 : i32
    %ne3A_448 = arith.cmpi ne, %sign3A_440, %sign3A_447 : i32
    %rem3A_449 = arith.remsi %add3A_431, %jit3A_432 : i32
    %ne3A_450 = arith.constant 0 : i32
    %ne3A_451 = arith.cmpi ne, %rem3A_449, %ne3A_450 : i32
    %and3A_452 = arith.andi %ne3A_448, %ne3A_451 : i1
    %sub3A_453 = arith.constant 1 : i32
    %sub3A_454 = arith.subi %div3A_433, %sub3A_453 : i32
    %select_n3A_455 = arith.select %and3A_452, %sub3A_454, %div3A_433 : i32
    %mul3A_456 = arith.constant 8 : i32
    %mul3A_457 = arith.muli %select_n3A_455, %mul3A_456 : i32
    %add3A_458 = arith.constant 7 : i32
    %add3A_459 = arith.addi %mul3A_457, %add3A_458 : i32
    %jit3A_460 = arith.constant 128 : i32
    %eq3A_461 = arith.constant 0 : i32
    %eq3A_462 = arith.cmpi eq, %jit3A_460, %eq3A_461 : i32
    %jit3A_463 = arith.constant 1 : i32
    %select_n3A_464 = arith.select %eq3A_462, %jit3A_463, %jit3A_460 : i32
    %rem3A_465 = arith.remsi %add3A_431, %select_n3A_464 : i32
    %ne3A_466 = arith.constant 0 : i32
    %ne3A_467 = arith.cmpi ne, %rem3A_465, %ne3A_466 : i32
    %lt3A_468 = arith.constant 0 : i32
    %lt3A_469 = arith.cmpi slt, %rem3A_465, %lt3A_468 : i32
    %lt3A_470 = arith.constant 0 : i32
    %lt3A_471 = arith.cmpi slt, %select_n3A_464, %lt3A_470 : i32
    %ne3A_472 = arith.xori %lt3A_469, %lt3A_471 : i1
    %and3A_473 = arith.andi %ne3A_472, %ne3A_467 : i1
    %add3A_474 = arith.addi %rem3A_465, %select_n3A_464 : i32
    %select_n3A_475 = arith.select %and3A_473, %add3A_474, %rem3A_465 : i32
    %dma_wait3A_476 = arith.constant 1 : i32
    %dma_wait3A_477 = arith.constant 0 : i32
    %dma_wait3A_478 = arith.constant 0 : i32
    %dma_wait3A_479 = arith.constant 0 : i32
    %dma_wait3A_480 = tpu.memref_slice %arg7[%dma_wait3A_476, %dma_wait3A_477, %dma_wait3A_478, %dma_wait3A_479] : memref<2x8x8x129xf32, #tpu.memory_space<vmem>> -> memref<1x8x8x128xf32, #tpu.memory_space<vmem>>
    %dma_wait3A_481 = tpu.memref_squeeze %dma_wait3A_480 : memref<1x8x8x128xf32, #tpu.memory_space<vmem>> -> memref<8x8x128xf32, #tpu.memory_space<vmem>>
    %dma_wait3A_482 = arith.constant 0 : i32
    %dma_wait3A_483 = arith.constant 0 : i32
    %dma_wait3A_484 = arith.constant 0 : i32
    %dma_wait3A_485 = tpu.memref_slice %arg4[%add3A_459, %dma_wait3A_482, %select_n3A_475, %dma_wait3A_483, %dma_wait3A_484] : memref<200x8x128x8x128xf32, #tpu.memory_space<hbm>> -> memref<1x8x1x8x128xf32, #tpu.memory_space<hbm>>
    %dma_wait3A_486 = tpu.memref_squeeze %dma_wait3A_485 : memref<1x8x1x8x128xf32, #tpu.memory_space<hbm>> -> memref<8x8x128xf32, #tpu.memory_space<hbm>>
    %dma_wait3A_487 = arith.constant 0 : i32
    %dma_wait3A_488 = arith.constant 0 : i32
    %dma_wait3A_489 = arith.constant 0 : i32
    %dma_wait3A_490 = tpu.memref_slice %arg4[%add3A_459, %dma_wait3A_487, %select_n3A_475, %dma_wait3A_488, %dma_wait3A_489] : memref<200x8x128x8x128xf32, #tpu.memory_space<hbm>> -> memref<1x8x1x8x128xf32, #tpu.memory_space<hbm>>
    %dma_wait3A_491 = tpu.memref_squeeze %dma_wait3A_490 : memref<1x8x1x8x128xf32, #tpu.memory_space<hbm>> -> memref<8x8x128xf32, #tpu.memory_space<hbm>>
    %dma_wait3A_492 = arith.constant 0 : i32
    %dma_wait3A_493 = arith.constant 0 : i32
    %dma_wait3A_494 = arith.constant 0 : i32
    %dma_wait3A_495 = tpu.memref_slice %arg7[%dma_wait3A_476, %dma_wait3A_492, %dma_wait3A_493, %dma_wait3A_494] : memref<2x8x8x129xf32, #tpu.memory_space<vmem>> -> memref<1x8x8x128xf32, #tpu.memory_space<vmem>>
    %dma_wait3A_496 = tpu.memref_squeeze %dma_wait3A_495 : memref<1x8x8x128xf32, #tpu.memory_space<vmem>> -> memref<8x8x128xf32, #tpu.memory_space<vmem>>
    tpu.wait_dma2 semaphore(%arg10 : memref<!tpu.dma_semaphore, #tpu.memory_space<semaphore_mem>>) src(%dma_wait3A_496 : memref<8x8x128xf32, #tpu.memory_space<vmem>>) dst(%dma_wait3A_491 : memref<8x8x128xf32, #tpu.memory_space<hbm>>)
    return
  }
}

</mosaic_0001>

<sc_bundles>
// kernel: kernel.3.cloned.1.call-start
scs
__scs_entry_jumppad:
0x0: {  	(pc) =	sbr.rel $0x88, $3  }
0x1: {  	(tag) =	ssettag $0x0;
	lr =	simm.s32 $0x1  }
0x2: {  	[smem:$0x3F9F] =	sst lr;
	_ =	strace $0xD0000000  }
0x3: {  	_ = 	snop  }
0x4: {  	_ = 	snop  }
0x5: {  	_ = 	snop  }
0x6: {  	_ = 	snop  }
0x7: {  	_ = 	snop  }
__scs_overlays_trampoline_lowered:
0x8: {  	[smem:$0x3FAE] =	sst s0  }
0x9: {  	[smem:$0x3FAF] =	sst s1  }
0xa: {  	[smem:$0x3FB0] =	sst s2  }
0xb: {  	[smem:$0x3FB1] =	sst s3  }
0xc: {  	[smem:$0x3FB2] =	sst s4  }
0xd: {  	[smem:$0x3FB3] =	sst s5  }
0xe: {  	[smem:$0x3FB4] =	sst s6  }
0xf: {  	[smem:$0x3FB5] =	sst s7  }
0x10: {  	[smem:$0x3FB6] =	sst s8  }
0x11: {  	[smem:$0x3FB7] =	sst s9;
	s0 =	simm.s32 @!p0 $0x0  }
0x12: {  	s1 =	sld [smem:$0x3F9D];
	s0 =	simm.s32 @p0 $0x1  }
0x13: {  	[smem:$0x3FB8] =	sst s0;
	s0 =	simm.s32 @!p1 $0x0  }
0x14: {  	s2 =	sld [smem:$0x3F9C];
	s0 =	simm.s32 @p1 $0x1  }
0x15: {  	[smem:$0x3FB9] =	sst s0;
	s0 =	simm.s32 @!p2 $0x0  }
0x16: {  	s3 =	sld [smem:$0x3FDB];
	s0 =	simm.s32 @p2 $0x1  }
0x17: {  	s4 =	simm.s32 $0x1BF5;
	[smem:$0x3FBB] =	sst s0  }
0x18: {  	s0 =	sld [smem:$0x3F9E];
	_ =	swait.ge [sflag:s4], $0x0  }
0x19: {  	s7 =	sld [smem:$0x3F9F]  }
0x1a: {  	s8 =	sadd.s32 $0xFFFFE003, lr  }
0x1b: {  	s9 =	sadd.s32 $0xFFFFFEF7, lr;
	s5 =	simm.s32 $0xFFFFFFFF;
	p2 =	slt.u32 s8, $0xFFFFF086  }
0x1c: {  	p1 =	slt.u32 s9, $0xF7A;
	s5 =	simm.s32 @!p2 $0x0  }
0x1d: {  	s5 =	simm.s32 @p1 $0x1;
	p0 =	seq.s32 s7, s2  }
0x1e: {  	s7 =	smul.u32 @!p0 $0xF7A, s2;
	p2 =	seq.s32 @!p0 s5, $0x0  }
0x1f: {  	s9 =	smul.u32 $0xF7A, s1;
	s8 =	simm.s32 @!p0 $0x1BF5;
	p2 =	por !p2, p0  }
0x20: {  	[sflag:s8] =	ssyncset.s32 @!p0 $0xFFFFF086;
	s6 =	sadd.s32 @!p0 s3, s7;
	s7 =	simm.s32 @!p0 $0x108  }
0x21: {  	s3 =	sadd.s32 s3, s9;
	s6 =	sadd.s32 @!p0 $0x88, s6;
	s7 =	simm.s32 @p2 $0x1082  }
0x22: {  	[simem:s7], [sflag:s8] =	dma.local @!p0 [hbm:s6], $0xF7A  }
0x23: {  	s9 =	sor.u32 $0xD0000000, s2;
	s6 =	simm.s32 $0x108;
	_ =	swait.ge @!p0 [sflag:s8], $0x0  }
0x24: {  	s3 =	sadd.s32 $0x88, s3;
	s6 =	simm.s32 @!p1 $0x1082;
	[sflag:s4] =	ssyncset.s32 $0xFFFFF086  }
0x25: {  	[simem:s6], [sflag:s4] =	dma.local [hbm:s3], $0xF7A  }
0x26: {  	[smem:$0x3F9F] =	sst s1;
	(tag) =	ssettag s2;
	_ =	strace s9  }
0x27: {  	s1 =	sld [smem:$0x3FAF]  }
0x28: {  	s2 =	sld [smem:$0x3FB0]  }
0x29: {  	s4 =	sld [smem:$0x3FB2]  }
0x2a: {  	p0 =	seq.s32 s5, $0x0;
	s5 =	sld [smem:$0x3FB3]  }
0x2b: {  	s6 =	sld [smem:$0x3FB4]  }
0x2c: {  	s7 =	sld [smem:$0x3FB5]  }
0x2d: {  	s3 =	simm.s32 $0x108;
	s8 =	sld [smem:$0x3FB6]  }
0x2e: {  	s3 =	simm.s32 @!p0 $0x1082;
	s9 =	sld [smem:$0x3FB7]  }
0x2f: {  	lr =	sadd.s32 s0, s3;
	s0 =	sld [smem:$0x3FAE]  }
0x30: {  	s3 =	sld [smem:$0x3FB1]  }
0x31: {  	[smem:$0x3FBA] =	sst s10  }
0x32: {  	s10 =	sld [smem:$0x3FB8];
	_ =	sdelay $0x3  }
0x33: {  	p0 =	seq.s32 s10, $0x1;
	s10 =	sld [smem:$0x3FBA];
	_ =	sdelay $0x3  }
0x34: {  	[smem:$0x3FBA] =	sst s10  }
0x35: {  	s10 =	sld [smem:$0x3FB9];
	_ =	sdelay $0x3  }
0x36: {  	p1 =	seq.s32 s10, $0x1;
	s10 =	sld [smem:$0x3FBA];
	_ =	sdelay $0x3  }
0x37: {  	[smem:$0x3FBA] =	sst s10  }
0x38: {  	s10 =	sld [smem:$0x3FBB]  }
0x39: {  	_ = 	snop;
	(pc) =	sbr.ind lr, $3  }
0x3a: {  	_ = 	snop  }
0x3b: {  	_ = 	snop  }
0x3c: {  	p2 =	seq.s32 s10, $0x1;
	s10 =	sld [smem:$0x3FBA]  }
0x3d: {  	_ =	shalt  }
0x3e: {  	_ =	shalt  }
0x3f: {  	_ =	shalt  }
0x40: {  	_ =	shalt  }
0x41: {  	_ =	shalt  }
0x42: {  	_ =	shalt  }
0x43: {  	_ =	shalt  }
0x44: {  	_ =	shalt  }
0x45: {  	_ =	shalt  }
0x46: {  	_ =	shalt  }
0x47: {  	_ =	shalt  }
0x48: {  	_ =	shalt  }
0x49: {  	_ =	shalt  }
0x4a: {  	_ =	shalt  }
0x4b: {  	_ =	shalt  }
0x4c: {  	_ =	shalt  }
0x4d: {  	_ =	shalt  }
0x4e: {  	_ =	shalt  }
0x4f: {  	_ =	shalt  }
0x50: {  	_ =	shalt  }
0x51: {  	_ =	shalt  }
0x52: {  	_ =	shalt  }
0x53: {  	_ =	shalt  }
0x54: {  	_ =	shalt  }
0x55: {  	_ =	shalt  }
0x56: {  	_ =	shalt  }
0x57: {  	_ =	shalt  }
0x58: {  	_ =	shalt  }
0x59: {  	_ =	shalt  }
0x5a: {  	_ =	shalt  }
0x5b: {  	_ =	shalt  }
0x5c: {  	_ =	shalt  }
0x5d: {  	_ =	shalt  }
0x5e: {  	_ =	shalt  }
0x5f: {  	_ =	shalt  }
0x60: {  	_ =	shalt  }
0x61: {  	_ =	shalt  }
0x62: {  	_ =	shalt  }
0x63: {  	_ =	shalt  }
0x64: {  	_ =	shalt  }
0x65: {  	_ =	shalt  }
0x66: {  	_ =	shalt  }
0x67: {  	_ =	shalt  }
0x68: {  	_ =	shalt  }
0x69: {  	_ =	shalt  }
0x6a: {  	_ =	shalt  }
0x6b: {  	_ =	shalt  }
0x6c: {  	_ =	shalt  }
0x6d: {  	_ =	shalt  }
0x6e: {  	_ =	shalt  }
0x6f: {  	_ =	shalt  }
0x70: {  	_ =	shalt  }
0x71: {  	_ =	shalt  }
0x72: {  	_ =	shalt  }
0x73: {  	_ =	shalt  }
0x74: {  	_ =	shalt  }
0x75: {  	_ =	shalt  }
0x76: {  	_ =	shalt  }
0x77: {  	_ =	shalt  }
0x78: {  	_ =	shalt  }
0x79: {  	_ =	shalt  }
0x7a: {  	_ =	shalt  }
0x7b: {  	_ =	shalt  }
0x7c: {  	_ =	shalt  }
0x7d: {  	_ =	shalt  }
0x7e: {  	_ =	shalt  }
0x7f: {  	_ =	shalt  }
0x80: {  	_ =	shalt  }
0x81: {  	_ =	shalt  }
0x82: {  	_ =	shalt  }
0x83: {  	_ =	shalt  }
0x84: {  	_ =	shalt  }
0x85: {  	_ =	shalt  }
0x86: {  	_ =	shalt  }
0x87: {  	_ =	shalt  }
.Lfunc_end0:
.L_simem_size_0:
called_computation_lowered:
.L_overlay_start_0:
0x88: {  	s2 =	sld [smem:$0x3FD9]  }
0x89: {  	s3 =	sld [smem:$0x3FFE];
	_ =	sdelay $0x1  }
0x8a: {  	s1 =	srdreg.scid  }
0x8b: {  	s0 =	sand.u32 $0x1, s1  }
0x8c: {  	s17 =	sshll.u32 s0, $0xA;
	s2 =	sadd.s32 s3, s2  }
0x8d: {  	s2 =	sadd.s32 s2, s17  }
0x8e: {  	[smem:$0x3FC6] =	sst s2  }
0x8f: {  	_ = 	snop  }
0x90: {  	s2 =	sld [smem:$0x3FC9]  }
0x91: {  	s18 =	sld [smem:$0x3FD0];
	(tm) =	ssettm $0x1  }
0x92: {  	s4 =	sld [smem:$0x3FFB];
	_ =	sdelay $0x3  }
0x93: {  	_ =	strace s4  }
0x94: {  	s4 =	sld [smem:$0x3FFC];
	_ =	sdelay $0x3  }
0x95: {  	_ =	strace s4  }
0x96: {  	s4 =	sld [smem:$0x3FFD];
	_ =	sdelay $0x3  }
0x97: {  	_ =	strace s4  }
0x98: {  	_ =	strace $0x8FFFFFFF  }
0x99: {  	s19 =	sld [smem:$0x3FDB];
	_ =	sdelay $0x1  }
0x9a: {  	s5 =	simm.s32 $_scs_section_size  }
0x9b: {  	s6 =	simm.s32 $_size__tile_overlayer_lowered;
	s7 =	simm.s32 $_tile_overlayer_lowered  }
0x9c: {  	s22 =	simm.s32 $0x1BFF;
	s21 =	sshll.u32 s7, $0x1;
	s4 =	sadd.s32 s5, s19  }
0x9d: {  	s8 =	simm.s32 $0x0;
	s20 =	sshll.u32 s6, $0x1;
	s6 =	sadd.s32 s21, s4  }
0x9e: {  	[timem:s8], [sflag:s22] =	dma.local [hbm:s6], s20  }
0x9f: {  	_ =	swait.ge [sflag:s22], s20  }
0xa0: {  	s5 =	ssub.s32 $0x0, s20;
	[sflag:s22] =	ssyncset.done $0x0  }
0xa1: {  	[sflag:s22] =	ssyncadd.s32 s5;
	_ =	sdelay $0x1  }
0xa2: {  	s23 =	simm.s32 $0x1B8B  }
0xa3: {  	_ =	swait.ge [sflag:s23], $0x1  }
0xa4: {  	[sflag:s23] =	ssyncset.done $0x0  }
0xa5: {  	s25 =	simm.s32 $0x1B8E;
	s24 =	sld [smem:$0x3FFE];
	[sflag:s23] =	ssyncadd.s32 $0xFFFFFFFF  }
0xa6: {  	s26 =	simm.s32 $execute0_lowered;
	[smem:$0x3FD2] =	sst s25  }
0xa7: {  	s6 =	sshll.u32 s26, $0x1;
	_ =	strace $0x80000046;
	[dreg:$0x1] =	wrdreg $0xFFFFFFFF  }
0xa8: {  	s28 =	simm.s32 $_size_execute0_lowered;
	s4 =	sadd.s32 s4, s6;
	[dreg:$0x0] =	wrdreg $0x0  }
0xa9: {  	s6 =	sshll.u32 s28, $0x1;
	[dreg:$0x2] =	wrdreg s4  }
0xaa: {  	[dreg:$0x3] =	wrdreg s6  }
0xab: {  	[dreg:$0x4] =	wrdreg $0xC0  }
0xac: {  	_ =	task [dreg:s8], $0x5FFFF  }
0xad: {  	[dreg:$0x1] =	wrdreg $0xFFFFFFFF  }
0xae: {  	[dreg:$0x0] =	wrdreg $0x60  }
0xaf: {  	[dreg:$0x2] =	wrdreg s2  }
0xb0: {  	[dreg:$0x3] =	wrdreg s24  }
0xb1: {  	[dreg:$0x4] =	wrdreg s18  }
0xb2: {  	[dreg:$0x5] =	wrdreg $0x9  }
0xb3: {  	_ =	task.clear_ibuf [dreg:s8], $0x6FFFF;
	_ =	strace $0x90000046  }
0xb4: {  	s29 =	simm.s32 $0x9;
	_ =	strace $0x80000048  }
0xb5: {  	_ =	swait.ge [sflag:s29], $0x1  }
0xb6: {  	[sflag:s29] =	ssyncadd.s32 $0xFFFFFFFF  }
0xb7: {  	_ =	strace $0x90000048  }
0xb8: {  	_ =	sfence  }
0xb9: {  	s30 =	sld [smem:$0x0];
	_ =	sdelay $0x2  }
0xba: {  	s31 =	sshll.u32 s1, $0xD;
	s1 =	sshrl.u32 s1, $0x2  }
0xbb: {  	s3 =	sand.u32 $0x4000, s31;
	s1 =	sadd.s32 s1, s30  }
0xbc: {  	s0 =	sor.u32 s3, s0;
	s1 =	sshll.u32 s1, $0x11  }
0xbd: {  	s0 =	sor.u32 s1, s0  }
0xbe: {  	s0 =	sadd.s32 $0x8F2B, s0  }
0xbf: {  	[sflag:s0] =	ssyncadd.remote.s32 $0x1  }
0xc0: {  	_ =	sfence.sel $0xFFFF  }
0xc1: {  	[dreg:$0x0] =	wrdreg $0xFFFFFFFF;
	(pc) =	sbr.abs _section_cstart, $3  }
0xc2: {  	[dreg:$0x1] =	wrdreg $0xFFFFFFFF  }
0xc3: {  	_ =	task.clear_ibuf [dreg:s8], $0x2FFFF;
	_ =	strace $0x9FFFFFFF  }
0xc4: {  	(tm) =	ssettm $0x7FFFFFFF  }
0xc5: {  	_ =	shalt  }
tec
execute0_lowered:
.L_overlay_start_1:
0x0: {  	(tag) =	ssettag $0x1  }
0x1: {  	v0 =	vlaneseq.u32  }
0x2: {  	v62 =	vmul.u32 $0x88, v0;
	_ =	sdelay $0x1  }
0x3: {  	s1 =	rddreg [dreg:$0x0];
	v0 =	vadd.s32 $0x880, v62  }
0x4: {  	s5 =	rddreg [dreg:$0x1];
	s4 =	simm.s32 $0x0;
	[tilespmem:$0x1FE50] =	vst v0;
	v0 =	vor.u32 $0x2, v62  }
0x5: {  	[smem:$0x7FF] =	sst s4;
	[tilespmem:$0x1FE60] =	vst v0;
	v0 =	vadd.s32 $0x1983, v62  }
0x6: {  	s2 =	rddreg [dreg:$0x2];
	v1 =	vor.u32 $0x6, v62;
	_ =	strace $0x80000047;
	[tilespmem:$0x1FE70] =	vst v0  }
0x7: {  	v2 =	vadd.s32 $0x1987, v62;
	[tilespmem:$0x1FEA0] =	vst v1  }
0x8: {  	v58 =	vor.u32 $0x1, v62;
	[tilespmem:$0x1FEB0] =	vst v2  }
0x9: {  	[tilespmem:$0x1FEC0] =	vst v58  }
0xa: {  	v59 =	vor.u32 $0x7, v62;
	[tilespmem:$0x1FED0] =	vst v62  }
0xb: {  	v60 =	vadd.s32 $0x887, v62;
	[tilespmem:$0x1FEE0] =	vst v59  }
0xc: {  	v61 =	vadd.s32 $0x1100, v62;
	[tilespmem:$0x1FEF0] =	vst v60  }
0xd: {  	v18 =	vadd.s32 $0x1106, v62;
	[tilespmem:$0x1FF00] =	vst v61  }
0xe: {  	v13 =	vadd.s32 $0x1984, v62;
	[tilespmem:$0x1FF10] =	vst v18  }
0xf: {  	v10 =	vadd.s32 $0x1986, v62;
	[tilespmem:$0x1FF20] =	vst v13  }
0x10: {  	v20 =	vadd.s32 $0x881, v62;
	[tilespmem:$0x1FF50] =	vst v10  }
0x11: {  	v21 =	vadd.s32 $0x883, v62;
	[tilespmem:$0x1FF60] =	vst v20  }
0x12: {  	v26 =	vadd.s32 $0x1101, v62;
	[tilespmem:$0x1FF70] =	vst v21  }
0x13: {  	v22 =	vadd.s32 $0x1980, v62;
	[tilespmem:$0x1FF80] =	vst v26  }
0x14: {  	v23 =	vadd.s32 $0x1103, v62;
	[tilespmem:$0x1FF90] =	vst v22  }
0x15: {  	v25 =	vadd.s32 $0x1102, v62;
	[tilespmem:$0x1FFA0] =	vst v23  }
0x16: {  	v63 =	vadd.s32 $0x886, v62;
	[tilespmem:$0x1FFB0] =	vst v25  }
0x17: {  	s6 =	srdreg.scid;
	s0 =	stileid.u32;
	s10 =	simm.s32 $0x80;
	v6 =	vadd.s32 $0x1981, v62;
	[tilespmem:$0x1FFC0] =	vst v63  }
0x18: {  	s11 =	simm.s32 $0x800;
	s12 =	simm.s32 $0x1;
	s13 =	simm.s32 $0x2800;
	v9 =	vadd.s32 $0x1982, v62;
	[tilespmem:$0x1FFD0] =	vst v6  }
0x19: {  	s14 =	simm.s32 $0x4800;
	s15 =	simm.s32 $0x6A00;
	s16 =	simm.s32 $0x2;
	v31 =	vadd.s32 $0x1105, v62;
	[tilespmem:$0x1FFE0] =	vst v9  }
.Ltmp0:
0x1a: {  	s6 =	sand.u32 $0x1, s6;
	s7 =	sshll.u32 s0, $0x1;
	v0 =	vor.u32 $0x4, v62;
	[tilespmem:$0x1FFF0] =	vst v31;
	(pc) =	sbr.rel .LBB2_1-.Ltmp0, $4  }
0x1b: {  	s17 =	simm.s32 $0x3;
	s8 =	ssub.s32 $0x2, s6;
	s6 =	sor.u32 s6, s7;
	v1 =	vadd.s32 $0x1107, v62;
	[tilespmem:$0x1FE80] =	vst v0  }
0x1c: {  	s18 =	simm.s32 $0x0;
	s31 =	sshrl.u32 s8, $0x1;
	s9 =	smul.u32 $0x3200, s6;
	v0 =	vadd.s32 $0x885, v62;
	[tilespmem:$0x1FF40] =	vst v1  }
0x1d: {  	s5 =	sadd.s32 $0x400, s5;
	v17 =	vor.u32 $0x3, v62;
	v5 =	vadd.s32 $0x882, v62;
	s6 =	smul.u32 $0x64, s6;
	s8 =	ssub.s32 s8, s31;
	[tilespmem:$0x1FE90] =	vst v0;
	v0 =	vadd.s32 $0x1985, v62  }
0x1e: {  	v27 =	vor.u32 $0x5, v62;
	v24 =	vadd.s32 $0x884, v62;
	v30 =	vadd.s32 $0x1104, v62;
	s7 =	sadd.s32 s1, s9;
	s8 =	smax.u32 s8, $0x1;
	s9 =	simm.s32 $0x4;
	[tilespmem:$0x1FF30] =	vst v0  }
.LBB2_15:
0x1f: {  	s18 =	sadd.s32 $0x1, s18  }
0x20: {  	_ =	swait.ge [sflag:s16], $0x2000;
	p0 =	sne.s32 s18, s8  }
.Ltmp1:
0x21: {  	[sflag:s16] =	ssyncset.done $0x0;
	(pc) =	sbr.rel @!p0 .LBB2_16-.Ltmp1, $4  }
0x22: {  	[sflag:s16] =	ssyncadd.s32 $0xFFFFE000  }
0x23: {  	_ =	swait.ge [sflag:s17], $0x2000  }
0x24: {  	[sflag:s17] =	ssyncset.done $0x0  }
0x25: {  	[sflag:s17] =	ssyncadd.s32 $0xFFFFE000  }
.LBB2_1:
0x26: {  	[tilespmem:s4], [sflag:$0x4] =	stream.linear.gather [hbm4b:s7+s4], $0x400, $0x38;
	[tilespmem:$0x8C00] =	vst v63  }
0x27: {  	_ =	swait.ge [sflag:s9], $0x400  }
0x28: {  	[sflag:s9] =	ssyncset.done $0x0  }
0x29: {  	s19 =	simm.s32 $0x0;
	[sflag:s9] =	ssyncadd.s32 $0xFFFFFC00  }
0x2a: {  	[tilespmem:s11], [sflag:$0x1] =	stream.indirect.gather [hbm4b:s5+s10], $0x40, s4, s10, $0xb8;
	[tilespmem:$0x8C00] =	vst v63  }
.LBB2_2:
0x2b: {  	s21 =	sshll.u32 s19, $0x1  }
0x2c: {  	p0 =	sgt.u32 s19, $0x18B;
	s22 =	sand.u32 $0x6, s21  }
0x2d: {  	p1 =	sne.s32 @!p0 s22, $0x0  }
0x2e: {  	s23 =	sshrl.u32 s19, $0x2;
	p0 =	por p1, p0  }
0x2f: {  	s20 =	sadd.s32 @!p0 $0x1, s23  }
0x30: {  	s24 =	sadd.s32 @!p0 s6, s20  }
0x31: {  	s24 =	sshll.u32 @!p0 s24, $0x7  }
0x32: {  	s20 =	sshll.u32 @!p0 s20, $0xA;
	s24 =	sand.u32 @!p0 $0xFFFFF80, s24  }
0x33: {  	s25 =	simm.s32 @!p0 $0x0;
	s20 =	sand.u32 @!p0 $0x400, s20;
	s24 =	sadd.s32 @!p0 s1, s24  }
0x34: {  	[tilespmem:s20], [sflag:$0x4] =	stream.linear.gather @!p0 [hbm4b:s24+s25], $0x400, $0x38;
	[tilespmem:$0x8C00] =	vst v63  }
0x35: {  	s20 =	sshll.u32 s19, $0x8;
	_ =	swait.ge [sflag:s12], $0x2000  }
0x36: {  	p0 =	seq.s32 s19, $0x0;
	s31 =	sand.u32 $0x700, s20;
	[sflag:s12] =	ssyncset.done $0x0  }
0x37: {  	s25 =	simm.s32 @!p0 $0x2;
	s24 =	sor.u32 $0x80, s31;
	[sflag:s12] =	ssyncadd.s32 $0xFFFFE000  }
0x38: {  	[tilespmem:s13], [sflag:$0x1] =	stream.indirect.gather [hbm4b:s5+s10], $0x40, s24, s10, $0xb8;
	[tilespmem:$0x8C00] =	vst v63  }
0x39: {  	_ =	swait.ge @!p0 [sflag:s25], $0x2000  }
0x3a: {  	s26 =	simm.s32 $0xC;
	v7 =	vld [tilespmem:$0x1FE80]  }
0x3b: {  	s0 =	simm.s32 $0x4;
	v34 =	vmov s26;
	s31 =	simm.s32 $0x6;
	v11 =	vld [tilespmem:$0x1FEA0]  }
0x3c: {  	s3 =	simm.s32 $0xA;
	v32 =	vmov s0;
	v52 =	vand.u32 $0x78, v34;
	v55 =	vmov s31;
	[sflag:s25] =	ssyncset.done @!p0 $0x0  }
0x3d: {  	s28 =	simm.s32 $0xA00;
	v33 =	vmov s3;
	s3 =	simm.s32 $0x8;
	v43 =	vbroadcast v52, $0x0;
	v34 =	vand.u32 $0x70, v55;
	v3 =	vld [tilespmem:$0x1FE60];
	[sflag:s25] =	ssyncadd.s32 @!p0 $0xFFFFE000  }
0x3e: {  	v32 =	vand.u32 $0x70, v32;
	v4 =	vadd.s32 s3, v62;
	v40 =	vbroadcast v34, $0x0;
	v56 =	vld [tilespmem:s28+$0x0]  }
0x3f: {  	v51 =	vand.u32 $0x78, v33;
	v42 =	vbroadcast v32, $0x0;
	v37 =	vld [tilespmem:s28+$0x100];
	v38 =	vadd.s32 v7, v43  }
0x40: {  	v39 =	vbroadcast v51, $0x0;
	v57 =	vld [tilespmem:s28+$0xFFFFFF80];
	v44 =	vadd.s32 v11, v40  }
0x41: {  	v53 =	vld [tilespmem:s28+$0xFFFFFF00];
	v54 =	vadd.s32 v7, v42  }
0x42: {  	v36 =	vld [tilespmem:s28+$0x80];
	v35 =	vadd.s32 v3, v39  }
0x43: {  	[tilespmem:v4+s14+$0x0] =	vst.idx.msk $0xffff, v56  }
0x44: {  	s0 =	simm.s32 $0x2;
	[tilespmem:v38+s14+$0x0] =	vst.idx.msk $0xffff, v37  }
0x45: {  	v2 =	vmov s0;
	v56 =	vadd.s32 s3, v58;
	[tilespmem:v44+s14+$0x0] =	vst.idx.msk $0xffff, v57;
	v57 =	vld [tilespmem:s28+$0x40]  }
0x46: {  	v33 =	vand.u32 $0x70, v2;
	v52 =	vadd.s32 v27, v43;
	s25 =	simm.s32 $0xE;
	[tilespmem:v54+s14+$0x0] =	vst.idx.msk $0xffff, v53;
	v47 =	vld [tilespmem:s28+$0x140]  }
0x47: {  	v45 =	vadd.s32 v27, v42;
	v51 =	vmov s25;
	[tilespmem:v35+s14+$0x0] =	vst.idx.msk $0xffff, v36;
	v38 =	vbroadcast v33, $0x0;
	v46 =	vld [tilespmem:s28+$0xFFFFFF40]  }
0x48: {  	v55 =	vadd.s32 v17, v39;
	v36 =	vand.u32 $0x78, v51;
	v37 =	vld [tilespmem:s28+$0xC0]  }
0x49: {  	v53 =	vld [tilespmem:s28+$0xFFFFFE80];
	v41 =	vbroadcast v36, $0x0;
	v48 =	vadd.s32 v3, v38  }
0x4a: {  	v50 =	vadd.s32 v59, v40;
	v44 =	vld [tilespmem:s28+$0xFFFFFFC0];
	[tilespmem:v56+s14+$0x0] =	vst.idx.msk $0xffff, v57  }
0x4b: {  	v49 =	vld [tilespmem:s28+$0x180];
	v54 =	vadd.s32 v11, v41;
	[tilespmem:v52+s14+$0x0] =	vst.idx.msk $0xffff, v47  }
0x4c: {  	v2 =	vadd.s32 v24, v43;
	[tilespmem:v45+s14+$0x0] =	vst.idx.msk $0xffff, v46;
	v33 =	vld [tilespmem:s28+$0x110]  }
0x4d: {  	[tilespmem:v55+s14+$0x0] =	vst.idx.msk $0xffff, v37  }
0x4e: {  	s29 =	simm.s32 $0x0;
	v35 =	vld [tilespmem:s28+$0xFFFFFF10];
	[tilespmem:v48+s14+$0x0] =	vst.idx.msk $0xffff, v53;
	v48 =	vadd.s32 v24, v42  }
0x4f: {  	v4 =	vadd.s32 s29, v62;
	v36 =	vld [tilespmem:s28+$0xFFFFFE00];
	[tilespmem:v50+s14+$0x0] =	vst.idx.msk $0xffff, v44  }
0x50: {  	[tilespmem:v54+s14+$0x0] =	vst.idx.msk $0xffff, v49  }
0x51: {  	[tilespmem:v2+s14+$0x0] =	vst.idx.msk $0xffff, v33  }
0x52: {  	v12 =	vld [tilespmem:$0x1FE50]  }
0x53: {  	[tilespmem:v48+s14+$0x0] =	vst.idx.msk $0xffff, v35  }
0x54: {  	v32 =	vld [tilespmem:s28+$0xFFFFFEC0];
	[tilespmem:v4+s14+$0x0] =	vst.idx.msk $0xffff, v36  }
0x55: {  	v54 =	vadd.s32 v17, v38;
	v29 =	vld [tilespmem:$0x1FE90]  }
0x56: {  	v56 =	vadd.s32 v59, v41;
	v34 =	vld [tilespmem:s28+$0x1C0]  }
0x57: {  	v51 =	vld [tilespmem:s28+$0x10];
	v57 =	vadd.s32 s3, v12  }
0x58: {  	v55 =	vld [tilespmem:s28+$0x90];
	v2 =	vadd.s32 v5, v39;
	_ =	sdelay $0x1  }
0x59: {  	v33 =	vld [tilespmem:s28+$0x150];
	[tilespmem:v54+s14+$0x0] =	vst.idx.msk $0xffff, v32;
	v4 =	vadd.s32 v29, v43  }
0x5a: {  	[tilespmem:v56+s14+$0x0] =	vst.idx.msk $0xffff, v34  }
0x5b: {  	v52 =	vld [tilespmem:s28+$0xFFFFFE40];
	v54 =	vadd.s32 s29, v58;
	[tilespmem:v57+s14+$0x0] =	vst.idx.msk $0xffff, v51  }
0x5c: {  	v56 =	vadd.s32 s3, v20;
	[tilespmem:v2+s14+$0x0] =	vst.idx.msk $0xffff, v55;
	v55 =	vld [tilespmem:s28+$0x50]  }
0x5d: {  	v48 =	vld [tilespmem:s28+$0xFFFFFF50];
	v53 =	vadd.s32 v29, v42  }
0x5e: {  	v34 =	vld [tilespmem:s28+$0xFFFFFE90];
	[tilespmem:v4+s14+$0x0] =	vst.idx.msk $0xffff, v33;
	v33 =	vadd.s32 v5, v38  }
0x5f: {  	v4 =	vadd.s32 v30, v43;
	v57 =	vld [tilespmem:s28+$0x120]  }
0x60: {  	v49 =	vadd.s32 v63, v40;
	v35 =	vld [tilespmem:s28+$0xFFFFFF90];
	[tilespmem:v54+s14+$0x0] =	vst.idx.msk $0xffff, v52  }
0x61: {  	v50 =	vld [tilespmem:s28+$0xFFFFFE10];
	v51 =	vadd.s32 s29, v12;
	[tilespmem:v56+s14+$0x0] =	vst.idx.msk $0xffff, v55  }
0x62: {  	s31 =	simm.s32 $0x14;
	v46 =	vadd.s32 s3, v61;
	[tilespmem:v53+s14+$0x0] =	vst.idx.msk $0xffff, v48;
	v52 =	vld [tilespmem:s28+$0x20]  }
0x63: {  	v53 =	vadd.s32 v30, v42;
	v47 =	vld [tilespmem:s28+$0xFFFFFF20];
	v56 =	vmov s31;
	[tilespmem:v33+s14+$0x0] =	vst.idx.msk $0xffff, v34  }
0x64: {  	v54 =	vadd.s32 v21, v38;
	v32 =	vand.u32 $0x70, v56;
	[tilespmem:v4+s14+$0x0] =	vst.idx.msk $0xffff, v57;
	v57 =	vld [tilespmem:s28+$0xFFFFFED0]  }
0x65: {  	s24 =	simm.s32 $0xE00;
	s25 =	simm.s32 $0x18;
	v36 =	vld [tilespmem:s28+$0xD0];
	[tilespmem:v49+s14+$0x0] =	vst.idx.msk $0xffff, v35;
	v4 =	vadd.s32 v21, v39;
	v32 =	vbroadcast v32, $0x0  }
0x66: {  	s30 =	simm.s32 $0x1A;
	[tilespmem:v51+s14+$0x0] =	vst.idx.msk $0xffff, v50;
	v50 =	vadd.s32 s25, v62;
	v55 =	vld [tilespmem:s24+$0x0]  }
0x67: {  	v34 =	vld [tilespmem:s24+$0xFFFFFF00];
	v56 =	vmov s30;
	v35 =	vadd.s32 v7, v32;
	[tilespmem:v46+s14+$0x0] =	vst.idx.msk $0xffff, v52  }
0x68: {  	[tilespmem:v53+s14+$0x0] =	vst.idx.msk $0xffff, v47;
	v47 =	vadd.s32 s3, v26;
	v33 =	vand.u32 $0x78, v56;
	v46 =	vld [tilespmem:s28+$0x60]  }
0x69: {  	v49 =	vld [tilespmem:s28+$0xFFFFFFD0];
	s30 =	simm.s32 $0x1C;
	v33 =	vbroadcast v33, $0x0;
	v52 =	vadd.s32 v60, v40;
	[tilespmem:v54+s14+$0x0] =	vst.idx.msk $0xffff, v57  }
0x6a: {  	v57 =	vmov s30;
	[tilespmem:v4+s14+$0x0] =	vst.idx.msk $0xffff, v36;
	v4 =	vadd.s32 v25, v38;
	v36 =	vld [tilespmem:s28+$0xFFFFFEA0]  }
0x6b: {  	v53 =	vld [tilespmem:s24+$0x80];
	[tilespmem:v50+s14+$0x0] =	vst.idx.msk $0xffff, v55;
	v37 =	vand.u32 $0x78, v57;
	v57 =	vadd.s32 v3, v33  }
0x6c: {  	v51 =	vld [tilespmem:s28+$0xFFFFFE50];
	[tilespmem:v35+s14+$0x0] =	vst.idx.msk $0xffff, v34;
	v35 =	vbroadcast v37, $0x0;
	v37 =	vadd.s32 s29, v20  }
0x6d: {  	v34 =	vld [tilespmem:s28+$0x160];
	[tilespmem:v47+s14+$0x0] =	vst.idx.msk $0xffff, v46;
	v46 =	vadd.s32 v31, v43  }
0x6e: {  	v45 =	vld [tilespmem:s24+$0x100];
	[tilespmem:v52+s14+$0x0] =	vst.idx.msk $0xffff, v49;
	v47 =	vadd.s32 v7, v35  }
0x6f: {  	v52 =	vadd.s32 s3, v22;
	[tilespmem:v4+s14+$0x0] =	vst.idx.msk $0xffff, v36;
	v49 =	vld [tilespmem:s28+$0x30]  }
0x70: {  	v36 =	vld [tilespmem:s28+$0xFFFFFFA0];
	v4 =	vadd.s32 v18, v40;
	[tilespmem:v57+s14+$0x0] =	vst.idx.msk $0xffff, v53  }
0x71: {  	v54 =	vadd.s32 v23, v38;
	v53 =	vld [tilespmem:s28+$0xFFFFFEE0];
	[tilespmem:v37+s14+$0x0] =	vst.idx.msk $0xffff, v51  }
0x72: {  	v51 =	vadd.s32 s29, v61;
	v37 =	vld [tilespmem:s28+$0xFFFFFE20];
	[tilespmem:v46+s14+$0x0] =	vst.idx.msk $0xffff, v34  }
0x73: {  	s30 =	simm.s32 $0x12;
	[tilespmem:v47+s14+$0x0] =	vst.idx.msk $0xffff, v45;
	v46 =	vadd.s32 v13, v43;
	v45 =	vld [tilespmem:s28+$0x130]  }
0x74: {  	v57 =	vmov s30;
	v47 =	vld [tilespmem:s28+$0xA0];
	[tilespmem:v52+s14+$0x0] =	vst.idx.msk $0xffff, v49;
	v49 =	vadd.s32 v25, v39  }
0x75: {  	v55 =	vld [tilespmem:s28+$0xFFFFFF60];
	s30 =	simm.s32 $0x16;
	v34 =	vand.u32 $0x70, v57;
	[tilespmem:v4+s14+$0x0] =	vst.idx.msk $0xffff, v36;
	v52 =	vadd.s32 v31, v42  }
0x76: {  	v44 =	vld [tilespmem:s28+$0x190];
	v4 =	vmov s30;
	s30 =	simm.s32 $0x1E;
	v34 =	vbroadcast v34, $0x0;
	[tilespmem:v54+s14+$0x0] =	vst.idx.msk $0xffff, v53;
	v54 =	vadd.s32 v63, v41  }
0x77: {  	v50 =	vld [tilespmem:s24+$0xFFFFFF40];
	v57 =	vadd.s32 v27, v32;
	v36 =	vand.u32 $0x70, v4;
	v4 =	vmov s30;
	[tilespmem:v51+s14+$0x0] =	vst.idx.msk $0xffff, v37  }
0x78: {  	v48 =	vld [tilespmem:s24+$0xFFFFFE80];
	v36 =	vbroadcast v36, $0x0;
	v37 =	vand.u32 $0x78, v4;
	[tilespmem:v46+s14+$0x0] =	vst.idx.msk $0xffff, v45;
	v45 =	vadd.s32 v3, v34  }
0x79: {  	v56 =	vld [tilespmem:s24+$0xC0];
	v37 =	vbroadcast v37, $0x0;
	[tilespmem:v49+s14+$0x0] =	vst.idx.msk $0xffff, v47;
	v47 =	vadd.s32 v17, v33  }
0x7a: {  	v53 =	vld [tilespmem:s24+$0xFFFFFF80];
	[tilespmem:v52+s14+$0x0] =	vst.idx.msk $0xffff, v55;
	v52 =	vadd.s32 v11, v36  }
0x7b: {  	v49 =	vld [tilespmem:s24+$0x180];
	[tilespmem:v54+s14+$0x0] =	vst.idx.msk $0xffff, v44;
	v44 =	vadd.s32 v11, v37  }
0x7c: {  	[tilespmem:v57+s14+$0x0] =	vst.idx.msk $0xffff, v50;
	v57 =	vadd.s32 v27, v35;
	v46 =	vld [tilespmem:s24+$0x140]  }
0x7d: {  	v43 =	vadd.s32 v0, v43;
	v4 =	vld [tilespmem:s28+$0x170];
	[tilespmem:v45+s14+$0x0] =	vst.idx.msk $0xffff, v48  }
0x7e: {  	v60 =	vadd.s32 v60, v41;
	v45 =	vld [tilespmem:s28+$0x1D0];
	[tilespmem:v47+s14+$0x0] =	vst.idx.msk $0xffff, v56  }
0x7f: {  	[tilespmem:v52+s14+$0x0] =	vst.idx.msk $0xffff, v53;
	v52 =	vld [tilespmem:s28+$0xFFFFFE60];
	v53 =	vadd.s32 s29, v26  }
0x80: {  	v51 =	vld [tilespmem:s28+$0x70];
	v47 =	vadd.s32 s3, v6;
	[tilespmem:v44+s14+$0x0] =	vst.idx.msk $0xffff, v49  }
0x81: {  	v49 =	vld [tilespmem:s24+$0xFFFFFF10];
	[tilespmem:v57+s14+$0x0] =	vst.idx.msk $0xffff, v46;
	v57 =	vadd.s32 v24, v32  }
0x82: {  	[tilespmem:v43+s14+$0x0] =	vst.idx.msk $0xffff, v4;
	v43 =	vadd.s32 v59, v36;
	v4 =	vld [tilespmem:s24+$0xFFFFFFC0]  }
0x83: {  	v54 =	vld [tilespmem:s28+$0xFFFFFFE0];
	[tilespmem:v60+s14+$0x0] =	vst.idx.msk $0xffff, v45;
	v60 =	vadd.s32 v1, v40  }
0x84: {  	v50 =	vld [tilespmem:s28+$0xFFFFFF30];
	[tilespmem:v53+s14+$0x0] =	vst.idx.msk $0xffff, v52;
	v53 =	vadd.s32 v13, v42  }
0x85: {  	[tilespmem:v47+s14+$0x0] =	vst.idx.msk $0xffff, v51  }
0x86: {  	v51 =	vadd.s32 v18, v41;
	[tilespmem:v57+s14+$0x0] =	vst.idx.msk $0xffff, v49;
	v47 =	vld [tilespmem:s28+$0x1A0]  }
0x87: {  	[tilespmem:v43+s14+$0x0] =	vst.idx.msk $0xffff, v4;
	v43 =	vld [tilespmem:s28+$0xFFFFFE30];
	v4 =	vadd.s32 s29, v22  }
0x88: {  	v56 =	vld [tilespmem:s28+$0xE0];
	[tilespmem:v60+s14+$0x0] =	vst.idx.msk $0xffff, v54;
	v60 =	vadd.s32 v23, v39  }
0x89: {  	v49 =	vld [tilespmem:s24+$0x110];
	[tilespmem:v53+s14+$0x0] =	vst.idx.msk $0xffff, v50;
	v53 =	vadd.s32 v1, v41;
	v1 =	vadd.s32 v24, v35  }
0x8a: {  	v42 =	vadd.s32 v0, v42;
	v0 =	vadd.s32 v9, v38;
	v54 =	vld [tilespmem:s28+$0xFFFFFEB0]  }
0x8b: {  	v45 =	vld [tilespmem:s24+$0x40];
	[tilespmem:v51+s14+$0x0] =	vst.idx.msk $0xffff, v47;
	v47 =	vadd.s32 s25, v58  }
0x8c: {  	s26 =	simm.s32 $0x10;
	v46 =	vld [tilespmem:s24+$0xFFFFFEC0];
	[tilespmem:v4+s14+$0x0] =	vst.idx.msk $0xffff, v43;
	v43 =	vadd.s32 v17, v34  }
0x8d: {  	v52 =	vld [tilespmem:s24+$0xFFFFFE00];
	v4 =	vadd.s32 s26, v62;
	[tilespmem:v60+s14+$0x0] =	vst.idx.msk $0xffff, v56  }
0x8e: {  	v55 =	vld [tilespmem:s28+$0xFFFFFF70];
	[tilespmem:v1+s14+$0x0] =	vst.idx.msk $0xffff, v49  }
0x8f: {  	v50 =	vld [tilespmem:s28+$0x1E0];
	[tilespmem:v0+s14+$0x0] =	vst.idx.msk $0xffff, v54  }
0x90: {  	v51 =	vld [tilespmem:s28+$0xFFFFFFB0];
	v60 =	vadd.s32 v10, v40;
	[tilespmem:v47+s14+$0x0] =	vst.idx.msk $0xffff, v45  }
0x91: {  	v6 =	vadd.s32 s29, v6;
	v56 =	vld [tilespmem:s28+$0xFFFFFE70];
	[tilespmem:v43+s14+$0x0] =	vst.idx.msk $0xffff, v46  }
0x92: {  	v57 =	vld [tilespmem:s24+$0x1C0];
	v1 =	vadd.s32 v59, v37;
	[tilespmem:v4+s14+$0x0] =	vst.idx.msk $0xffff, v52  }
0x93: {  	v47 =	vld [tilespmem:s28+$0xB0];
	v43 =	vadd.s32 v9, v39;
	[tilespmem:v42+s14+$0x0] =	vst.idx.msk $0xffff, v55  }
0x94: {  	v4 =	vld [tilespmem:s24+$0x90];
	[tilespmem:v53+s14+$0x0] =	vst.idx.msk $0xffff, v50;
	v50 =	vadd.s32 v5, v33  }
0x95: {  	v46 =	vld [tilespmem:s28+$0x1B0];
	[tilespmem:v60+s14+$0x0] =	vst.idx.msk $0xffff, v51;
	v60 =	vadd.s32 v10, v41  }
0x96: {  	[tilespmem:v6+s14+$0x0] =	vst.idx.msk $0xffff, v56  }
0x97: {  	[tilespmem:v1+s14+$0x0] =	vst.idx.msk $0xffff, v57  }
0x98: {  	[tilespmem:v43+s14+$0x0] =	vst.idx.msk $0xffff, v47  }
0x99: {  	[tilespmem:v50+s14+$0x0] =	vst.idx.msk $0xffff, v4  }
0x9a: {  	v49 =	vld [tilespmem:s24+$0x150];
	[tilespmem:v60+s14+$0x0] =	vst.idx.msk $0xffff, v46  }
0x9b: {  	v18 =	vmov v3;
	v43 =	vadd.s32 v29, v35;
	v3 =	vld [tilespmem:$0x1FE70]  }
0x9c: {  	v45 =	vld [tilespmem:s24+$0xFFFFFE40];
	v56 =	vadd.s32 s26, v58  }
0x9d: {  	v53 =	vld [tilespmem:s24+$0x10];
	v50 =	vadd.s32 s25, v12  }
0x9e: {  	v26 =	vmov v7;
	v7 =	vld [tilespmem:s24+$0xFFFFFE90];
	v6 =	vadd.s32 v5, v34  }
0x9f: {  	v44 =	vld [tilespmem:s24+$0xFFFFFF50];
	v46 =	vadd.s32 v29, v32  }
0xa0: {  	v13 =	vmov v58;
	v58 =	vld [tilespmem:s28+$0xFFFFFEF0];
	[tilespmem:v43+s14+$0x0] =	vst.idx.msk $0xffff, v49;
	v4 =	vadd.s32 v3, v38  }
0xa1: {  	v48 =	vld [tilespmem:s24+$0xFFFFFF90];
	[tilespmem:v56+s14+$0x0] =	vst.idx.msk $0xffff, v45  }
0xa2: {  	v51 =	vld [tilespmem:s28+$0xFFFFFFF0];
	[tilespmem:v50+s14+$0x0] =	vst.idx.msk $0xffff, v53  }
0xa3: {  	v53 =	vld [tilespmem:$0x1FEB0];
	[tilespmem:v6+s14+$0x0] =	vst.idx.msk $0xffff, v7  }
0xa4: {  	v47 =	vld [tilespmem:s28+$0xF0];
	[tilespmem:v46+s14+$0x0] =	vst.idx.msk $0xffff, v44  }
0xa5: {  	v52 =	vld [tilespmem:s28+$0x1F0];
	[tilespmem:v4+s14+$0x0] =	vst.idx.msk $0xffff, v58  }
0xa6: {  	v42 =	vadd.s32 v63, v36;
	v63 =	vld [tilespmem:$0x1FEF0]  }
0xa7: {  	v43 =	vld [tilespmem:s24+$0x190]  }
0xa8: {  	v14 =	vmov v61;
	v2 =	vmov v20;
	v54 =	vld [tilespmem:s24+$0x50]  }
0xa9: {  	v19 =	vmovc v17;
	v57 =	vadd.s32 s25, v2;
	v50 =	vadd.s32 s25, v14;
	v46 =	vld [tilespmem:s24+$0xD0];
	v38 =	vadd.s32 v30, v32  }
0xaa: {  	v28 =	vmovc v24;
	v45 =	vadd.s32 v3, v39;
	v39 =	vld [tilespmem:s24+$0xFFFFFF20];
	v56 =	vadd.s32 v53, v40;
	v55 =	vadd.s32 v53, v41  }
0xab: {  	v20 =	vmovc v5;
	s30 =	simm.s32 $0x1200;
	s29 =	simm.s32 $0x20;
	v17 =	vmovc v59;
	s28 =	simm.s32 $0x8;
	v53 =	vadd.s32 s26, v12;
	v41 =	vld [tilespmem:s24+$0x120];
	v40 =	vadd.s32 v30, v35;
	v49 =	vadd.s32 v63, v36  }
.LBB2_3:
0xac: {  	v58 =	vld [tilespmem:s24+$0xFFFFFE10]  }
0xad: {  	v31 =	vld [tilespmem:$0x1FF80]  }
0xae: {  	v25 =	vld [tilespmem:$0x1FF60]  }
0xaf: {  	v22 =	vld [tilespmem:$0x1FFF0]  }
0xb0: {  	v16 =	vld [tilespmem:$0x1FF10]  }
0xb1: {  	v24 =	vld [tilespmem:$0x1FF90]  }
0xb2: {  	v15 =	vld [tilespmem:$0x1FFA0]  }
0xb3: {  	s0 =	sadd.s32 $0x4, s29;
	s3 =	sadd.s32 $0xC, s29;
	[tilespmem:v55+s14+$0x0] =	vst.idx.msk $0xffff, v52;
	v23 =	vld [tilespmem:$0x1FF20]  }
0xb4: {  	v10 =	vld [tilespmem:$0x1FFC0];
	v7 =	vmov s0;
	v61 =	vmov s3;
	[tilespmem:v56+s14+$0x0] =	vst.idx.msk $0xffff, v51  }
0xb5: {  	s31 =	sadd.s32 $0x2, s29;
	v59 =	vadd.s32 v21, v34;
	v61 =	vand.u32 $0x78, v61;
	v1 =	vand.u32 $0x70, v7;
	v7 =	vld [tilespmem:s24+$0xFFFFFED0];
	[tilespmem:v45+s14+$0x0] =	vst.idx.msk $0xffff, v47  }
0xb6: {  	v60 =	vadd.s32 v21, v33;
	v6 =	vmov s31;
	s31 =	sadd.s32 $0x8, s29;
	v55 =	vbroadcast v61, $0x0;
	v61 =	vld [tilespmem:s30+$0xFFFFFF00];
	[tilespmem:v57+s14+$0x0] =	vst.idx.msk $0xffff, v54  }
0xb7: {  	s0 =	sadd.s32 $0x6, s29;
	v47 =	vbroadcast v1, $0x0;
	v44 =	vadd.s32 s29, v62;
	v57 =	vadd.s32 s31, v62;
	v62 =	vld [tilespmem:s30+$0x100];
	[tilespmem:v40+s14+$0x0] =	vst.idx.msk $0xffff, v41  }
0xb8: {  	v0 =	vmov s0;
	s0 =	sadd.s32 $0xA, s29;
	[tilespmem:v38+s14+$0x0] =	vst.idx.msk $0xffff, v39;
	v2 =	vld [tilespmem:s24+$0x20]  }
0xb9: {  	v4 =	vmov s0;
	[tilespmem:v42+s14+$0x0] =	vst.idx.msk $0xffff, v48;
	v54 =	vadd.s32 v26, v47;
	v63 =	vld [tilespmem:s30+$0x0]  }
0xba: {  	v5 =	vand.u32 $0x78, v4;
	[tilespmem:v53+s14+$0x0] =	vst.idx.msk $0xffff, v58;
	v42 =	vld [tilespmem:s24+$0xFFFFFFD0]  }
0xbb: {  	v3 =	vand.u32 $0x70, v0;
	v39 =	vbroadcast v5, $0x0;
	[tilespmem:v59+s14+$0x0] =	vst.idx.msk $0xffff, v7;
	v7 =	vld [tilespmem:$0x1FFB0]  }
0xbc: {  	v41 =	vbroadcast v3, $0x0;
	[tilespmem:v60+s14+$0x0] =	vst.idx.msk $0xffff, v46;
	v3 =	vadd.s32 s26, v25;
	v58 =	vld [tilespmem:s24+$0xFFFFFE50]  }
0xbd: {  	v60 =	vld [tilespmem:s30+$0x80];
	v53 =	vadd.s32 v18, v39;
	[tilespmem:v50+s14+$0x0] =	vst.idx.msk $0xffff, v2  }
0xbe: {  	v0 =	vadd.s32 s25, v31;
	[tilespmem:v54+s14+$0x0] =	vst.idx.msk $0xffff, v61;
	v56 =	vld [tilespmem:s24+$0x60]  }
0xbf: {  	v50 =	vadd.s32 v26, v55;
	v61 =	vld [tilespmem:s24+$0x160];
	[tilespmem:v49+s14+$0x0] =	vst.idx.msk $0xffff, v42  }
0xc0: {  	[tilespmem:v57+s14+$0x0] =	vst.idx.msk $0xffff, v63;
	v57 =	vld [tilespmem:s24+$0xFFFFFEA0];
	v59 =	vadd.s32 v7, v34  }
0xc1: {  	v63 =	vld [tilespmem:s30+$0xFFFFFF40];
	[tilespmem:v3+s14+$0x0] =	vst.idx.msk $0xffff, v58  }
0xc2: {  	v5 =	vld [tilespmem:s24+$0xFFFFFF60];
	[tilespmem:v53+s14+$0x0] =	vst.idx.msk $0xffff, v60  }
0xc3: {  	v3 =	vld [tilespmem:s24+$0xFFFFFE20];
	[tilespmem:v0+s14+$0x0] =	vst.idx.msk $0xffff, v56;
	v0 =	vadd.s32 v22, v35  }
0xc4: {  	s3 =	sadd.s32 $0xE, s29;
	[tilespmem:v50+s14+$0x0] =	vst.idx.msk $0xffff, v62;
	v56 =	vadd.s32 s25, v24;
	v42 =	vld [tilespmem:s24+$0x30]  }
0xc5: {  	v51 =	vand.u32 $0x70, v6;
	v6 =	vmov s3;
	v50 =	vadd.s32 v16, v36;
	[tilespmem:v59+s14+$0x0] =	vst.idx.msk $0xffff, v57;
	v57 =	vld [tilespmem:s24+$0xFFFFFFA0]  }
0xc6: {  	v40 =	vand.u32 $0x78, v6;
	v58 =	vadd.s32 s26, v14;
	v6 =	vld [tilespmem:s30+$0xC0]  }
0xc7: {  	v60 =	vadd.s32 v15, v34;
	v53 =	vld [tilespmem:s24+$0xFFFFFEE0]  }
0xc8: {  	v8 =	vld [tilespmem:s30+$0xFFFFFE80];
	[tilespmem:v0+s14+$0x0] =	vst.idx.msk $0xffff, v61  }
0xc9: {  	v61 =	vadd.s32 v23, v35;
	[tilespmem:v56+s14+$0x0] =	vst.idx.msk $0xffff, v42;
	v56 =	vld [tilespmem:s24+$0x130]  }
0xca: {  	v7 =	vadd.s32 v7, v33;
	[tilespmem:v50+s14+$0x0] =	vst.idx.msk $0xffff, v57;
	v57 =	vld [tilespmem:s24+$0xA0]  }
0xcb: {  	[tilespmem:v58+s14+$0x0] =	vst.idx.msk $0xffff, v3;
	v58 =	vadd.s32 v10, v37;
	v42 =	vadd.s32 v10, v41;
	v10 =	vld [tilespmem:s30+$0x140]  }
0xcc: {  	v45 =	vbroadcast v51, $0x0;
	[tilespmem:v60+s14+$0x0] =	vst.idx.msk $0xffff, v53;
	v60 =	vld [tilespmem:s30+$0xFFFFFF80]  }
0xcd: {  	v53 =	vadd.s32 v22, v32;
	v3 =	vld [tilespmem:s24+$0x70]  }
0xce: {  	v52 =	vadd.s32 v18, v45;
	[tilespmem:v61+s14+$0x0] =	vst.idx.msk $0xffff, v56;
	v61 =	vld [tilespmem:$0x1FEF0]  }
0xcf: {  	v54 =	vadd.s32 v27, v47;
	v56 =	vld [tilespmem:s30+$0x180]  }
0xd0: {  	v4 =	vadd.s32 v19, v39;
	[tilespmem:v7+s14+$0x0] =	vst.idx.msk $0xffff, v57;
	v57 =	vld [tilespmem:$0x1FFD0]  }
0xd1: {  	[tilespmem:v58+s14+$0x0] =	vst.idx.msk $0xffff, v43;
	v58 =	vadd.s32 v23, v32;
	v23 =	vld [tilespmem:$0x1FFE0]  }
0xd2: {  	v51 =	vadd.s32 v11, v41;
	[tilespmem:v53+s14+$0x0] =	vst.idx.msk $0xffff, v5;
	v5 =	vld [tilespmem:s24+$0x170]  }
0xd3: {  	v40 =	vbroadcast v40, $0x0;
	[tilespmem:v52+s14+$0x0] =	vst.idx.msk $0xffff, v8;
	v8 =	vld [tilespmem:s24+$0x1D0]  }
0xd4: {  	[tilespmem:v54+s14+$0x0] =	vst.idx.msk $0xffff, v63;
	v63 =	vld [tilespmem:$0x1FF30]  }
0xd5: {  	v1 =	vadd.s32 v11, v40;
	[tilespmem:v4+s14+$0x0] =	vst.idx.msk $0xffff, v6;
	v54 =	vld [tilespmem:s24+$0xFFFFFFE0]  }
0xd6: {  	v6 =	vld [tilespmem:s24+$0xE0]  }
0xd7: {  	[tilespmem:v51+s14+$0x0] =	vst.idx.msk $0xffff, v60;
	v51 =	vld [tilespmem:s24+$0xFFFFFE60];
	v43 =	vadd.s32 v61, v37  }
0xd8: {  	v52 =	vadd.s32 s26, v31;
	v7 =	vld [tilespmem:s24+$0xFFFFFF30]  }
0xd9: {  	v60 =	vld [tilespmem:s30+$0xFFFFFFC0];
	v4 =	vadd.s32 s25, v57  }
0xda: {  	v2 =	vadd.s32 v17, v41;
	[tilespmem:v1+s14+$0x0] =	vst.idx.msk $0xffff, v56;
	v1 =	vld [tilespmem:s30+$0x40]  }
0xdb: {  	v56 =	vld [tilespmem:$0x1FF40];
	v53 =	vadd.s32 v63, v35  }
0xdc: {  	[tilespmem:v43+s14+$0x0] =	vst.idx.msk $0xffff, v8;
	v8 =	vld [tilespmem:s30+$0xFFFFFE00]  }
0xdd: {  	v62 =	vadd.s32 v27, v55;
	[tilespmem:v52+s14+$0x0] =	vst.idx.msk $0xffff, v51;
	v52 =	vld [tilespmem:s30+$0xFFFFFEC0]  }
0xde: {  	[tilespmem:v4+s14+$0x0] =	vst.idx.msk $0xffff, v3;
	v4 =	vadd.s32 v16, v37;
	v3 =	vld [tilespmem:s24+$0x1A0]  }
0xdf: {  	[tilespmem:v2+s14+$0x0] =	vst.idx.msk $0xffff, v60;
	v51 =	vadd.s32 s26, v24;
	v2 =	vld [tilespmem:s24+$0xFFFFFE30]  }
0xe0: {  	v16 =	vld [tilespmem:$0x1FF50];
	[tilespmem:v53+s14+$0x0] =	vst.idx.msk $0xffff, v5;
	v53 =	vadd.s32 v56, v36  }
0xe1: {  	v0 =	vadd.s32 v28, v47;
	v5 =	vld [tilespmem:s30+$0xFFFFFF10];
	[tilespmem:v58+s14+$0x0] =	vst.idx.msk $0xffff, v7  }
0xe2: {  	v48 =	vadd.s32 s31, v13;
	[tilespmem:v62+s14+$0x0] =	vst.idx.msk $0xffff, v10;
	v62 =	vld [tilespmem:$0x1FED0]  }
0xe3: {  	v59 =	vadd.s32 v19, v45;
	v10 =	vld [tilespmem:s24+$0xFFFFFEB0];
	[tilespmem:v4+s14+$0x0] =	vst.idx.msk $0xffff, v3  }
0xe4: {  	v43 =	vadd.s32 v63, v32;
	v63 =	vadd.s32 v23, v34;
	[tilespmem:v51+s14+$0x0] =	vst.idx.msk $0xffff, v2;
	v2 =	vld [tilespmem:s24+$0xFFFFFF70]  }
0xe5: {  	[tilespmem:v53+s14+$0x0] =	vst.idx.msk $0xffff, v54;
	v3 =	vld [tilespmem:s24+$0x1E0]  }
0xe6: {  	v53 =	vadd.s32 v15, v33;
	[tilespmem:v0+s14+$0x0] =	vst.idx.msk $0xffff, v5;
	v0 =	vld [tilespmem:s30+$0x110]  }
0xe7: {  	[tilespmem:v48+s14+$0x0] =	vst.idx.msk $0xffff, v1;
	v5 =	vld [tilespmem:s24+$0xFFFFFE70]  }
0xe8: {  	v35 =	vmov v55;
	v58 =	vadd.s32 v56, v37;
	[tilespmem:v59+s14+$0x0] =	vst.idx.msk $0xffff, v52;
	v54 =	vld [tilespmem:s24+$0xFFFFFFB0]  }
0xe9: {  	v48 =	vadd.s32 v28, v35;
	[tilespmem:v63+s14+$0x0] =	vst.idx.msk $0xffff, v10;
	v63 =	vld [tilespmem:$0x1FEB0]  }
0xea: {  	v59 =	vadd.s32 s26, v57;
	[tilespmem:v44+s14+$0x0] =	vst.idx.msk $0xffff, v8;
	v7 =	vld [tilespmem:s30+$0xFFFFFE90]  }
0xeb: {  	v60 =	vadd.s32 v16, v36;
	[tilespmem:v53+s14+$0x0] =	vst.idx.msk $0xffff, v6;
	v6 =	vld [tilespmem:s30+$0x1C0]  }
0xec: {  	v56 =	vadd.s32 v23, v33;
	[tilespmem:v43+s14+$0x0] =	vst.idx.msk $0xffff, v2;
	v53 =	vld [tilespmem:s24+$0xB0]  }
0xed: {  	v9 =	vadd.s32 v20, v39;
	[tilespmem:v58+s14+$0x0] =	vst.idx.msk $0xffff, v3;
	v8 =	vld [tilespmem:s30+$0x90]  }
0xee: {  	v58 =	vld [tilespmem:s30+$0x10];
	[tilespmem:v48+s14+$0x0] =	vst.idx.msk $0xffff, v0  }
0xef: {  	v3 =	vld [tilespmem:s30+$0xFFFFFF50];
	[tilespmem:v59+s14+$0x0] =	vst.idx.msk $0xffff, v5  }
0xf0: {  	v4 =	vld [tilespmem:s24+$0x1B0];
	[tilespmem:v60+s14+$0x0] =	vst.idx.msk $0xffff, v54;
	v60 =	vadd.s32 v16, v37  }
0xf1: {  	v43 =	vadd.s32 v29, v35;
	v1 =	vld [tilespmem:s30+$0x150];
	[tilespmem:v56+s14+$0x0] =	vst.idx.msk $0xffff, v53  }
0xf2: {  	v49 =	vadd.s32 v17, v40;
	[tilespmem:v9+s14+$0x0] =	vst.idx.msk $0xffff, v8;
	v9 =	vld [tilespmem:$0x1FE70]  }
0xf3: {  	v32 =	vmov v47;
	v5 =	vld [tilespmem:s30+$0xFFFFFE40]  }
0xf4: {  	v0 =	vadd.s32 v29, v32;
	v51 =	vld [tilespmem:s24+$0xFFFFFFF0]  }
0xf5: {  	v46 =	vadd.s32 s29, v13;
	s25 =	smov.u32 s31;
	v48 =	vld [tilespmem:s30+$0xFFFFFF90];
	[tilespmem:v60+s14+$0x0] =	vst.idx.msk $0xffff, v4  }
0xf6: {  	[tilespmem:v43+s14+$0x0] =	vst.idx.msk $0xffff, v1;
	v8 =	vadd.s32 s25, v12;
	v52 =	vld [tilespmem:s24+$0x1F0]  }
0xf7: {  	s28 =	sadd.s32 $0x8, s28;
	[tilespmem:v49+s14+$0x0] =	vst.idx.msk $0xffff, v6;
	v49 =	vld [tilespmem:s24+$0xFFFFFEF0];
	v60 =	vadd.s32 v9, v34  }
0xf8: {  	p1 =	slt.u32 s28, $0x38;
	v50 =	vadd.s32 v20, v45;
	v56 =	vadd.s32 v63, v36;
	v36 =	vmov v41;
	v41 =	vld [tilespmem:s30+$0x120]  }
.Ltmp2:
0xf9: {  	v38 =	vadd.s32 v30, v47;
	[tilespmem:v0+s14+$0x0] =	vst.idx.msk $0xffff, v3;
	v47 =	vld [tilespmem:s24+$0xF0];
	(pc) =	sbr.rel @p1 .LBB2_3-.Ltmp2, $4  }
0xfa: {  	[tilespmem:v46+s14+$0x0] =	vst.idx.msk $0xffff, v5;
	v43 =	vld [tilespmem:s30+$0x190]  }
0xfb: {  	v55 =	vadd.s32 v63, v37;
	v37 =	vmov v40;
	v40 =	vadd.s32 v30, v35;
	s24 =	smov.u32 s30;
	v46 =	vld [tilespmem:s30+$0xD0];
	[tilespmem:v8+s14+$0x0] =	vst.idx.msk $0xffff, v58  }
0xfc: {  	v57 =	vadd.s32 s25, v25;
	v34 =	vmovc v45;
	v45 =	vadd.s32 v9, v33;
	v33 =	vmov v39;
	v39 =	vld [tilespmem:s24+$0xFFFFFF20];
	[tilespmem:v60+s14+$0x0] =	vst.idx.msk $0xffff, v49  }
0xfd: {  	s26 =	smov.u32 s29;
	v53 =	vadd.s32 s29, v12;
	s29 =	sadd.s32 $0x10, s29;
	v54 =	vld [tilespmem:s30+$0x50];
	s30 =	sadd.s32 $0x400, s30;
	v49 =	vadd.s32 v61, v36;
	[tilespmem:v50+s14+$0x0] =	vst.idx.msk $0xffff, v7;
	v50 =	vadd.s32 s25, v14  }
0xfe: {  	_ =	sdelay $0x3  }
0xff: {  	[tilespmem:v57+s14+$0x0] =	vst.idx.msk $0xffff, v54  }
0x100: {  	[tilespmem:v56+s14+$0x0] =	vst.idx.msk $0xffff, v51;
	v0 =	vld [tilespmem:s24+$0x20]  }
0x101: {  	[tilespmem:v55+s14+$0x0] =	vst.idx.msk $0xffff, v52  }
0x102: {  	v1 =	vld [tilespmem:s24+$0xFFFFFE10];
	[tilespmem:v45+s14+$0x0] =	vst.idx.msk $0xffff, v47  }
0x103: {  	v2 =	vadd.s32 v21, v33;
	[tilespmem:v40+s14+$0x0] =	vst.idx.msk $0xffff, v41  }
0x104: {  	v3 =	vadd.s32 v21, v34;
	v4 =	vld [tilespmem:s24+$0xFFFFFED0];
	[tilespmem:v38+s14+$0x0] =	vst.idx.msk $0xffff, v39  }
0x105: {  	[tilespmem:v50+s14+$0x0] =	vst.idx.msk $0xffff, v0  }
0x106: {  	v15 =	vld [tilespmem:$0x1FF80];
	[tilespmem:v42+s14+$0x0] =	vst.idx.msk $0xffff, v48  }
0x107: {  	v63 =	vld [tilespmem:$0x1FFC0];
	[tilespmem:v53+s14+$0x0] =	vst.idx.msk $0xffff, v1  }
0x108: {  	v0 =	vld [tilespmem:s24+$0x60];
	[tilespmem:v2+s14+$0x0] =	vst.idx.msk $0xffff, v46  }
0x109: {  	v23 =	vld [tilespmem:$0x1FFF0];
	[tilespmem:v3+s14+$0x0] =	vst.idx.msk $0xffff, v4  }
0x10a: {  	v16 =	vld [tilespmem:$0x1FF60]  }
0x10b: {  	v22 =	vld [tilespmem:$0x1FFB0];
	v5 =	vadd.s32 s25, v15  }
0x10c: {  	v6 =	vadd.s32 v63, v37  }
0x10d: {  	v52 =	vld [tilespmem:s24+$0xFFFFFFD0]  }
0x10e: {  	v53 =	vld [tilespmem:s24+$0x160];
	v7 =	vadd.s32 v23, v35  }
0x10f: {  	v8 =	vld [tilespmem:s24+$0xFFFFFE50];
	v54 =	vadd.s32 s26, v16  }
0x110: {  	v4 =	vld [tilespmem:s24+$0xFFFFFEA0];
	v9 =	vadd.s32 v22, v34;
	[tilespmem:v5+s14+$0x0] =	vst.idx.msk $0xffff, v0  }
0x111: {  	v41 =	vmov v21;
	v21 =	vld [tilespmem:$0x1FF90];
	[tilespmem:v6+s14+$0x0] =	vst.idx.msk $0xffff, v43  }
0x112: {  	[tilespmem:v49+s14+$0x0] =	vst.idx.msk $0xffff, v52  }
0x113: {  	v17 =	vld [tilespmem:$0x1FF10];
	[tilespmem:v7+s14+$0x0] =	vst.idx.msk $0xffff, v53  }
0x114: {  	v56 =	vld [tilespmem:s24+$0x1D0];
	[tilespmem:v54+s14+$0x0] =	vst.idx.msk $0xffff, v8  }
0x115: {  	v13 =	vld [tilespmem:$0x1FF20];
	[tilespmem:v9+s14+$0x0] =	vst.idx.msk $0xffff, v4  }
0x116: {  	v45 =	vadd.s32 s26, v14;
	v57 =	vadd.s32 v61, v37;
	v14 =	vld [tilespmem:$0x1FFA0]  }
0x117: {  	v60 =	vld [tilespmem:s24+$0xFFFFFE20]  }
0x118: {  	v0 =	vld [tilespmem:s24+$0x30];
	v55 =	vadd.s32 s25, v21  }
0x119: {  	v58 =	vld [tilespmem:s24+$0xFFFFFFA0];
	v10 =	vadd.s32 v17, v36  }
0x11a: {  	v2 =	vld [tilespmem:s24+$0x130];
	v59 =	vadd.s32 v13, v35  }
0x11b: {  	v8 =	vld [tilespmem:s24+$0xFFFFFEE0];
	[tilespmem:v57+s14+$0x0] =	vst.idx.msk $0xffff, v56;
	v9 =	vadd.s32 v14, v34  }
0x11c: {  	v46 =	vld [tilespmem:s24+$0xA0];
	v47 =	vadd.s32 v22, v33;
	[tilespmem:v45+s14+$0x0] =	vst.idx.msk $0xffff, v60  }
0x11d: {  	[tilespmem:v55+s14+$0x0] =	vst.idx.msk $0xffff, v0  }
0x11e: {  	[tilespmem:v10+s14+$0x0] =	vst.idx.msk $0xffff, v58  }
0x11f: {  	[tilespmem:v59+s14+$0x0] =	vst.idx.msk $0xffff, v2  }
0x120: {  	v42 =	vmov v22;
	v22 =	vld [tilespmem:$0x1FF30];
	[tilespmem:v9+s14+$0x0] =	vst.idx.msk $0xffff, v8  }
0x121: {  	v1 =	vld [tilespmem:s24+$0x1A0];
	[tilespmem:v47+s14+$0x0] =	vst.idx.msk $0xffff, v46  }
0x122: {  	v40 =	vmov v15;
	v51 =	vadd.s32 s26, v15;
	v15 =	vld [tilespmem:$0x1FFD0]  }
0x123: {  	v31 =	vmov v23;
	v49 =	vadd.s32 v23, v32;
	v48 =	vadd.s32 v17, v37;
	v23 =	vld [tilespmem:$0x1FF40]  }
0x124: {  	v4 =	vld [tilespmem:s24+$0xFFFFFE60]  }
0x125: {  	v10 =	vld [tilespmem:s24+$0xFFFFFF60]  }
0x126: {  	v2 =	vld [tilespmem:s24+$0x170];
	v50 =	vadd.s32 v22, v35  }
0x127: {  	v8 =	vld [tilespmem:s24+$0x70];
	v52 =	vadd.s32 s25, v15  }
0x128: {  	v53 =	vld [tilespmem:s24+$0xFFFFFFE0];
	[tilespmem:v48+s14+$0x0] =	vst.idx.msk $0xffff, v1;
	v9 =	vadd.s32 v23, v36  }
0x129: {  	[tilespmem:v51+s14+$0x0] =	vst.idx.msk $0xffff, v4  }
0x12a: {  	[tilespmem:v49+s14+$0x0] =	vst.idx.msk $0xffff, v10  }
0x12b: {  	[tilespmem:v50+s14+$0x0] =	vst.idx.msk $0xffff, v2  }
0x12c: {  	[tilespmem:v52+s14+$0x0] =	vst.idx.msk $0xffff, v8  }
0x12d: {  	v1 =	vld [tilespmem:s24+$0x1E0];
	[tilespmem:v9+s14+$0x0] =	vst.idx.msk $0xffff, v53  }
0x12e: {  	v38 =	vmov v21;
	v59 =	vadd.s32 s26, v21;
	v21 =	vld [tilespmem:$0x1FFE0]  }
0x12f: {  	v43 =	vmov v14;
	v55 =	vadd.s32 v14, v33;
	v54 =	vadd.s32 v23, v37;
	v14 =	vld [tilespmem:$0x1FF50]  }
0x130: {  	v10 =	vld [tilespmem:s24+$0xE0]  }
0x131: {  	v57 =	vadd.s32 v13, v32;
	v56 =	vld [tilespmem:s24+$0xFFFFFF30]  }
0x132: {  	v58 =	vld [tilespmem:s24+$0xFFFFFE30]  }
0x133: {  	v8 =	vld [tilespmem:s24+$0xFFFFFEB0];
	v60 =	vadd.s32 v21, v34  }
0x134: {  	v9 =	vld [tilespmem:s24+$0xFFFFFFB0];
	[tilespmem:v54+s14+$0x0] =	vst.idx.msk $0xffff, v1;
	v39 =	vadd.s32 v14, v36  }
0x135: {  	[tilespmem:v55+s14+$0x0] =	vst.idx.msk $0xffff, v10  }
0x136: {  	[tilespmem:v57+s14+$0x0] =	vst.idx.msk $0xffff, v56;
	v1 =	vld [tilespmem:s24+$0x1B0];
	v52 =	vadd.s32 v14, v37  }
0x137: {  	[tilespmem:v59+s14+$0x0] =	vst.idx.msk $0xffff, v58  }
0x138: {  	[tilespmem:v60+s14+$0x0] =	vst.idx.msk $0xffff, v8  }
0x139: {  	v53 =	vld [tilespmem:s24+$0xB0];
	[tilespmem:v39+s14+$0x0] =	vst.idx.msk $0xffff, v9  }
0x13a: {  	v56 =	vadd.s32 v22, v32;
	v32 =	vmovc v15;
	v10 =	vadd.s32 s26, v15;
	v54 =	vadd.s32 v21, v33;
	v15 =	vld [tilespmem:$0x1FE70]  }
0x13b: {  	[tilespmem:v52+s14+$0x0] =	vst.idx.msk $0xffff, v1  }
0x13c: {  	v44 =	vmov v21;
	v21 =	vld [tilespmem:$0x1FEB0]  }
0x13d: {  	v55 =	vld [tilespmem:s24+$0xFFFFFF70]  }
0x13e: {  	v7 =	vld [tilespmem:s24+$0xFFFFFE70]  }
0x13f: {  	v5 =	vld [tilespmem:s24+$0xFFFFFEF0];
	[tilespmem:v54+s14+$0x0] =	vst.idx.msk $0xffff, v53;
	v8 =	vadd.s32 v15, v34  }
0x140: {  	v59 =	vld [tilespmem:s24+$0xF0];
	v60 =	vadd.s32 v15, v33  }
0x141: {  	v9 =	vld [tilespmem:s24+$0xFFFFFFF0];
	v57 =	vadd.s32 v21, v36  }
0x142: {  	v2 =	vld [tilespmem:s24+$0x1F0];
	[tilespmem:v56+s14+$0x0] =	vst.idx.msk $0xffff, v55;
	v58 =	vadd.s32 v21, v37  }
0x143: {  	s0 =	sadd.s32 s6, s23;
	[tilespmem:v10+s14+$0x0] =	vst.idx.msk $0xffff, v7  }
0x144: {  	s30 =	sshll.u32 s22, $0x11;
	s3 =	sshll.u32 s0, $0xD;
	[tilespmem:v8+s14+$0x0] =	vst.idx.msk $0xffff, v5  }
0x145: {  	s0 =	sshll.u32 s0, $0x7;
	s31 =	sadd.s32 s2, s30;
	s22 =	sand.u32 $0xFF00000, s3;
	[tilespmem:v60+s14+$0x0] =	vst.idx.msk $0xffff, v59  }
0x146: {  	s23 =	sand.u32 $0x3F80, s0;
	s3 =	sadd.s32 s22, s31;
	[tilespmem:v57+s14+$0x0] =	vst.idx.msk $0xffff, v9  }
0x147: {  	s0 =	sadd.s32 s23, s3;
	s24 =	simm.s32 $0x4800;
	[tilespmem:v58+s14+$0x0] =	vst.idx.msk $0xffff, v2  }
0x148: {  	[hbm4b:s0+s4] =	stream.linear.scatter [tilespmem:s24], [sflag:$0x2], $0x80, $0x38;
	[tilespmem:$0x8C00] =	vst v63  }
0x149: {  	s25 =	simm.s32 $0x4888;
	s26 =	sadd.s32 $0x10, s0  }
0x14a: {  	[hbm4b:s26+s4] =	stream.linear.scatter [tilespmem:s25], [sflag:$0x2], $0x80, $0x38;
	[tilespmem:$0x8C00] =	vst v63  }
0x14b: {  	s28 =	simm.s32 $0x4BB8;
	s30 =	simm.s32 $0x4910;
	s31 =	sadd.s32 $0x20, s0  }
0x14c: {  	[hbm4b:s31+s4] =	stream.linear.scatter [tilespmem:s30], [sflag:$0x2], $0x80, $0x38;
	[tilespmem:$0x8C00] =	vst v63  }
0x14d: {  	s29 =	sadd.s32 $0x70, s0;
	s25 =	simm.s32 $0x4998;
	s26 =	sadd.s32 $0x30, s0  }
0x14e: {  	[hbm4b:s26+s4] =	stream.linear.scatter [tilespmem:s25], [sflag:$0x2], $0x80, $0x38;
	[tilespmem:$0x8C00] =	vst v63  }
0x14f: {  	s24 =	simm.s32 $0x440;
	s30 =	simm.s32 $0x4A20;
	s31 =	sadd.s32 $0x40, s0  }
0x150: {  	[hbm4b:s31+s4] =	stream.linear.scatter [tilespmem:s30], [sflag:$0x2], $0x80, $0x38;
	[tilespmem:$0x8C00] =	vst v63  }
0x151: {  	s25 =	simm.s32 $0x4AA8;
	s26 =	sadd.s32 $0x50, s0;
	s30 =	simm.s32 $0x4B30  }
0x152: {  	[hbm4b:s26+s4] =	stream.linear.scatter [tilespmem:s25], [sflag:$0x2], $0x80, $0x38;
	[tilespmem:$0x8C00] =	vst v63  }
0x153: {  	v24 =	vmov v28;
	s31 =	sadd.s32 $0x60, s0;
	s26 =	simm.s32 $0x2200;
	s25 =	sadd.s32 $0x4000, s0  }
0x154: {  	v49 =	vmovc v16;
	v47 =	vmovc v23;
	v48 =	vmov v14;
	v14 =	vmov v22;
	v15 =	vmov v17;
	[hbm4b:s31+s4] =	stream.linear.scatter [tilespmem:s30], [sflag:$0x2], $0x80, $0x38;
	[tilespmem:$0x8C00] =	vst v63  }
.LBB2_5:
0x155: {  	[hbm4b:s29+s4] =	stream.linear.scatter [tilespmem:s28], [sflag:$0x2], $0x80, $0x38;
	[tilespmem:$0x8C00] =	vst v63  }
0x156: {  	s0 =	smov.u32 s24;
	s3 =	smov.u32 s26  }
0x157: {  	s24 =	sshra.s32 s3, $0x2;
	s3 =	sadd.s32 $0x1100, s26;
	s28 =	sadd.s32 $0x4800, s0  }
0x158: {  	[hbm4b:s25+s4] =	stream.linear.scatter [tilespmem:s28], [sflag:$0x2], $0x80, $0x38;
	[tilespmem:$0x8C00] =	vst v63  }
0x159: {  	p1 =	sne.s32 s26, $0x7700;
	s26 =	sadd.s32 $0x4888, s0;
	s28 =	sadd.s32 $0x10, s25  }
0x15a: {  	[hbm4b:s28+s4] =	stream.linear.scatter [tilespmem:s26], [sflag:$0x2], $0x80, $0x38;
	[tilespmem:$0x8C00] =	vst v63  }
0x15b: {  	s26 =	sadd.s32 $0x4910, s0;
	s28 =	sadd.s32 $0x20, s25  }
0x15c: {  	[hbm4b:s28+s4] =	stream.linear.scatter [tilespmem:s26], [sflag:$0x2], $0x80, $0x38;
	[tilespmem:$0x8C00] =	vst v63  }
0x15d: {  	s26 =	sadd.s32 $0x4998, s0;
	s28 =	sadd.s32 $0x30, s25  }
0x15e: {  	[hbm4b:s28+s4] =	stream.linear.scatter [tilespmem:s26], [sflag:$0x2], $0x80, $0x38;
	[tilespmem:$0x8C00] =	vst v63  }
0x15f: {  	s26 =	sadd.s32 $0x4A20, s0;
	s28 =	sadd.s32 $0x40, s25  }
0x160: {  	[hbm4b:s28+s4] =	stream.linear.scatter [tilespmem:s26], [sflag:$0x2], $0x80, $0x38;
	[tilespmem:$0x8C00] =	vst v63  }
.Ltmp3:
0x161: {  	s26 =	sadd.s32 $0x4AA8, s0;
	s28 =	sadd.s32 $0x50, s25;
	(pc) =	sbr.rel @p1 .LBB2_5-.Ltmp3, $4  }
0x162: {  	[hbm4b:s28+s4] =	stream.linear.scatter [tilespmem:s26], [sflag:$0x2], $0x80, $0x38;
	[tilespmem:$0x8C00] =	vst v63  }
0x163: {  	s29 =	sadd.s32 $0x70, s25;
	s26 =	sadd.s32 $0x4B30, s0;
	s28 =	sadd.s32 $0x60, s25  }
0x164: {  	[hbm4b:s28+s4] =	stream.linear.scatter [tilespmem:s26], [sflag:$0x2], $0x80, $0x38;
	[tilespmem:$0x8C00] =	vst v63  }
0x165: {  	s25 =	sadd.s32 $0x4000, s25;
	s28 =	sadd.s32 $0x4BB8, s0;
	s26 =	smov.u32 s3  }
0x166: {  	[hbm4b:s29+s4] =	stream.linear.scatter [tilespmem:s28], [sflag:$0x2], $0x80, $0x38;
	[tilespmem:$0x8C00] =	vst v63  }
0x167: {  	s0 =	sadd.s32 $0x4800, s24  }
0x168: {  	[hbm4b:s25+s4] =	stream.linear.scatter [tilespmem:s0], [sflag:$0x2], $0x80, $0x38;
	[tilespmem:$0x8C00] =	vst v63  }
0x169: {  	s29 =	sadd.s32 $0x4888, s24;
	s3 =	sadd.s32 $0x10, s25  }
0x16a: {  	[hbm4b:s3+s4] =	stream.linear.scatter [tilespmem:s29], [sflag:$0x2], $0x80, $0x38;
	[tilespmem:$0x8C00] =	vst v63  }
0x16b: {  	s30 =	sadd.s32 $0x4910, s24;
	s31 =	sadd.s32 $0x20, s25  }
0x16c: {  	[hbm4b:s31+s4] =	stream.linear.scatter [tilespmem:s30], [sflag:$0x2], $0x80, $0x38;
	[tilespmem:$0x8C00] =	vst v63  }
0x16d: {  	s26 =	sadd.s32 $0x30, s25;
	s3 =	sadd.s32 $0x4998, s24  }
0x16e: {  	[hbm4b:s26+s4] =	stream.linear.scatter [tilespmem:s3], [sflag:$0x2], $0x80, $0x38;
	[tilespmem:$0x8C00] =	vst v63  }
0x16f: {  	s28 =	sadd.s32 $0x4A20, s24;
	s29 =	sadd.s32 $0x40, s25  }
0x170: {  	[hbm4b:s29+s4] =	stream.linear.scatter [tilespmem:s28], [sflag:$0x2], $0x80, $0x38;
	[tilespmem:$0x8C00] =	vst v63  }
0x171: {  	s30 =	sadd.s32 $0x4AA8, s24;
	s31 =	sadd.s32 $0x50, s25  }
0x172: {  	[hbm4b:s31+s4] =	stream.linear.scatter [tilespmem:s30], [sflag:$0x2], $0x80, $0x38;
	[tilespmem:$0x8C00] =	vst v63  }
0x173: {  	s26 =	sadd.s32 $0x4B30, s24;
	s31 =	sor.u32 $0x1, s21  }
0x174: {  	s28 =	sadd.s32 $0x60, s25;
	s21 =	sand.u32 $0x7, s31;
	p1 =	sgt.u32 s31, $0x31E  }
0x175: {  	[hbm4b:s28+s4] =	stream.linear.scatter [tilespmem:s26], [sflag:$0x2], $0x80, $0x38;
	[tilespmem:$0x8C00] =	vst v63  }
0x176: {  	p2 =	sne.s32 @!p1 s21, $0x7  }
0x177: {  	p2 =	por p1, p2  }
.Ltmp4:
0x178: {  	s29 =	sadd.s32 $0x4BB8, s24;
	s30 =	sadd.s32 $0x70, s25;
	(pc) =	sbr.rel @p2 .LBB2_8-.Ltmp4, $4  }
0x179: {  	[hbm4b:s30+s4] =	stream.linear.scatter [tilespmem:s29], [sflag:$0x2], $0x80, $0x38;
	[tilespmem:$0x8C00] =	vst v63  }
0x17a: {  	_ =	swait.ge [sflag:s12], $0x2000  }
0x17b: {  	[sflag:s12] =	ssyncset.done $0x0;
	v58 =	vld [tilespmem:$0x1FEC0]  }
0x17c: {  	v60 =	vmov v12;
	v17 =	vmov v19;
	v19 =	vmov v11;
	v59 =	vld [tilespmem:$0x1FEE0];
	[sflag:s12] =	ssyncadd.s32 $0xFFFFE000  }
0x17d: {  	_ =	swait.ge [sflag:s9], $0x400  }
0x17e: {  	v11 =	vmov v40;
	v25 =	vmov v38;
	[sflag:s9] =	ssyncset.done $0x0  }
0x17f: {  	v21 =	vmovc v32;
	v22 =	vmovc v41;
	v28 =	vmov v42;
	v12 =	vmov v43;
	v16 =	vmov v44;
	v23 =	vld [tilespmem:$0x1FE70];
	[sflag:s9] =	ssyncadd.s32 $0xFFFFFC00  }
.LBB2_9:
0x180: {  	s0 =	sadd.s32 $0x100, s20  }
0x181: {  	s0 =	sand.u32 $0x700, s0  }
0x182: {  	[tilespmem:s11], [sflag:$0x1] =	stream.indirect.gather [hbm4b:s5+s10], $0x40, s0, s10, $0xb8;
	[tilespmem:$0x8C00] =	vst v63  }
.LBB2_10:
0x183: {  	s0 =	simm.s32 $0x4;
	s3 =	simm.s32 @!p0 $0x3;
	s30 =	simm.s32 $0xA  }
0x184: {  	s20 =	simm.s32 $0xC;
	s31 =	simm.s32 $0x6;
	v0 =	vmov s0;
	_ =	swait.ge @!p0 [sflag:s3], $0x2000;
	v1 =	vmov s30  }
0x185: {  	s25 =	simm.s32 $0x8;
	v2 =	vmov s20;
	v55 =	vmov s31;
	v0 =	vand.u32 $0x70, v0;
	[sflag:s3] =	ssyncset.done @!p0 $0x0  }
0x186: {  	s26 =	simm.s32 $0x2BF0;
	v45 =	vadd.s32 s25, v62;
	v52 =	vand.u32 $0x78, v2;
	v42 =	vbroadcast v0, $0x0;
	[sflag:s3] =	ssyncadd.s32 @!p0 $0xFFFFE000  }
0x187: {  	v51 =	vand.u32 $0x78, v1;
	v2 =	vand.u32 $0x70, v55;
	v43 =	vbroadcast v52, $0x0;
	s3 =	simm.s32 $0x2;
	v56 =	vld [tilespmem:s26+$0xFFFFFE10]  }
0x188: {  	v39 =	vbroadcast v51, $0x0;
	v53 =	vld [tilespmem:s26+$0xFFFFFD10];
	v44 =	vmov s3;
	v54 =	vadd.s32 v26, v42  }
0x189: {  	v40 =	vbroadcast v2, $0x0;
	v5 =	vld [tilespmem:s26+$0xFFFFFF10];
	v6 =	vadd.s32 v26, v43;
	v1 =	vand.u32 $0x70, v44  }
0x18a: {  	v4 =	vld [tilespmem:s26+$0xFFFFFE90];
	v3 =	vadd.s32 v18, v39;
	v38 =	vbroadcast v1, $0x0  }
0x18b: {  	v57 =	vld [tilespmem:s26+$0xFFFFFD90];
	v7 =	vadd.s32 v19, v40  }
0x18c: {  	s28 =	simm.s32 $0x0;
	v52 =	vld [tilespmem:s26+$0xFFFFFC90];
	v10 =	vadd.s32 v18, v38;
	[tilespmem:v45+s15+$0x0] =	vst.idx.msk $0xffff, v56  }
0x18d: {  	s20 =	simm.s32 $0xE;
	v36 =	vld [tilespmem:s26+$0xFFFFFC10];
	v45 =	vadd.s32 s28, v62;
	[tilespmem:v54+s15+$0x0] =	vst.idx.msk $0xffff, v53  }
0x18e: {  	v46 =	vmov s20;
	v55 =	vadd.s32 s25, v58;
	[tilespmem:v6+s15+$0x0] =	vst.idx.msk $0xffff, v5;
	v56 =	vld [tilespmem:s26+$0xFFFFFE50]  }
0x18f: {  	v51 =	vadd.s32 v27, v43;
	[tilespmem:v3+s15+$0x0] =	vst.idx.msk $0xffff, v4;
	v4 =	vand.u32 $0x78, v46;
	v6 =	vld [tilespmem:s26+$0xFFFFFF50]  }
0x190: {  	v8 =	vadd.s32 v27, v42;
	[tilespmem:v7+s15+$0x0] =	vst.idx.msk $0xffff, v57;
	v9 =	vld [tilespmem:s26+$0xFFFFFD50];
	v41 =	vbroadcast v4, $0x0  }
0x191: {  	v54 =	vadd.s32 v17, v39;
	v50 =	vld [tilespmem:s26+$0xFFFFFED0];
	[tilespmem:v10+s15+$0x0] =	vst.idx.msk $0xffff, v52  }
0x192: {  	v32 =	vld [tilespmem:s26+$0xFFFFFF90];
	v53 =	vadd.s32 v19, v41;
	[tilespmem:v45+s15+$0x0] =	vst.idx.msk $0xffff, v36  }
0x193: {  	v33 =	vadd.s32 v59, v40;
	v7 =	vld [tilespmem:s26+$0xFFFFFDD0];
	[tilespmem:v55+s15+$0x0] =	vst.idx.msk $0xffff, v56  }
0x194: {  	v36 =	vadd.s32 s28, v58;
	v56 =	vld [tilespmem:s26+$0xFFFFFC50];
	[tilespmem:v51+s15+$0x0] =	vst.idx.msk $0xffff, v6  }
0x195: {  	v57 =	vadd.s32 v24, v43;
	[tilespmem:v8+s15+$0x0] =	vst.idx.msk $0xffff, v9;
	v1 =	vld [tilespmem:s26+$0xFFFFFF20]  }
0x196: {  	v37 =	vadd.s32 v24, v42;
	[tilespmem:v54+s15+$0x0] =	vst.idx.msk $0xffff, v50;
	v3 =	vld [tilespmem:s26+$0xFFFFFD20]  }
0x197: {  	v34 =	vld [tilespmem:s26+$0xFFFFFE20];
	[tilespmem:v53+s15+$0x0] =	vst.idx.msk $0xffff, v32;
	v53 =	vadd.s32 s25, v60  }
0x198: {  	v44 =	vld [tilespmem:s26+$0xFFFFFCD0];
	v50 =	vadd.s32 v17, v38;
	[tilespmem:v33+s15+$0x0] =	vst.idx.msk $0xffff, v7  }
0x199: {  	v54 =	vadd.s32 v20, v39;
	v51 =	vld [tilespmem:s26+$0xFFFFFEA0];
	[tilespmem:v36+s15+$0x0] =	vst.idx.msk $0xffff, v56  }
0x19a: {  	v52 =	vadd.s32 v59, v41;
	v46 =	vld [tilespmem:s26+$0xFFFFFFD0];
	[tilespmem:v57+s15+$0x0] =	vst.idx.msk $0xffff, v1  }
0x19b: {  	v55 =	vadd.s32 v29, v43;
	[tilespmem:v37+s15+$0x0] =	vst.idx.msk $0xffff, v3;
	v1 =	vld [tilespmem:s26+$0xFFFFFF60]  }
0x19c: {  	v57 =	vadd.s32 v29, v42;
	v10 =	vld [tilespmem:s26+$0xFFFFFD60];
	[tilespmem:v53+s15+$0x0] =	vst.idx.msk $0xffff, v34  }
0x19d: {  	[tilespmem:v50+s15+$0x0] =	vst.idx.msk $0xffff, v44;
	v44 =	vadd.s32 s25, v49;
	v37 =	vld [tilespmem:s26+$0xFFFFFE60]  }
0x19e: {  	[tilespmem:v54+s15+$0x0] =	vst.idx.msk $0xffff, v51  }
0x19f: {  	s20 =	simm.s32 $0x2FF0;
	[tilespmem:v52+s15+$0x0] =	vst.idx.msk $0xffff, v46  }
0x1a0: {  	v4 =	vld [tilespmem:s20+$0xFFFFFD10];
	[tilespmem:v55+s15+$0x0] =	vst.idx.msk $0xffff, v1  }
0x1a1: {  	v7 =	vld [tilespmem:s20+$0xFFFFFF10];
	[tilespmem:v57+s15+$0x0] =	vst.idx.msk $0xffff, v10  }
0x1a2: {  	v2 =	vld [tilespmem:s26+$0xFFFFFCA0];
	[tilespmem:v44+s15+$0x0] =	vst.idx.msk $0xffff, v37  }
0x1a3: {  	v45 =	vadd.s32 v20, v38;
	v50 =	vld [tilespmem:$0x1FF00]  }
0x1a4: {  	s24 =	simm.s32 $0x14;
	v3 =	vld [tilespmem:s26+$0xFFFFFDA0];
	v54 =	vadd.s32 v63, v40  }
0x1a5: {  	v53 =	vadd.s32 v30, v43;
	v46 =	vmov s24;
	s24 =	simm.s32 $0x18;
	v52 =	vld [tilespmem:s26+$0xFFFFFF30]  }
0x1a6: {  	v9 =	vld [tilespmem:s20+$0xFFFFFE10];
	v34 =	vadd.s32 s24, v62  }
0x1a7: {  	v56 =	vadd.s32 s28, v60;
	v55 =	vld [tilespmem:s26+$0xFFFFFC20]  }
0x1a8: {  	v35 =	vld [tilespmem:s26+$0xFFFFFE30];
	[tilespmem:v45+s15+$0x0] =	vst.idx.msk $0xffff, v2;
	v57 =	vadd.s32 s25, v50  }
0x1a9: {  	v36 =	vadd.s32 v30, v42;
	v51 =	vand.u32 $0x70, v46;
	v0 =	vld [tilespmem:s26+$0xFFFFFD30];
	[tilespmem:v54+s15+$0x0] =	vst.idx.msk $0xffff, v3  }
0x1aa: {  	v32 =	vbroadcast v51, $0x0;
	v37 =	vadd.s32 v22, v38;
	[tilespmem:v53+s15+$0x0] =	vst.idx.msk $0xffff, v52;
	v52 =	vld [tilespmem:s26+$0xFFFFFCE0]  }
0x1ab: {  	v1 =	vld [tilespmem:s26+$0xFFFFFEE0];
	[tilespmem:v34+s15+$0x0] =	vst.idx.msk $0xffff, v9;
	v53 =	vadd.s32 v22, v39  }
0x1ac: {  	s30 =	simm.s32 $0x1A;
	v6 =	vld [tilespmem:s26+$0xFFFFFFA0];
	v3 =	vadd.s32 v26, v32;
	[tilespmem:v56+s15+$0x0] =	vst.idx.msk $0xffff, v55  }
0x1ad: {  	v54 =	vmov s30;
	v45 =	vadd.s32 v61, v40;
	v10 =	vld [tilespmem:s26+$0xFFFFFDE0];
	[tilespmem:v57+s15+$0x0] =	vst.idx.msk $0xffff, v35  }
0x1ae: {  	s31 =	simm.s32 $0x1C;
	v55 =	vand.u32 $0x78, v54;
	[tilespmem:v36+s15+$0x0] =	vst.idx.msk $0xffff, v0;
	v57 =	vadd.s32 s25, v11;
	v56 =	vld [tilespmem:s26+$0xFFFFFE70]  }
0x1af: {  	v51 =	vmov s31;
	v44 =	vld [tilespmem:s26+$0xFFFFFC60];
	v33 =	vbroadcast v55, $0x0;
	v55 =	vadd.s32 s28, v49;
	[tilespmem:v37+s15+$0x0] =	vst.idx.msk $0xffff, v52  }
0x1b0: {  	v2 =	vand.u32 $0x78, v51;
	[tilespmem:v53+s15+$0x0] =	vst.idx.msk $0xffff, v1;
	v53 =	vadd.s32 v28, v38;
	v52 =	vld [tilespmem:s26+$0xFFFFFCB0]  }
0x1b1: {  	v46 =	vld [tilespmem:s20+$0xFFFFFE90];
	[tilespmem:v3+s15+$0x0] =	vst.idx.msk $0xffff, v4;
	v54 =	vadd.s32 v18, v33;
	v35 =	vbroadcast v2, $0x0  }
0x1b2: {  	v0 =	vadd.s32 v31, v43;
	v3 =	vld [tilespmem:s26+$0xFFFFFF70];
	[tilespmem:v45+s15+$0x0] =	vst.idx.msk $0xffff, v10  }
0x1b3: {  	v9 =	vld [tilespmem:s26+$0xFFFFFD70];
	[tilespmem:v57+s15+$0x0] =	vst.idx.msk $0xffff, v56;
	v56 =	vadd.s32 v26, v35  }
0x1b4: {  	v51 =	vadd.s32 s25, v25;
	[tilespmem:v55+s15+$0x0] =	vst.idx.msk $0xffff, v44;
	v57 =	vld [tilespmem:s26+$0xFFFFFE40]  }
0x1b5: {  	[tilespmem:v53+s15+$0x0] =	vst.idx.msk $0xffff, v52;
	v52 =	vld [tilespmem:s26+$0xFFFFFDB0];
	v53 =	vadd.s32 v15, v40  }
0x1b6: {  	[tilespmem:v54+s15+$0x0] =	vst.idx.msk $0xffff, v46;
	v54 =	vadd.s32 v12, v38;
	v8 =	vld [tilespmem:s26+$0xFFFFFCF0]  }
0x1b7: {  	v55 =	vadd.s32 s28, v50;
	v4 =	vld [tilespmem:s26+$0xFFFFFC30];
	[tilespmem:v0+s15+$0x0] =	vst.idx.msk $0xffff, v3  }
0x1b8: {  	s3 =	simm.s32 $0x12;
	v3 =	vadd.s32 v13, v43;
	v0 =	vld [tilespmem:s26+$0xFFFFFF40];
	[tilespmem:v56+s15+$0x0] =	vst.idx.msk $0xffff, v7  }
0x1b9: {  	v46 =	vadd.s32 v28, v39;
	v56 =	vmov s3;
	[tilespmem:v51+s15+$0x0] =	vst.idx.msk $0xffff, v57;
	v57 =	vld [tilespmem:s26+$0xFFFFFEB0]  }
0x1ba: {  	s30 =	simm.s32 $0x16;
	v1 =	vld [tilespmem:s20+$0xFFFFFC90];
	[tilespmem:v53+s15+$0x0] =	vst.idx.msk $0xffff, v52;
	v7 =	vand.u32 $0x70, v56;
	v51 =	vadd.s32 v31, v42  }
0x1bb: {  	s31 =	simm.s32 $0x1E;
	v2 =	vld [tilespmem:s20+$0xFFFFFD50];
	v52 =	vmov s30;
	[tilespmem:v54+s15+$0x0] =	vst.idx.msk $0xffff, v8;
	v54 =	vadd.s32 v63, v41;
	v34 =	vbroadcast v7, $0x0  }
0x1bc: {  	v45 =	vld [tilespmem:s20+$0xFFFFFED0];
	[tilespmem:v55+s15+$0x0] =	vst.idx.msk $0xffff, v4;
	v55 =	vmov s31;
	v53 =	vadd.s32 v27, v32;
	v36 =	vand.u32 $0x70, v52  }
0x1bd: {  	[tilespmem:v3+s15+$0x0] =	vst.idx.msk $0xffff, v0;
	v37 =	vand.u32 $0x78, v55;
	v5 =	vld [tilespmem:s26+$0xFFFFFC70];
	v36 =	vbroadcast v36, $0x0;
	v56 =	vadd.s32 v18, v34  }
0x1be: {  	v0 =	vld [tilespmem:s20+$0xFFFFFE50];
	v37 =	vbroadcast v37, $0x0;
	[tilespmem:v46+s15+$0x0] =	vst.idx.msk $0xffff, v57;
	v57 =	vadd.s32 v17, v33  }
0x1bf: {  	v8 =	vld [tilespmem:s20+$0xFFFFFD90];
	[tilespmem:v51+s15+$0x0] =	vst.idx.msk $0xffff, v9;
	v51 =	vadd.s32 v19, v36  }
0x1c0: {  	[tilespmem:v54+s15+$0x0] =	vst.idx.msk $0xffff, v6;
	v54 =	vadd.s32 v19, v37;
	v46 =	vld [tilespmem:s20+$0xFFFFFF90]  }
0x1c1: {  	v52 =	vld [tilespmem:s26+$0xFFFFFF80];
	[tilespmem:v53+s15+$0x0] =	vst.idx.msk $0xffff, v2;
	v53 =	vadd.s32 v14, v43  }
0x1c2: {  	v55 =	vld [tilespmem:s26+$0xFFFFFFE0];
	[tilespmem:v56+s15+$0x0] =	vst.idx.msk $0xffff, v1;
	v56 =	vadd.s32 v61, v41  }
0x1c3: {  	v4 =	vld [tilespmem:s26+$0xFFFFFE80];
	[tilespmem:v57+s15+$0x0] =	vst.idx.msk $0xffff, v45;
	v57 =	vadd.s32 s25, v21  }
0x1c4: {  	v3 =	vld [tilespmem:s20+$0xFFFFFF50];
	[tilespmem:v51+s15+$0x0] =	vst.idx.msk $0xffff, v8;
	v51 =	vadd.s32 s28, v11  }
0x1c5: {  	v43 =	vld [tilespmem:s26+$0xFFFFFDF0];
	[tilespmem:v54+s15+$0x0] =	vst.idx.msk $0xffff, v46;
	v54 =	vadd.s32 v27, v35  }
0x1c6: {  	[tilespmem:v53+s15+$0x0] =	vst.idx.msk $0xffff, v52;
	v52 =	vadd.s32 v59, v36;
	v53 =	vld [tilespmem:s20+$0xFFFFFDD0]  }
0x1c7: {  	v2 =	vld [tilespmem:s26+$0xFFFFFD40];
	v46 =	vadd.s32 v13, v42;
	[tilespmem:v56+s15+$0x0] =	vst.idx.msk $0xffff, v55  }
0x1c8: {  	v44 =	vld [tilespmem:s26+$0xFFFFFEF0];
	v55 =	vadd.s32 v47, v40;
	[tilespmem:v57+s15+$0x0] =	vst.idx.msk $0xffff, v4  }
0x1c9: {  	v56 =	vld [tilespmem:s26+$0xFFFFFFB0];
	v57 =	vadd.s32 v15, v41;
	[tilespmem:v51+s15+$0x0] =	vst.idx.msk $0xffff, v5  }
0x1ca: {  	v1 =	vld [tilespmem:s26+$0xFFFFFCC0];
	[tilespmem:v54+s15+$0x0] =	vst.idx.msk $0xffff, v3;
	v54 =	vadd.s32 v12, v39  }
0x1cb: {  	[tilespmem:v52+s15+$0x0] =	vst.idx.msk $0xffff, v53;
	v51 =	vld [tilespmem:s26+$0xFFFFFC40];
	v52 =	vadd.s32 s28, v25  }
0x1cc: {  	v45 =	vld [tilespmem:s20+$0xFFFFFD20];
	[tilespmem:v46+s15+$0x0] =	vst.idx.msk $0xffff, v2;
	v53 =	vadd.s32 v24, v32  }
0x1cd: {  	v42 =	vadd.s32 v14, v42;
	v9 =	vld [tilespmem:s26+$0xFFFFFD80];
	[tilespmem:v55+s15+$0x0] =	vst.idx.msk $0xffff, v43  }
0x1ce: {  	v6 =	vld [tilespmem:s20+$0xFFFFFCD0];
	v55 =	vadd.s32 s24, v58;
	[tilespmem:v57+s15+$0x0] =	vst.idx.msk $0xffff, v56  }
0x1cf: {  	v10 =	vld [tilespmem:s26+$0xFFFFFDC0];
	[tilespmem:v54+s15+$0x0] =	vst.idx.msk $0xffff, v44;
	v54 =	vadd.s32 v48, v40  }
0x1d0: {  	v5 =	vld [tilespmem:s20+$0xFFFFFC10];
	[tilespmem:v52+s15+$0x0] =	vst.idx.msk $0xffff, v51;
	v51 =	vadd.s32 v17, v34  }
0x1d1: {  	s25 =	simm.s32 $0x10;
	v57 =	vadd.s32 v47, v41;
	v56 =	vld [tilespmem:s26+$0xFFFFFFF0];
	[tilespmem:v53+s15+$0x0] =	vst.idx.msk $0xffff, v45  }
0x1d2: {  	v4 =	vld [tilespmem:s20+$0xFFFFFFD0];
	v52 =	vadd.s32 s25, v62;
	[tilespmem:v42+s15+$0x0] =	vst.idx.msk $0xffff, v9  }
0x1d3: {  	v53 =	vld [tilespmem:s20+$0xFFFFFF20];
	v42 =	vadd.s32 v59, v37;
	[tilespmem:v55+s15+$0x0] =	vst.idx.msk $0xffff, v0  }
0x1d4: {  	v2 =	vld [tilespmem:s26+$0xFFFFFEC0];
	v55 =	vadd.s32 v24, v35;
	[tilespmem:v54+s15+$0x0] =	vst.idx.msk $0xffff, v10  }
0x1d5: {  	v43 =	vld [tilespmem:s26+$0xFFFFFC80];
	[tilespmem:v51+s15+$0x0] =	vst.idx.msk $0xffff, v6;
	v6 =	vadd.s32 v16, v39  }
0x1d6: {  	v8 =	vadd.s32 v20, v33;
	[tilespmem:v57+s15+$0x0] =	vst.idx.msk $0xffff, v56;
	v56 =	vld [tilespmem:s20+$0xFFFFFEA0]  }
0x1d7: {  	v3 =	vld [tilespmem:s20+$0xFFFFFD60];
	[tilespmem:v52+s15+$0x0] =	vst.idx.msk $0xffff, v5;
	v57 =	vadd.s32 s28, v21  }
0x1d8: {  	v54 =	vadd.s32 v48, v41;
	[tilespmem:v42+s15+$0x0] =	vst.idx.msk $0xffff, v4;
	v7 =	vld [tilespmem:s26+$0xFFFFFFC0]  }
0x1d9: {  	v48 =	vld [tilespmem:s20+$0xFFFFFDA0];
	[tilespmem:v55+s15+$0x0] =	vst.idx.msk $0xffff, v53;
	v55 =	vadd.s32 v16, v38  }
0x1da: {  	v44 =	vld [tilespmem:s20+$0xFFFFFF60];
	[tilespmem:v6+s15+$0x0] =	vst.idx.msk $0xffff, v2;
	v2 =	vadd.s32 v29, v35  }
0x1db: {  	v5 =	vld [tilespmem:s20+$0xFFFFFE20];
	[tilespmem:v8+s15+$0x0] =	vst.idx.msk $0xffff, v56;
	v56 =	vadd.s32 s24, v60  }
0x1dc: {  	v45 =	vld [tilespmem:s20+$0xFFFFFC50];
	[tilespmem:v57+s15+$0x0] =	vst.idx.msk $0xffff, v43;
	v57 =	vadd.s32 s25, v58  }
0x1dd: {  	v51 =	vld [tilespmem:s26+$0xFFFFFE00];
	[tilespmem:v54+s15+$0x0] =	vst.idx.msk $0xffff, v7  }
0x1de: {  	v10 =	vld [tilespmem:s20+$0xFFFFFCA0];
	[tilespmem:v55+s15+$0x0] =	vst.idx.msk $0xffff, v1  }
0x1df: {  	v46 =	vadd.s32 v29, v32;
	v43 =	vld [tilespmem:s20+$0xFFFFFFA0];
	[tilespmem:v2+s15+$0x0] =	vst.idx.msk $0xffff, v44  }
0x1e0: {  	v9 =	vadd.s32 v20, v34;
	v47 =	vld [tilespmem:s26+$0xFFFFFF00];
	[tilespmem:v56+s15+$0x0] =	vst.idx.msk $0xffff, v5  }
0x1e1: {  	v4 =	vadd.s32 v23, v38;
	v1 =	vld [tilespmem:s26+$0xFFFFFD00];
	[tilespmem:v57+s15+$0x0] =	vst.idx.msk $0xffff, v45  }
0x1e2: {  	v0 =	vld [tilespmem:$0x1FEB0]  }
0x1e3: {  	v52 =	vld [tilespmem:s26+$0x0]  }
0x1e4: {  	v14 =	vmov v23;
	v25 =	vmov v49;
	v42 =	vadd.s32 v63, v36;
	v54 =	vld [tilespmem:s20+$0xFFFFFE60];
	[tilespmem:v46+s15+$0x0] =	vst.idx.msk $0xffff, v3  }
0x1e5: {  	v38 =	vadd.s32 v30, v32;
	v53 =	vadd.s32 s25, v60;
	v45 =	vadd.s32 v23, v39;
	v46 =	vld [tilespmem:s20+$0xFFFFFEE0];
	[tilespmem:v9+s15+$0x0] =	vst.idx.msk $0xffff, v10  }
0x1e6: {  	v57 =	vadd.s32 s24, v49;
	v49 =	vadd.s32 v61, v36;
	v61 =	vmovc v50;
	v50 =	vadd.s32 s24, v50;
	v39 =	vld [tilespmem:s20+$0xFFFFFD30];
	[tilespmem:v4+s15+$0x0] =	vst.idx.msk $0xffff, v1  }
0x1e7: {  	s29 =	simm.s32 $0x20;
	v12 =	vmovc v60;
	s28 =	simm.s32 $0x33F0;
	s26 =	simm.s32 $0x8;
	v56 =	vadd.s32 v0, v40;
	v55 =	vadd.s32 v0, v41;
	v41 =	vld [tilespmem:s20+$0xFFFFFF30];
	v40 =	vadd.s32 v30, v35  }
.LBB2_11:
0x1e8: {  	v0 =	vld [tilespmem:s20+$0xFFFFFC20]  }
0x1e9: {  	v2 =	vld [tilespmem:$0x1FF70]  }
0x1ea: {  	v8 =	vld [tilespmem:s28+$0xFFFFFF10]  }
0x1eb: {  	v10 =	vld [tilespmem:s28+$0xFFFFFD10]  }
0x1ec: {  	s3 =	sadd.s32 $0x4, s29;
	[tilespmem:v55+s15+$0x0] =	vst.idx.msk $0xffff, v52;
	v28 =	vld [tilespmem:$0x1FF80]  }
0x1ed: {  	v15 =	vld [tilespmem:$0x1FFB0];
	v4 =	vmov s3;
	[tilespmem:v56+s15+$0x0] =	vst.idx.msk $0xffff, v51  }
0x1ee: {  	v22 =	vld [tilespmem:$0x1FF90];
	v4 =	vand.u32 $0x70, v4;
	[tilespmem:v57+s15+$0x0] =	vst.idx.msk $0xffff, v54  }
0x1ef: {  	s31 =	sadd.s32 $0xC, s29;
	[tilespmem:v45+s15+$0x0] =	vst.idx.msk $0xffff, v47;
	v47 =	vbroadcast v4, $0x0;
	v9 =	vld [tilespmem:s20+$0xFFFFFE30]  }
0x1f0: {  	v23 =	vld [tilespmem:$0x1FFA0];
	v5 =	vmov s31;
	s31 =	sadd.s32 $0xA, s29;
	[tilespmem:v40+s15+$0x0] =	vst.idx.msk $0xffff, v41;
	v1 =	vadd.s32 v2, v34;
	v2 =	vadd.s32 v2, v33  }
0x1f1: {  	v11 =	vmov s31;
	v51 =	vld [tilespmem:s20+$0xFFFFFCE0];
	[tilespmem:v38+s15+$0x0] =	vst.idx.msk $0xffff, v39;
	v52 =	vadd.s32 v26, v47  }
0x1f2: {  	s0 =	sadd.s32 $0x2, s29;
	s30 =	sadd.s32 $0x8, s29;
	v40 =	vand.u32 $0x78, v11;
	[tilespmem:v42+s15+$0x0] =	vst.idx.msk $0xffff, v48;
	v11 =	vld [tilespmem:$0x1FF10]  }
0x1f3: {  	v3 =	vmov s0;
	s0 =	sadd.s32 $0x6, s29;
	v5 =	vand.u32 $0x78, v5;
	v7 =	vadd.s32 s30, v62;
	v54 =	vld [tilespmem:s28+$0xFFFFFE10];
	[tilespmem:v53+s15+$0x0] =	vst.idx.msk $0xffff, v0  }
0x1f4: {  	v6 =	vmov s0;
	v5 =	vbroadcast v5, $0x0;
	v0 =	vld [tilespmem:s20+$0xFFFFFDE0];
	[tilespmem:v50+s15+$0x0] =	vst.idx.msk $0xffff, v9  }
0x1f5: {  	v56 =	vadd.s32 s25, v25;
	v44 =	vadd.s32 s29, v62;
	v62 =	vand.u32 $0x70, v6;
	v6 =	vld [tilespmem:s20+$0xFFFFFC60];
	[tilespmem:v2+s15+$0x0] =	vst.idx.msk $0xffff, v46  }
0x1f6: {  	v9 =	vadd.s32 v26, v5;
	[tilespmem:v52+s15+$0x0] =	vst.idx.msk $0xffff, v10;
	v52 =	vld [tilespmem:s20+$0xFFFFFF70]  }
0x1f7: {  	v41 =	vbroadcast v62, $0x0;
	v62 =	vadd.s32 s24, v28;
	[tilespmem:v1+s15+$0x0] =	vst.idx.msk $0xffff, v51;
	v60 =	vld [tilespmem:s20+$0xFFFFFE70]  }
0x1f8: {  	s3 =	sadd.s32 $0xE, s29;
	v39 =	vbroadcast v40, $0x0;
	v51 =	vadd.s32 v15, v34;
	[tilespmem:v7+s15+$0x0] =	vst.idx.msk $0xffff, v54;
	v7 =	vld [tilespmem:s20+$0xFFFFFCB0]  }
0x1f9: {  	v45 =	vmov s3;
	[tilespmem:v49+s15+$0x0] =	vst.idx.msk $0xffff, v0;
	v2 =	vld [tilespmem:s28+$0xFFFFFE90]  }
0x1fa: {  	v57 =	vand.u32 $0x78, v45;
	v4 =	vadd.s32 v18, v39;
	v54 =	vld [tilespmem:s28+$0xFFFFFD50];
	[tilespmem:v56+s15+$0x0] =	vst.idx.msk $0xffff, v6  }
0x1fb: {  	v42 =	vadd.s32 v31, v35;
	v40 =	vbroadcast v57, $0x0;
	v57 =	vld [tilespmem:s20+$0xFFFFFD70];
	[tilespmem:v9+s15+$0x0] =	vst.idx.msk $0xffff, v8  }
0x1fc: {  	v6 =	vld [tilespmem:s20+$0xFFFFFC30];
	[tilespmem:v62+s15+$0x0] =	vst.idx.msk $0xffff, v60  }
0x1fd: {  	v8 =	vadd.s32 v11, v36;
	[tilespmem:v51+s15+$0x0] =	vst.idx.msk $0xffff, v7;
	v7 =	vld [tilespmem:s20+$0xFFFFFDB0]  }
0x1fe: {  	v62 =	vadd.s32 s24, v22;
	v60 =	vld [tilespmem:s20+$0xFFFFFE40]  }
0x1ff: {  	v3 =	vand.u32 $0x70, v3;
	[tilespmem:v4+s15+$0x0] =	vst.idx.msk $0xffff, v2;
	v4 =	vadd.s32 v23, v34;
	v2 =	vld [tilespmem:s20+$0xFFFFFCF0]  }
0x200: {  	v45 =	vbroadcast v3, $0x0;
	v55 =	vadd.s32 v59, v41;
	v49 =	vadd.s32 v59, v40;
	[tilespmem:v42+s15+$0x0] =	vst.idx.msk $0xffff, v52;
	v59 =	vld [tilespmem:s28+$0xFFFFFED0]  }
0x201: {  	v56 =	vadd.s32 s25, v61;
	v9 =	vld [tilespmem:s20+$0xFFFFFF40]  }
0x202: {  	v1 =	vadd.s32 v18, v45;
	v61 =	vld [tilespmem:s28+$0xFFFFFC90];
	[tilespmem:v8+s15+$0x0] =	vst.idx.msk $0xffff, v7  }
0x203: {  	v7 =	vld [tilespmem:s20+$0xFFFFFEB0];
	[tilespmem:v62+s15+$0x0] =	vst.idx.msk $0xffff, v60;
	v60 =	vadd.s32 v13, v35  }
0x204: {  	v8 =	vadd.s32 v15, v33;
	v15 =	vld [tilespmem:s28+$0xFFFFFF50];
	[tilespmem:v4+s15+$0x0] =	vst.idx.msk $0xffff, v2;
	v2 =	vadd.s32 v31, v32  }
0x205: {  	v4 =	vld [tilespmem:s28+$0xFFFFFD90]  }
0x206: {  	v0 =	vadd.s32 v17, v39;
	[tilespmem:v56+s15+$0x0] =	vst.idx.msk $0xffff, v6;
	v6 =	vld [tilespmem:s20+$0xFFFFFE80]  }
0x207: {  	v56 =	vadd.s32 v63, v37;
	[tilespmem:v1+s15+$0x0] =	vst.idx.msk $0xffff, v61;
	v61 =	vld [tilespmem:$0x1FF00]  }
0x208: {  	[tilespmem:v60+s15+$0x0] =	vst.idx.msk $0xffff, v9;
	v9 =	vld [tilespmem:s28+$0xFFFFFF90]  }
0x209: {  	[tilespmem:v2+s15+$0x0] =	vst.idx.msk $0xffff, v57;
	v57 =	vld [tilespmem:$0x1FF30]  }
0x20a: {  	v10 =	vadd.s32 v27, v47;
	[tilespmem:v8+s15+$0x0] =	vst.idx.msk $0xffff, v7;
	v60 =	vld [tilespmem:$0x1FEF0]  }
0x20b: {  	[tilespmem:v0+s15+$0x0] =	vst.idx.msk $0xffff, v59;
	v59 =	vld [tilespmem:$0x1FEE0]  }
0x20c: {  	[tilespmem:v56+s15+$0x0] =	vst.idx.msk $0xffff, v43;
	v56 =	vld [tilespmem:$0x1FF40]  }
0x20d: {  	v3 =	vadd.s32 v19, v41;
	v2 =	vld [tilespmem:s20+$0xFFFFFF80]  }
0x20e: {  	v53 =	vadd.s32 v19, v40;
	v1 =	vld [tilespmem:s20+$0xFFFFFFE0]  }
0x20f: {  	[tilespmem:v10+s15+$0x0] =	vst.idx.msk $0xffff, v54;
	v43 =	vld [tilespmem:s20+$0xFFFFFEF0]  }
0x210: {  	v48 =	vadd.s32 s30, v58;
	v7 =	vld [tilespmem:s20+$0xFFFFFD40];
	v8 =	vadd.s32 v57, v35  }
0x211: {  	v46 =	vadd.s32 s29, v58;
	v58 =	vadd.s32 v27, v5;
	v35 =	vmovc v5;
	v5 =	vld [tilespmem:s20+$0xFFFFFDF0];
	v10 =	vadd.s32 v60, v37  }
0x212: {  	v0 =	vadd.s32 s24, v21;
	[tilespmem:v3+s15+$0x0] =	vst.idx.msk $0xffff, v4;
	v3 =	vld [tilespmem:s20+$0xFFFFFC70]  }
0x213: {  	v4 =	vadd.s32 s25, v28;
	[tilespmem:v53+s15+$0x0] =	vst.idx.msk $0xffff, v9;
	v53 =	vld [tilespmem:s28+$0xFFFFFCD0]  }
0x214: {  	v54 =	vld [tilespmem:s28+$0xFFFFFDD0]  }
0x215: {  	[tilespmem:v8+s15+$0x0] =	vst.idx.msk $0xffff, v2;
	v2 =	vld [tilespmem:s28+$0xFFFFFD20]  }
0x216: {  	v8 =	vld [tilespmem:s28+$0xFFFFFE50];
	[tilespmem:v10+s15+$0x0] =	vst.idx.msk $0xffff, v1  }
0x217: {  	[tilespmem:v0+s15+$0x0] =	vst.idx.msk $0xffff, v6;
	v6 =	vld [tilespmem:s28+$0xFFFFFC10]  }
0x218: {  	v9 =	vadd.s32 v56, v36;
	[tilespmem:v4+s15+$0x0] =	vst.idx.msk $0xffff, v3;
	v0 =	vld [tilespmem:s20+$0xFFFFFFB0]  }
0x219: {  	v3 =	vadd.s32 v13, v32;
	v4 =	vld [tilespmem:s20+$0xFFFFFC40]  }
0x21a: {  	v1 =	vadd.s32 v11, v37;
	[tilespmem:v58+s15+$0x0] =	vst.idx.msk $0xffff, v15;
	v15 =	vld [tilespmem:$0x1FEB0]  }
0x21b: {  	v52 =	vadd.s32 v24, v47;
	v58 =	vld [tilespmem:$0x1FEC0]  }
0x21c: {  	v10 =	vadd.s32 s25, v22;
	[tilespmem:v55+s15+$0x0] =	vst.idx.msk $0xffff, v54;
	v55 =	vld [tilespmem:$0x1FF50]  }
0x21d: {  	v54 =	vld [tilespmem:s20+$0xFFFFFCC0];
	[tilespmem:v9+s15+$0x0] =	vst.idx.msk $0xffff, v5  }
0x21e: {  	v5 =	vadd.s32 v23, v33;
	v9 =	vld [tilespmem:s20+$0xFFFFFDC0];
	[tilespmem:v3+s15+$0x0] =	vst.idx.msk $0xffff, v7  }
0x21f: {  	[tilespmem:v1+s15+$0x0] =	vst.idx.msk $0xffff, v0;
	v3 =	vld [tilespmem:s20+$0xFFFFFD80]  }
0x220: {  	v51 =	vadd.s32 v17, v45;
	[tilespmem:v52+s15+$0x0] =	vst.idx.msk $0xffff, v2;
	v2 =	vld [tilespmem:s28+$0xFFFFFF20]  }
0x221: {  	[tilespmem:v10+s15+$0x0] =	vst.idx.msk $0xffff, v4;
	v7 =	vadd.s32 v55, v36;
	v0 =	vld [tilespmem:s20+$0xFFFFFFF0]  }
0x222: {  	[tilespmem:v48+s15+$0x0] =	vst.idx.msk $0xffff, v8;
	v1 =	vadd.s32 v56, v37;
	v56 =	vadd.s32 v24, v35;
	v4 =	vld [tilespmem:s20+$0xFFFFFC80]  }
0x223: {  	[tilespmem:v5+s15+$0x0] =	vst.idx.msk $0xffff, v43;
	v8 =	vld [tilespmem:s28+$0xFFFFFFD0]  }
0x224: {  	[tilespmem:v44+s15+$0x0] =	vst.idx.msk $0xffff, v6;
	v44 =	vld [tilespmem:s28+$0xFFFFFE20]  }
0x225: {  	v11 =	vadd.s32 s25, v21;
	[tilespmem:v51+s15+$0x0] =	vst.idx.msk $0xffff, v53;
	v43 =	vld [tilespmem:s20+$0xFFFFFEC0]  }
0x226: {  	v10 =	vadd.s32 v57, v32;
	v57 =	vld [tilespmem:s28+$0xFFFFFEA0];
	[tilespmem:v7+s15+$0x0] =	vst.idx.msk $0xffff, v9  }
0x227: {  	[tilespmem:v56+s15+$0x0] =	vst.idx.msk $0xffff, v2;
	v56 =	vadd.s32 v16, v34;
	v51 =	vld [tilespmem:s20+$0xFFFFFE00]  }
0x228: {  	[tilespmem:v1+s15+$0x0] =	vst.idx.msk $0xffff, v0;
	v0 =	vadd.s32 v16, v33;
	v5 =	vld [tilespmem:s28+$0xFFFFFF60]  }
0x229: {  	v62 =	vadd.s32 v20, v39;
	v48 =	vld [tilespmem:s28+$0xFFFFFDA0]  }
0x22a: {  	v55 =	vadd.s32 v55, v37;
	[tilespmem:v11+s15+$0x0] =	vst.idx.msk $0xffff, v4;
	v1 =	vld [tilespmem:s20+$0xFFFFFFC0]  }
0x22b: {  	[tilespmem:v10+s15+$0x0] =	vst.idx.msk $0xffff, v3;
	v4 =	vld [tilespmem:s28+$0xFFFFFC50]  }
0x22c: {  	s24 =	smov.u32 s30;
	v3 =	vld [tilespmem:s28+$0xFFFFFD60];
	[tilespmem:v56+s15+$0x0] =	vst.idx.msk $0xffff, v54  }
0x22d: {  	[tilespmem:v0+s15+$0x0] =	vst.idx.msk $0xffff, v43;
	v43 =	vadd.s32 s24, v12;
	v2 =	vld [tilespmem:s20+$0xFFFFFD00]  }
0x22e: {  	v7 =	vadd.s32 v14, v34;
	[tilespmem:v62+s15+$0x0] =	vst.idx.msk $0xffff, v57;
	v62 =	vld [tilespmem:$0x1FED0]  }
0x22f: {  	v38 =	vadd.s32 v30, v47;
	v32 =	vmov v47;
	v57 =	vadd.s32 v29, v35;
	[tilespmem:v55+s15+$0x0] =	vst.idx.msk $0xffff, v1;
	v47 =	vld [tilespmem:s20+$0xFFFFFF00]  }
0x230: {  	s26 =	sadd.s32 $0x8, s26;
	v1 =	vadd.s32 v29, v32;
	[tilespmem:v46+s15+$0x0] =	vst.idx.msk $0xffff, v4;
	v52 =	vld [tilespmem:s20+$0x0]  }
0x231: {  	p0 =	slt.u32 s26, $0x38;
	v50 =	vadd.s32 v20, v45;
	[tilespmem:v49+s15+$0x0] =	vst.idx.msk $0xffff, v8;
	v49 =	vld [tilespmem:s28+$0xFFFFFCA0]  }
.Ltmp5:
0x232: {  	v46 =	vld [tilespmem:s28+$0xFFFFFEE0];
	[tilespmem:v43+s15+$0x0] =	vst.idx.msk $0xffff, v44;
	(pc) =	sbr.rel @p0 .LBB2_11-.Ltmp5, $4  }
0x233: {  	v42 =	vadd.s32 v63, v41;
	v53 =	vadd.s32 s29, v12;
	v34 =	vmov v45;
	v43 =	vld [tilespmem:s28+$0xFFFFFFA0];
	[tilespmem:v7+s15+$0x0] =	vst.idx.msk $0xffff, v2  }
0x234: {  	v45 =	vadd.s32 v14, v33;
	v56 =	vadd.s32 v15, v36;
	v36 =	vmov v41;
	[tilespmem:v57+s15+$0x0] =	vst.idx.msk $0xffff, v5;
	v54 =	vld [tilespmem:s28+$0xFFFFFE60]  }
0x235: {  	v55 =	vadd.s32 v15, v37;
	v37 =	vmov v40;
	v40 =	vadd.s32 v30, v35;
	s20 =	smov.u32 s28;
	[tilespmem:v1+s15+$0x0] =	vst.idx.msk $0xffff, v3;
	v41 =	vld [tilespmem:s28+$0xFFFFFF30]  }
0x236: {  	s25 =	smov.u32 s29;
	s29 =	sadd.s32 $0x10, s29;
	v33 =	vmovc v39;
	v57 =	vadd.s32 s24, v25;
	[tilespmem:v50+s15+$0x0] =	vst.idx.msk $0xffff, v49;
	v39 =	vld [tilespmem:s20+$0xFFFFFD30];
	v49 =	vadd.s32 v60, v36;
	v50 =	vadd.s32 s24, v61;
	s28 =	sadd.s32 $0x400, s28  }
0x237: {  	_ =	sdelay $0x3  }
0x238: {  	[tilespmem:v56+s15+$0x0] =	vst.idx.msk $0xffff, v51  }
0x239: {  	[tilespmem:v55+s15+$0x0] =	vst.idx.msk $0xffff, v52  }
0x23a: {  	[tilespmem:v45+s15+$0x0] =	vst.idx.msk $0xffff, v47  }
0x23b: {  	[tilespmem:v57+s15+$0x0] =	vst.idx.msk $0xffff, v54  }
0x23c: {  	v29 =	vld [tilespmem:$0x1FF70]  }
0x23d: {  	v0 =	vld [tilespmem:s20+$0xFFFFFE30];
	_ =	sdelay $0x2  }
0x23e: {  	v1 =	vld [tilespmem:s20+$0xFFFFFC20];
	[tilespmem:v40+s15+$0x0] =	vst.idx.msk $0xffff, v41  }
0x23f: {  	[tilespmem:v38+s15+$0x0] =	vst.idx.msk $0xffff, v39;
	v2 =	vadd.s32 v29, v33  }
0x240: {  	v4 =	vld [tilespmem:s20+$0xFFFFFCE0];
	v3 =	vadd.s32 v29, v34;
	[tilespmem:v50+s15+$0x0] =	vst.idx.msk $0xffff, v0  }
0x241: {  	v26 =	vld [tilespmem:$0x1FF80]  }
0x242: {  	[tilespmem:v42+s15+$0x0] =	vst.idx.msk $0xffff, v48  }
0x243: {  	[tilespmem:v53+s15+$0x0] =	vst.idx.msk $0xffff, v1  }
0x244: {  	[tilespmem:v2+s15+$0x0] =	vst.idx.msk $0xffff, v46  }
0x245: {  	v0 =	vld [tilespmem:s20+$0xFFFFFE70];
	[tilespmem:v3+s15+$0x0] =	vst.idx.msk $0xffff, v4  }
0x246: {  	v5 =	vadd.s32 s24, v26;
	v23 =	vld [tilespmem:$0x1FFB0]  }
0x247: {  	v6 =	vadd.s32 v63, v37  }
0x248: {  	v1 =	vld [tilespmem:s20+$0xFFFFFDE0]  }
0x249: {  	v7 =	vadd.s32 v31, v35;
	v2 =	vld [tilespmem:s20+$0xFFFFFF70]  }
0x24a: {  	v8 =	vld [tilespmem:s20+$0xFFFFFC60];
	v3 =	vadd.s32 s25, v25  }
0x24b: {  	v4 =	vld [tilespmem:s20+$0xFFFFFCB0];
	v9 =	vadd.s32 v23, v34;
	[tilespmem:v5+s15+$0x0] =	vst.idx.msk $0xffff, v0  }
0x24c: {  	v22 =	vld [tilespmem:$0x1FF90];
	[tilespmem:v6+s15+$0x0] =	vst.idx.msk $0xffff, v43  }
0x24d: {  	[tilespmem:v49+s15+$0x0] =	vst.idx.msk $0xffff, v1  }
0x24e: {  	v28 =	vld [tilespmem:$0x1FF10];
	[tilespmem:v7+s15+$0x0] =	vst.idx.msk $0xffff, v2  }
0x24f: {  	[tilespmem:v3+s15+$0x0] =	vst.idx.msk $0xffff, v8  }
0x250: {  	v1 =	vld [tilespmem:s20+$0xFFFFFFE0];
	[tilespmem:v9+s15+$0x0] =	vst.idx.msk $0xffff, v4  }
0x251: {  	v56 =	vadd.s32 v60, v37;
	v39 =	vld [tilespmem:$0x1FFA0]  }
0x252: {  	v0 =	vld [tilespmem:s20+$0xFFFFFE40];
	v55 =	vadd.s32 s24, v22  }
0x253: {  	v3 =	vadd.s32 v13, v35;
	v2 =	vld [tilespmem:s20+$0xFFFFFF40]  }
0x254: {  	v43 =	vadd.s32 s25, v61;
	v42 =	vld [tilespmem:s20+$0xFFFFFC30]  }
0x255: {  	v57 =	vld [tilespmem:s20+$0xFFFFFDB0];
	v10 =	vadd.s32 v28, v36  }
0x256: {  	v8 =	vld [tilespmem:s20+$0xFFFFFCF0];
	[tilespmem:v56+s15+$0x0] =	vst.idx.msk $0xffff, v1;
	v9 =	vadd.s32 v39, v34  }
0x257: {  	v45 =	vadd.s32 v23, v33;
	[tilespmem:v55+s15+$0x0] =	vst.idx.msk $0xffff, v0;
	v0 =	vld [tilespmem:s20+$0xFFFFFEB0]  }
0x258: {  	[tilespmem:v3+s15+$0x0] =	vst.idx.msk $0xffff, v2  }
0x259: {  	[tilespmem:v43+s15+$0x0] =	vst.idx.msk $0xffff, v42  }
0x25a: {  	[tilespmem:v10+s15+$0x0] =	vst.idx.msk $0xffff, v57  }
0x25b: {  	v18 =	vld [tilespmem:$0x1FF30];
	[tilespmem:v9+s15+$0x0] =	vst.idx.msk $0xffff, v8  }
0x25c: {  	v1 =	vld [tilespmem:s20+$0xFFFFFFB0];
	[tilespmem:v45+s15+$0x0] =	vst.idx.msk $0xffff, v0  }
0x25d: {  	v46 =	vadd.s32 v28, v37;
	v19 =	vld [tilespmem:$0x1FF40]  }
0x25e: {  	v47 =	vadd.s32 v31, v32;
	v10 =	vld [tilespmem:s20+$0xFFFFFD70]  }
0x25f: {  	v48 =	vadd.s32 s25, v26;
	v4 =	vld [tilespmem:s20+$0xFFFFFC70]  }
0x260: {  	v2 =	vld [tilespmem:s20+$0xFFFFFF80];
	v3 =	vadd.s32 v18, v35  }
0x261: {  	v8 =	vld [tilespmem:s20+$0xFFFFFE80];
	v0 =	vadd.s32 s24, v21  }
0x262: {  	v49 =	vld [tilespmem:s20+$0xFFFFFDF0];
	[tilespmem:v46+s15+$0x0] =	vst.idx.msk $0xffff, v1;
	v9 =	vadd.s32 v19, v36  }
0x263: {  	[tilespmem:v47+s15+$0x0] =	vst.idx.msk $0xffff, v10  }
0x264: {  	v10 =	vld [tilespmem:s20+$0xFFFFFEF0];
	[tilespmem:v48+s15+$0x0] =	vst.idx.msk $0xffff, v4  }
0x265: {  	v1 =	vld [tilespmem:s20+$0xFFFFFFF0];
	[tilespmem:v3+s15+$0x0] =	vst.idx.msk $0xffff, v2;
	v2 =	vadd.s32 v39, v33  }
0x266: {  	v51 =	vadd.s32 v13, v32;
	[tilespmem:v0+s15+$0x0] =	vst.idx.msk $0xffff, v8;
	v3 =	vld [tilespmem:s20+$0xFFFFFD40]  }
0x267: {  	v52 =	vadd.s32 s25, v22;
	v0 =	vld [tilespmem:s20+$0xFFFFFC40];
	[tilespmem:v9+s15+$0x0] =	vst.idx.msk $0xffff, v49  }
0x268: {  	v44 =	vmov v20;
	v50 =	vadd.s32 v19, v37;
	v20 =	vld [tilespmem:$0x1FF50];
	_ =	sdelay $0x1  }
0x269: {  	v53 =	vadd.s32 v16, v34;
	v8 =	vld [tilespmem:s20+$0xFFFFFCC0];
	[tilespmem:v2+s15+$0x0] =	vst.idx.msk $0xffff, v10  }
0x26a: {  	v55 =	vadd.s32 v16, v33;
	[tilespmem:v51+s15+$0x0] =	vst.idx.msk $0xffff, v3;
	v3 =	vld [tilespmem:s20+$0xFFFFFEC0]  }
0x26b: {  	v56 =	vadd.s32 v18, v32;
	[tilespmem:v52+s15+$0x0] =	vst.idx.msk $0xffff, v0;
	v0 =	vld [tilespmem:s20+$0xFFFFFD80]  }
0x26c: {  	v9 =	vld [tilespmem:s20+$0xFFFFFDC0];
	[tilespmem:v50+s15+$0x0] =	vst.idx.msk $0xffff, v1;
	v54 =	vadd.s32 v20, v36  }
0x26d: {  	v1 =	vld [tilespmem:s20+$0xFFFFFFC0];
	v2 =	vadd.s32 v20, v37  }
0x26e: {  	[tilespmem:v53+s15+$0x0] =	vst.idx.msk $0xffff, v8  }
0x26f: {  	v10 =	vadd.s32 s25, v21;
	v7 =	vld [tilespmem:s20+$0xFFFFFC80];
	[tilespmem:v55+s15+$0x0] =	vst.idx.msk $0xffff, v3  }
0x270: {  	v8 =	vadd.s32 v14, v34;
	v5 =	vld [tilespmem:s20+$0xFFFFFD00];
	[tilespmem:v56+s15+$0x0] =	vst.idx.msk $0xffff, v0  }
0x271: {  	v57 =	vadd.s32 v14, v33;
	v0 =	vld [tilespmem:s20+$0xFFFFFF00];
	[tilespmem:v54+s15+$0x0] =	vst.idx.msk $0xffff, v9  }
0x272: {  	[tilespmem:v2+s15+$0x0] =	vst.idx.msk $0xffff, v1;
	v1 =	vadd.s32 v15, v36;
	v9 =	vld [tilespmem:s20+$0xFFFFFE00]  }
0x273: {  	v3 =	vadd.s32 v15, v37;
	v2 =	vld [tilespmem:s20+$0x0]  }
0x274: {  	[tilespmem:v10+s15+$0x0] =	vst.idx.msk $0xffff, v7  }
0x275: {  	s0 =	sshll.u32 s21, $0x11;
	[tilespmem:v8+s15+$0x0] =	vst.idx.msk $0xffff, v5  }
0x276: {  	s0 =	sadd.s32 s2, s0;
	[tilespmem:v57+s15+$0x0] =	vst.idx.msk $0xffff, v0  }
0x277: {  	s0 =	sadd.s32 s22, s0;
	[tilespmem:v1+s15+$0x0] =	vst.idx.msk $0xffff, v9  }
0x278: {  	s3 =	simm.s32 $0x6A00;
	s0 =	sadd.s32 s23, s0;
	[tilespmem:v3+s15+$0x0] =	vst.idx.msk $0xffff, v2  }
0x279: {  	[hbm4b:s0+s4] =	stream.linear.scatter [tilespmem:s3], [sflag:$0x3], $0x80, $0x38;
	[tilespmem:$0x8C00] =	vst v63  }
0x27a: {  	s30 =	simm.s32 $0x6A88;
	s31 =	sadd.s32 $0x10, s0  }
0x27b: {  	[hbm4b:s31+s4] =	stream.linear.scatter [tilespmem:s30], [sflag:$0x3], $0x80, $0x38;
	[tilespmem:$0x8C00] =	vst v63  }
0x27c: {  	s21 =	simm.s32 $0x6B10;
	s28 =	simm.s32 $0x6CA8;
	s22 =	sadd.s32 $0x20, s0  }
0x27d: {  	[hbm4b:s22+s4] =	stream.linear.scatter [tilespmem:s21], [sflag:$0x3], $0x80, $0x38;
	[tilespmem:$0x8C00] =	vst v63  }
0x27e: {  	s23 =	simm.s32 $0x6B98;
	s26 =	sadd.s32 $0x40, s0;
	s24 =	sadd.s32 $0x30, s0  }
0x27f: {  	[hbm4b:s24+s4] =	stream.linear.scatter [tilespmem:s23], [sflag:$0x3], $0x80, $0x38;
	[tilespmem:$0x8C00] =	vst v63  }
0x280: {  	s29 =	sadd.s32 $0x50, s0;
	s25 =	simm.s32 $0x6C20;
	s20 =	simm.s32 $0x440  }
0x281: {  	[hbm4b:s26+s4] =	stream.linear.scatter [tilespmem:s25], [sflag:$0x3], $0x80, $0x38;
	[tilespmem:$0x8C00] =	vst v63  }
0x282: {  	s30 =	simm.s32 $0x6D30;
	s31 =	sadd.s32 $0x60, s0;
	s22 =	simm.s32 $0x2200  }
0x283: {  	[hbm4b:s29+s4] =	stream.linear.scatter [tilespmem:s28], [sflag:$0x3], $0x80, $0x38;
	[tilespmem:$0x8C00] =	vst v63  }
0x284: {  	v12 =	vmovc v16;
	v32 =	vmovc v21;
	v21 =	vmov v29;
	v10 =	vmov v20;
	v20 =	vmov v25;
	s21 =	sadd.s32 $0x4000, s0;
	s23 =	simm.s32 $0x6DB8;
	s24 =	sadd.s32 $0x70, s0  }
0x285: {  	v25 =	vmovc v23;
	v23 =	vmovc v39;
	v0 =	vmov v18;
	v18 =	vmov v28;
	v1 =	vmov v19;
	[hbm4b:s31+s4] =	stream.linear.scatter [tilespmem:s30], [sflag:$0x3], $0x80, $0x38;
	[tilespmem:$0x8C00] =	vst v63  }
.LBB2_13:
0x286: {  	[hbm4b:s24+s4] =	stream.linear.scatter [tilespmem:s23], [sflag:$0x3], $0x80, $0x38;
	[tilespmem:$0x8C00] =	vst v63  }
0x287: {  	s0 =	smov.u32 s20;
	s3 =	smov.u32 s22  }
0x288: {  	s20 =	sshra.s32 s3, $0x2;
	s3 =	sadd.s32 $0x1100, s22;
	s23 =	sadd.s32 $0x6A00, s0  }
0x289: {  	[hbm4b:s21+s4] =	stream.linear.scatter [tilespmem:s23], [sflag:$0x3], $0x80, $0x38;
	[tilespmem:$0x8C00] =	vst v63  }
0x28a: {  	p0 =	sne.s32 s22, $0x7700;
	s22 =	sadd.s32 $0x6A88, s0;
	s23 =	sadd.s32 $0x10, s21  }
0x28b: {  	[hbm4b:s23+s4] =	stream.linear.scatter [tilespmem:s22], [sflag:$0x3], $0x80, $0x38;
	[tilespmem:$0x8C00] =	vst v63  }
0x28c: {  	s22 =	sadd.s32 $0x6B10, s0;
	s23 =	sadd.s32 $0x20, s21  }
0x28d: {  	[hbm4b:s23+s4] =	stream.linear.scatter [tilespmem:s22], [sflag:$0x3], $0x80, $0x38;
	[tilespmem:$0x8C00] =	vst v63  }
0x28e: {  	s22 =	sadd.s32 $0x6B98, s0;
	s23 =	sadd.s32 $0x30, s21  }
0x28f: {  	[hbm4b:s23+s4] =	stream.linear.scatter [tilespmem:s22], [sflag:$0x3], $0x80, $0x38;
	[tilespmem:$0x8C00] =	vst v63  }
0x290: {  	s22 =	sadd.s32 $0x6C20, s0;
	s23 =	sadd.s32 $0x40, s21  }
0x291: {  	[hbm4b:s23+s4] =	stream.linear.scatter [tilespmem:s22], [sflag:$0x3], $0x80, $0x38;
	[tilespmem:$0x8C00] =	vst v63  }
.Ltmp6:
0x292: {  	s22 =	sadd.s32 $0x6CA8, s0;
	s23 =	sadd.s32 $0x50, s21;
	(pc) =	sbr.rel @p0 .LBB2_13-.Ltmp6, $4  }
0x293: {  	[hbm4b:s23+s4] =	stream.linear.scatter [tilespmem:s22], [sflag:$0x3], $0x80, $0x38;
	[tilespmem:$0x8C00] =	vst v63  }
0x294: {  	s24 =	sadd.s32 $0x70, s21;
	s22 =	sadd.s32 $0x6D30, s0;
	s23 =	sadd.s32 $0x60, s21  }
0x295: {  	[hbm4b:s23+s4] =	stream.linear.scatter [tilespmem:s22], [sflag:$0x3], $0x80, $0x38;
	[tilespmem:$0x8C00] =	vst v63  }
0x296: {  	s21 =	sadd.s32 $0x4000, s21;
	s23 =	sadd.s32 $0x6DB8, s0;
	s22 =	smov.u32 s3  }
0x297: {  	[hbm4b:s24+s4] =	stream.linear.scatter [tilespmem:s23], [sflag:$0x3], $0x80, $0x38;
	[tilespmem:$0x8C00] =	vst v63  }
0x298: {  	s0 =	sadd.s32 $0x6A00, s20  }
0x299: {  	[hbm4b:s21+s4] =	stream.linear.scatter [tilespmem:s0], [sflag:$0x3], $0x80, $0x38;
	[tilespmem:$0x8C00] =	vst v63  }
0x29a: {  	s29 =	sadd.s32 $0x6A88, s20;
	s3 =	sadd.s32 $0x10, s21  }
0x29b: {  	[hbm4b:s3+s4] =	stream.linear.scatter [tilespmem:s29], [sflag:$0x3], $0x80, $0x38;
	[tilespmem:$0x8C00] =	vst v63  }
0x29c: {  	s30 =	sadd.s32 $0x6B10, s20;
	s31 =	sadd.s32 $0x20, s21  }
0x29d: {  	[hbm4b:s31+s4] =	stream.linear.scatter [tilespmem:s30], [sflag:$0x3], $0x80, $0x38;
	[tilespmem:$0x8C00] =	vst v63  }
0x29e: {  	s22 =	sadd.s32 $0x30, s21;
	s3 =	sadd.s32 $0x6B98, s20  }
0x29f: {  	[hbm4b:s22+s4] =	stream.linear.scatter [tilespmem:s3], [sflag:$0x3], $0x80, $0x38;
	[tilespmem:$0x8C00] =	vst v63  }
0x2a0: {  	s23 =	sadd.s32 $0x6C20, s20;
	s24 =	sadd.s32 $0x40, s21;
	s19 =	sadd.s32 $0x1, s19  }
0x2a1: {  	[hbm4b:s24+s4] =	stream.linear.scatter [tilespmem:s23], [sflag:$0x3], $0x80, $0x38;
	[tilespmem:$0x8C00] =	vst v63  }
0x2a2: {  	s25 =	sadd.s32 $0x6CA8, s20;
	s26 =	sadd.s32 $0x50, s21;
	p0 =	sne.s32 s19, $0x190  }
0x2a3: {  	[hbm4b:s26+s4] =	stream.linear.scatter [tilespmem:s25], [sflag:$0x3], $0x80, $0x38;
	[tilespmem:$0x8C00] =	vst v63  }
.Ltmp7:
0x2a4: {  	_ = 	snop;
	(pc) =	sbr.rel @p0 .LBB2_2-.Ltmp7, $4  }
.Ltmp8:
0x2a5: {  	s28 =	sadd.s32 $0x6D30, s20;
	s29 =	sadd.s32 $0x60, s21;
	(pc) =	sbr.rel @!p0 .LBB2_15-.Ltmp8, $4  }
0x2a6: {  	[hbm4b:s29+s4] =	stream.linear.scatter [tilespmem:s28], [sflag:$0x3], $0x80, $0x38;
	[tilespmem:$0x8C00] =	vst v63  }
0x2a7: {  	s30 =	sadd.s32 $0x6DB8, s20;
	s31 =	sadd.s32 $0x70, s21  }
0x2a8: {  	v5 =	vmov v44;
	v6 =	vmov v32;
	v9 =	vmov v12;
	[hbm4b:s31+s4] =	stream.linear.scatter [tilespmem:s30], [sflag:$0x3], $0x80, $0x38;
	[tilespmem:$0x8C00] =	vst v63  }
0x2a9: {  	_ = 	snop  }
.LBB2_8:
.Ltmp9:
0x2aa: {  	(pc) =	sbr.rel @p1 .LBB2_10-.Ltmp9, $4  }
.Ltmp10:
0x2ab: {  	(pc) =	sbr.rel @!p1 .LBB2_9-.Ltmp10, $4  }
0x2ac: {  	_ = 	snop  }
0x2ad: {  	v11 =	vmov v40;
	v25 =	vmov v38  }
0x2ae: {  	v21 =	vmovc v32;
	v22 =	vmovc v41;
	v28 =	vmov v42;
	v12 =	vmov v43;
	v16 =	vmov v44;
	v23 =	vld [tilespmem:$0x1FE70]  }
0x2af: {  	_ = 	snop  }
.LBB2_16:
0x2b0: {  	_ =	sfence.sel $0x180000  }
0x2b1: {  	[bflag:$0x0] =	sbarrier.arrive $0xFFFF  }
0x2b2: {  	_ =	strace $0x90000047  }
0x2b3: {  	s0 =	stileid.u32;
	[bflag:$0x2] =	sbarrier.arrive $0xFFFF  }
0x2b4: {  	p0 =	sne.s32 s0, $0x0;
	s0 =	rddreg [dreg:$0x3]  }
0x2b5: {  	s0 =	sadd.s32 @!p0 $0x100000, s0  }
0x2b6: {  	[sflag:s0] =	ssyncadd.tile.s32 @!p0 $0x1;
	_ =	shalt  }
.Lfunc_end2:
_tile_overlayer_lowered:
.L_overlay_start_2:
0x2b7: {  	(tag) =	ssettag $0x2  }
0x2b8: {  	s0 =	rddreg [dreg:$0x0];
	s2 =	stileid.u32  }
0x2b9: {  	s1 =	rddreg [dreg:$0x1];
	p0 =	sne.s32 s2, $0x0  }
0x2ba: {  	s3 =	rddreg [dreg:$0x2];
	[bflag:$0x3] =	sbarrier.arrive $0xFFFF;
	s2 =	simm.s32 @!p0 $0x1C05  }
0x2bb: {  	[timem:s3], [sflag:s2] =	dma.local @!p0 [hbm:s0], s1  }
0x2bc: {  	s0 =	simm.s32 @!p0 $0x5  }
0x2bd: {  	_ =	swait.ge @!p0 [sflag:s0], s1  }
0x2be: {  	s1 =	ssub.s32 @!p0 $0x0, s1;
	[sflag:s0] =	ssyncset.done @!p0 $0x0  }
0x2bf: {  	[sflag:s0] =	ssyncadd.s32 @!p0 s1  }
0x2c0: {  	[bflag:$0x3] =	sbarrier.arrive $0xFFFF  }
0x2c1: {  	_ =	shalt  }

</sc_bundles>
